<compile_context>
chip_gen: v7x
topology: tpu7x:2x2x1
jax: 0.10.2.dev20260603
libtpu: 0.0.44.dev20260713+nightly
codegen_flags: <defaults>
</compile_context>

<pallas_src>
import functools

import jax
import jax.numpy as jnp
from jax import lax
from jax.experimental import pallas as pl
from jax.experimental.pallas import tpu as pltpu
from jax.experimental.pallas import tpu_sc as plsc

N = 10000
NPAD = 10240
D = 128
NCORE = 2
SUB = 16
NW = NCORE * SUB
CHUNK = 125
ROWS_PER_SUB = NPAD // SUB
BR = 1000


def _sc_mesh():
    return plsc.VectorSubcoreMesh(core_axis_name="c", subcore_axis_name="s")


def _deg(dst3, ones1, zeros1):
    nchunk = dst3.shape[1]

    @functools.partial(
        pl.kernel,
        out_type=jax.ShapeDtypeStruct((NCORE * NPAD,), jnp.float32),
        mesh=_sc_mesh(),
        scratch_types=[
            pltpu.VMEM((nchunk, CHUNK), jnp.int32),
            pltpu.VMEM((CHUNK,), jnp.float32),
            pltpu.VMEM_SHARED((NPAD,), jnp.float32),
            pltpu.SemaphoreType.DMA,
            pltpu.SemaphoreType.DMA,
            pltpu.SemaphoreType.DMA,
            pltpu.SemaphoreType.DMA,
        ],
    )
    def deg_kernel(dst_hbm, ones_hbm, z_hbm, out_hbm, dst_v, ones_v, acc,
                   q0, q1, q2, q3):
        cid = lax.axis_index("c")
        sid = lax.axis_index("s")
        wid = cid * SUB + sid
        qsem = (q0, q1, q2, q3)
        pltpu.sync_copy(dst_hbm.at[wid], dst_v)
        pltpu.sync_copy(ones_hbm, ones_v)
        pltpu.sync_copy(z_hbm, acc.at[pl.ds(sid * ROWS_PER_SUB, ROWS_PER_SUB)])
        plsc.subcore_barrier()

        @pl.loop(0, nchunk, step=4)
        def _(j):
            for b in range(4):
                jj = j + b

                @pl.when(jj >= 4)
                def _():
                    pltpu.make_async_copy(ones_v, acc.at[dst_v.at[jj - 4]], qsem[b]).wait()

                pltpu.async_copy(ones_v, acc.at[dst_v.at[jj]], qsem[b], add=True)

        for b in range(4):
            pltpu.make_async_copy(ones_v, acc.at[dst_v.at[nchunk - 4 + b]], qsem[b]).wait()
        plsc.subcore_barrier()
        pltpu.sync_copy(
            acc.at[pl.ds(sid * ROWS_PER_SUB, ROWS_PER_SUB)],
            out_hbm.at[pl.ds(cid * NPAD + sid * ROWS_PER_SUB, ROWS_PER_SUB)],
        )

    return deg_kernel(dst3, ones1, zeros1)


def _agg(g, idx3, zeros128):
    nchunk = idx3.shape[0] // NW

    @functools.partial(
        pl.kernel,
        out_type=jax.ShapeDtypeStruct((NCORE * NPAD, D), jnp.float32),
        mesh=_sc_mesh(),
        scratch_types=[
            pltpu.VMEM((2, CHUNK), jnp.int32),
            pltpu.VMEM((2, CHUNK), jnp.int32),
            pltpu.VMEM((2, CHUNK), jnp.int32),
            pltpu.VMEM((2, CHUNK), jnp.int32),
            pltpu.VMEM((CHUNK, D), jnp.float32),
            pltpu.VMEM((CHUNK, D), jnp.float32),
            pltpu.VMEM_SHARED((NPAD, D), jnp.float32),
            pltpu.SemaphoreType.DMA,
            pltpu.SemaphoreType.DMA,
            pltpu.SemaphoreType.DMA,
            pltpu.SemaphoreType.DMA,
            pltpu.SemaphoreType.DMA,
            pltpu.SemaphoreType.DMA,
            pltpu.SemaphoreType.DMA,
            pltpu.SemaphoreType.DMA,
        ],
    )
    def agg_kernel(g_hbm, idx_hbm, z_hbm, out_hbm,
                   i0, i1, i2, i3, r0, r1, acc,
                   si0, si1, si2, si3, sg0, sg1, sc0, sc1):
        cid = lax.axis_index("c")
        sid = lax.axis_index("s")
        wid = cid * SUB + sid
        base = wid * nchunk
        ibuf, rbuf = (i0, i1, i2, i3), (r0, r1)
        isem, gsem, csem = (si0, si1, si2, si3), (sg0, sg1), (sc0, sc1)

        pltpu.async_copy(idx_hbm.at[base], i0, si0)
        pltpu.sync_copy(z_hbm, acc.at[pl.ds(sid * ROWS_PER_SUB, ROWS_PER_SUB)])
        pltpu.make_async_copy(idx_hbm.at[base], i0, si0).wait()
        pltpu.async_copy(g_hbm.at[i0.at[0]], r0, sg0)
        pltpu.async_copy(idx_hbm.at[base + 1], i1, si1)
        plsc.subcore_barrier()

        @pl.loop(0, nchunk, step=4)
        def _(j):
            for b in range(4):
                jj = j + b
                rb = b % 2
                ro = 1 - rb

                @pl.when(jj >= 1)
                def _():
                    pltpu.make_async_copy(rbuf[ro], acc.at[ibuf[(b + 3) % 4].at[1]],
                                          csem[ro]).wait()

                @pl.when(jj + 1 < nchunk)
                def _():
                    pltpu.make_async_copy(idx_hbm.at[base + jj + 1], ibuf[(b + 1) % 4],
                                          isem[(b + 1) % 4]).wait()
                    pltpu.async_copy(g_hbm.at[ibuf[(b + 1) % 4].at[0]], rbuf[ro], gsem[ro])

                @pl.when(jj + 2 < nchunk)
                def _():
                    pltpu.async_copy(idx_hbm.at[base + jj + 2], ibuf[(b + 2) % 4],
                                     isem[(b + 2) % 4])

                pltpu.make_async_copy(g_hbm.at[ibuf[b].at[0]], rbuf[rb], gsem[rb]).wait()
                pltpu.async_copy(rbuf[rb], acc.at[ibuf[b].at[1]], csem[rb], add=True)

        pltpu.make_async_copy(rbuf[(nchunk - 1) % 2], acc.at[ibuf[(nchunk - 1) % 4].at[1]],
                              csem[(nchunk - 1) % 2]).wait()
        plsc.subcore_barrier()
        pltpu.sync_copy(
            acc.at[pl.ds(sid * ROWS_PER_SUB, ROWS_PER_SUB)],
            out_hbm.at[pl.ds(cid * NPAD + sid * ROWS_PER_SUB, ROWS_PER_SUB)],
        )

    return agg_kernel(g, idx3, zeros128)


def _dinv_block(dp_ref):
    deg = dp_ref[0] + dp_ref[1]
    return lax.rsqrt(jnp.maximum(deg, 1.0))


def _tc_prep(degp, x, w0):
    def body(dp_ref, x_ref, w_ref, o_ref):
        d = _dinv_block(dp_ref)
        ht = jnp.dot(x_ref[...], w_ref[...], preferred_element_type=jnp.float32)
        o_ref[...] = ht * d

    return pl.pallas_call(
        body,
        grid=(N // BR,),
        in_specs=[
            pl.BlockSpec((2, BR, 1), lambda i: (0, i, 0)),
            pl.BlockSpec((BR, D), lambda i: (i, 0)),
            pl.BlockSpec((D, D), lambda i: (0, 0)),
        ],
        out_specs=pl.BlockSpec((BR, D), lambda i: (i, 0)),
        out_shape=jax.ShapeDtypeStruct((N, D), jnp.float32),
    )(degp, x, w0)


def _tc_mid(p2, degp, b0, w1):
    def body(p_ref, dp_ref, b_ref, w_ref, o_ref):
        d = _dinv_block(dp_ref)
        s = p_ref[0] + p_ref[1]
        h = jnp.tanh(s * d + b_ref[...])
        o_ref[...] = jnp.dot(h, w_ref[...], preferred_element_type=jnp.float32) * d

    return pl.pallas_call(
        body,
        grid=(N // BR,),
        in_specs=[
            pl.BlockSpec((2, BR, D), lambda i: (0, i, 0)),
            pl.BlockSpec((2, BR, 1), lambda i: (0, i, 0)),
            pl.BlockSpec((1, D), lambda i: (0, 0)),
            pl.BlockSpec((D, D), lambda i: (0, 0)),
        ],
        out_specs=pl.BlockSpec((BR, D), lambda i: (i, 0)),
        out_shape=jax.ShapeDtypeStruct((N, D), jnp.float32),
    )(p2, degp, b0, w1)


def _tc_fin(p2, degp, b1):
    def body(p_ref, dp_ref, b_ref, o_ref):
        d = _dinv_block(dp_ref)
        s = p_ref[0] + p_ref[1]
        o_ref[...] = jnp.tanh(s * d + b_ref[...])

    return pl.pallas_call(
        body,
        grid=(N // BR,),
        in_specs=[
            pl.BlockSpec((2, BR, D), lambda i: (0, i, 0)),
            pl.BlockSpec((2, BR, 1), lambda i: (0, i, 0)),
            pl.BlockSpec((1, D), lambda i: (0, 0)),
        ],
        out_specs=pl.BlockSpec((BR, D), lambda i: (i, 0)),
        out_shape=jax.ShapeDtypeStruct((N, D), jnp.float32),
    )(p2, degp, b1)


def kernel(x, edge_index_all, W0, b0, W1, b1):
    idx3 = jnp.concatenate(
        [edge_index_all[0].reshape(-1, 1, CHUNK),
         edge_index_all[1].reshape(-1, 1, CHUNK)], axis=1)
    dst3 = edge_index_all[1].reshape(NW, -1, CHUNK)
    zeros128 = jnp.zeros((ROWS_PER_SUB, D), jnp.float32)
    zeros1 = jnp.zeros((ROWS_PER_SUB,), jnp.float32)
    ones1 = jnp.ones((CHUNK,), jnp.float32)
    degp = _deg(dst3, ones1, zeros1).reshape(NCORE, NPAD, 1)
    g0 = _tc_prep(degp, x, W0)
    p1 = _agg(g0, idx3, zeros128).reshape(NCORE, NPAD, D)
    g1 = _tc_mid(p1, degp, b0.reshape(1, D), W1)
    p2 = _agg(g1, idx3, zeros128).reshape(NCORE, NPAD, D)
    return _tc_fin(p2, degp, b1.reshape(1, D))

# --- scband reference (transcript-rebuilt; emitter-appended) ---
"""Pipeline reference for scband-gcn-encoder-29300266893639 (READ-ONLY COPY).

The authoritative reference and input builder live on the scoring server;
editing this copy changes nothing except your own understanding.
"""

import jax, jax.numpy as jnp
import numpy as np

N = 10000
E = 320000
D = 128
H = 128


def setup_inputs(seed: int = 0) -> dict:
    key = jax.random.key(seed)
    ks = jax.random.split(key, 4)
    x = jax.random.normal(ks[0], (N, D), dtype=jnp.float32)
    edge_index_all = jax.random.randint(ks[1], (2, E), 0, N, dtype=jnp.int32)
    W0 = jax.random.normal(ks[2], (D, H), dtype=jnp.float32) * (1.0 / np.sqrt(D))
    b0 = jnp.zeros((H,), dtype=jnp.float32)
    W1 = jax.random.normal(ks[3], (H, H), dtype=jnp.float32) * (1.0 / np.sqrt(H))
    b1 = jnp.zeros((H,), dtype=jnp.float32)
    return {"x": x, "edge_index_all": edge_index_all, "W0": W0, "b0": b0, "W1": W1, "b1": b1}


def _gcn_layer(h, src, dst, W, b, n_nodes):
    # GCN message passing with symmetric degree normalization, sum aggregation
    deg = jnp.zeros((n_nodes,), dtype=h.dtype).at[dst].add(1.0)
    deg = jnp.clip(deg, 1.0, None)
    dinv = jax.lax.rsqrt(deg)
    ht = h @ W
    norm = (dinv[src] * dinv[dst])[:, None]
    msg = jnp.take(ht, src, axis=0) * norm
    out = jnp.zeros((n_nodes, W.shape[1]), dtype=h.dtype).at[dst].add(msg)
    return out + b


def reference(x, edge_index_all, W0, b0, W1, b1):
    # dropout p=0.0 -> identity; two stacked GCN layers, tanh activations
    src = edge_index_all[0]
    dst = edge_index_all[1]
    n_nodes = x.shape[0]
    h = jnp.tanh(_gcn_layer(x, src, dst, W0, b0, n_nodes))
    h = jnp.tanh(_gcn_layer(h, src, dst, W1, b1, n_nodes))
    return h

if __name__ == "__main__":
    import jax
    _d = setup_inputs()
    print(jax.jit(kernel)(*tuple(_d.values())))

</pallas_src>

<mosaic_0001>
#map = affine_map<(d0, d1) -> (0, 0, 0)>
#map1 = affine_map<(d0, d1) -> (0)>
module attributes {stable_mosaic.version = 14 : i64} {
  func.func @deg_kernel(%arg0: i32, %arg1: i32, %arg2: memref<32x80x125xi32, #tpu.memory_space<hbm>>, %arg3: memref<125xf32, #tpu.memory_space<hbm>>, %arg4: memref<640xf32, #tpu.memory_space<hbm>>, %arg5: memref<20480xf32, #tpu.memory_space<hbm>>, %arg6: memref<80x125xi32, #tpu.memory_space<vmem>>, %arg7: memref<125xf32, #tpu.memory_space<vmem>>, %arg8: memref<10240xf32, #tpu.memory_space<vmem_shared>>, %arg9: memref<!tpu.dma_semaphore, #tpu.memory_space<semaphore_mem>>, %arg10: memref<!tpu.dma_semaphore, #tpu.memory_space<semaphore_mem>>, %arg11: memref<!tpu.dma_semaphore, #tpu.memory_space<semaphore_mem>>, %arg12: memref<!tpu.dma_semaphore, #tpu.memory_space<semaphore_mem>>) attributes {dimension_semantics = [#tpu.dimension_semantics<core_parallel>, #tpu.dimension_semantics<subcore_parallel>], iteration_bounds = array<i64: 2, 16>, scalar_prefetch = 0 : i64, scratch_operands = 7 : i64, tpu.core_type = #tpu.core_type<sc_vector_subcore>, window_params = [{transform_indices = #map}, {transform_indices = #map1}, {transform_indices = #map1}, {transform_indices = #map1}]} {
    %mul3A = arith.constant 16 : i32
    %mul3A_0 = arith.muli %arg0, %mul3A : i32
    %add3A = arith.addi %mul3A_0, %arg1 : i32
    "tpu.region"() ({
      %run_scoped3A = tpu.sem_alloc : memref<!tpu.dma_semaphore, #tpu.memory_space<semaphore_mem>>
      %dma_start3A = arith.constant 0 : i32
      %dma_start3A_38 = arith.constant 0 : i32
      %dma_start3A_39 = tpu.memref_slice %arg2[%add3A, %dma_start3A, %dma_start3A_38] : memref<32x80x125xi32, #tpu.memory_space<hbm>> -> memref<1x80x125xi32, #tpu.memory_space<hbm>>
      %dma_start3A_40 = tpu.memref_squeeze %dma_start3A_39 : memref<1x80x125xi32, #tpu.memory_space<hbm>> -> memref<80x125xi32, #tpu.memory_space<hbm>>
      %dma_start3A_41 = arith.constant 0 : i32
      %dma_start3A_42 = arith.constant 0 : i32
      %dma_start3A_43 = tpu.memref_slice %arg2[%add3A, %dma_start3A_41, %dma_start3A_42] : memref<32x80x125xi32, #tpu.memory_space<hbm>> -> memref<1x80x125xi32, #tpu.memory_space<hbm>>
      %dma_start3A_44 = tpu.memref_squeeze %dma_start3A_43 : memref<1x80x125xi32, #tpu.memory_space<hbm>> -> memref<80x125xi32, #tpu.memory_space<hbm>>
      tpu.enqueue_dma source(%dma_start3A_44 : memref<80x125xi32, #tpu.memory_space<hbm>>) target(%arg6 : memref<80x125xi32, #tpu.memory_space<vmem>>) target_semaphore(%run_scoped3A : memref<!tpu.dma_semaphore, #tpu.memory_space<semaphore_mem>>)
      %dma_wait3A_45 = arith.constant 0 : i32
      %dma_wait3A_46 = arith.constant 0 : i32
      %dma_wait3A_47 = tpu.memref_slice %arg2[%add3A, %dma_wait3A_45, %dma_wait3A_46] : memref<32x80x125xi32, #tpu.memory_space<hbm>> -> memref<1x80x125xi32, #tpu.memory_space<hbm>>
      %dma_wait3A_48 = tpu.memref_squeeze %dma_wait3A_47 : memref<1x80x125xi32, #tpu.memory_space<hbm>> -> memref<80x125xi32, #tpu.memory_space<hbm>>
      %dma_wait3A_49 = arith.constant 0 : i32
      %dma_wait3A_50 = arith.constant 0 : i32
      %dma_wait3A_51 = tpu.memref_slice %arg2[%add3A, %dma_wait3A_49, %dma_wait3A_50] : memref<32x80x125xi32, #tpu.memory_space<hbm>> -> memref<1x80x125xi32, #tpu.memory_space<hbm>>
      %dma_wait3A_52 = tpu.memref_squeeze %dma_wait3A_51 : memref<1x80x125xi32, #tpu.memory_space<hbm>> -> memref<80x125xi32, #tpu.memory_space<hbm>>
      tpu.wait_dma2 semaphore(%run_scoped3A : memref<!tpu.dma_semaphore, #tpu.memory_space<semaphore_mem>>) src(%dma_wait3A_52 : memref<80x125xi32, #tpu.memory_space<hbm>>) dst(%arg6 : memref<80x125xi32, #tpu.memory_space<vmem>>)
      tpu.yield
    }) : () -> ()
    "tpu.region"() ({
      %run_scoped3A = tpu.sem_alloc : memref<!tpu.dma_semaphore, #tpu.memory_space<semaphore_mem>>
      tpu.enqueue_dma source(%arg3 : memref<125xf32, #tpu.memory_space<hbm>>) target(%arg7 : memref<125xf32, #tpu.memory_space<vmem>>) target_semaphore(%run_scoped3A : memref<!tpu.dma_semaphore, #tpu.memory_space<semaphore_mem>>)
      tpu.wait_dma2 semaphore(%run_scoped3A : memref<!tpu.dma_semaphore, #tpu.memory_space<semaphore_mem>>) src(%arg3 : memref<125xf32, #tpu.memory_space<hbm>>) dst(%arg7 : memref<125xf32, #tpu.memory_space<vmem>>)
      tpu.yield
    }) : () -> ()
    %mul3A_1 = arith.constant 640 : i32
    %mul3A_2 = arith.muli %arg1, %mul3A_1 : i32
    "tpu.region"() ({
      %run_scoped3A = tpu.sem_alloc : memref<!tpu.dma_semaphore, #tpu.memory_space<semaphore_mem>>
      %dma_start3A = tpu.memref_slice %arg8[%mul3A_2] : memref<10240xf32, #tpu.memory_space<vmem_shared>> -> memref<640xf32, #tpu.memory_space<vmem_shared>>
      tpu.enqueue_dma source(%arg4 : memref<640xf32, #tpu.memory_space<hbm>>) target(%dma_start3A : memref<640xf32, #tpu.memory_space<vmem_shared>>) target_semaphore(%run_scoped3A : memref<!tpu.dma_semaphore, #tpu.memory_space<semaphore_mem>>)
      %dma_wait3A_38 = tpu.memref_slice %arg8[%mul3A_2] : memref<10240xf32, #tpu.memory_space<vmem_shared>> -> memref<640xf32, #tpu.memory_space<vmem_shared>>
      tpu.wait_dma2 semaphore(%run_scoped3A : memref<!tpu.dma_semaphore, #tpu.memory_space<semaphore_mem>>) src(%arg4 : memref<640xf32, #tpu.memory_space<hbm>>) dst(%dma_wait3A_38 : memref<640xf32, #tpu.memory_space<vmem_shared>>)
      tpu.yield
    }) : () -> ()
    %barrier3A = arith.constant 0 : index
    tpu.barrier barrier_id(%barrier3A)
    %scan3A = arith.constant 0 : i32
    %scan3A_3 = arith.constant 20 : i32
    %scan3A_4 = arith.addi %scan3A, %scan3A_3 : i32
    %scan3A_5 = arith.constant 1 : i32
    scf.for %scan3A_38 = %scan3A to %scan3A_4 step %scan3A_5  : i32 {
      %mul3A_39 = arith.constant 4 : i32
      %mul3A_40 = arith.muli %scan3A_38, %mul3A_39 : i32
      %add3A_41 = arith.constant 0 : i32
      %add3A_42 = arith.addi %add3A_41, %mul3A_40 : i32
      %add3A_43 = arith.constant 0 : i32
      %add3A_44 = arith.addi %add3A_42, %add3A_43 : i32
      %ge3A = arith.constant 4 : i32
      %ge3A_45 = arith.cmpi sge, %add3A_44, %ge3A : i32
      %convert_element_type3A = arith.extui %ge3A_45 : i1 to i32
      %cond3A = arith.constant 0 : i32
      %cond3A_46 = arith.cmpi ne, %convert_element_type3A, %cond3A : i32
      scf.if %cond3A_46 {
        %sub3A = arith.constant 4 : i32
        %sub3A_87 = arith.subi %add3A_44, %sub3A : i32
        %dma_wait3A_88 = arith.constant 0 : i32
        %dma_wait3A_89 = tpu.memref_slice %arg6[%sub3A_87, %dma_wait3A_88] : memref<80x125xi32, #tpu.memory_space<vmem>> -> memref<1x125xi32, #tpu.memory_space<vmem>>
        %dma_wait3A_90 = tpu.memref_squeeze %dma_wait3A_89 : memref<1x125xi32, #tpu.memory_space<vmem>> -> memref<125xi32, #tpu.memory_space<vmem>>
        %dma_wait3A_91 = arith.constant 0 : i32
        %dma_wait3A_92 = tpu.memref_slice %arg8[%dma_wait3A_91] : memref<10240xf32, #tpu.memory_space<vmem_shared>> -> memref<10240xf32, #tpu.memory_space<vmem_shared>>
        tpu.wait_indirect_dma semaphore(%arg9 : memref<!tpu.dma_semaphore, #tpu.memory_space<semaphore_mem>>) src(%arg7 : memref<125xf32, #tpu.memory_space<vmem>>) dst(%dma_wait3A_92 : memref<10240xf32, #tpu.memory_space<vmem_shared>>)
      } else {
      }
      %dma_start3A = arith.constant 0 : i32
      %dma_start3A_47 = tpu.memref_slice %arg6[%add3A_44, %dma_start3A] : memref<80x125xi32, #tpu.memory_space<vmem>> -> memref<1x125xi32, #tpu.memory_space<vmem>>
      %dma_start3A_48 = tpu.memref_squeeze %dma_start3A_47 : memref<1x125xi32, #tpu.memory_space<vmem>> -> memref<125xi32, #tpu.memory_space<vmem>>
      %dma_start3A_49 = arith.constant 0 : i32
      %dma_start3A_50 = tpu.memref_slice %arg8[%dma_start3A_49] : memref<10240xf32, #tpu.memory_space<vmem_shared>> -> memref<10240xf32, #tpu.memory_space<vmem_shared>>
      tpu.enqueue_indirect_dma source(%arg7 : memref<125xf32, #tpu.memory_space<vmem>>) target(%dma_start3A_50 : memref<10240xf32, #tpu.memory_space<vmem_shared>>) offsets(%dma_start3A_48 : memref<125xi32, #tpu.memory_space<vmem>>) semaphore(%arg9 : memref<!tpu.dma_semaphore, #tpu.memory_space<semaphore_mem>>) {add = true}
      %add3A_51 = arith.constant 1 : i32
      %add3A_52 = arith.addi %add3A_42, %add3A_51 : i32
      %ge3A_53 = arith.constant 4 : i32
      %ge3A_54 = arith.cmpi sge, %add3A_52, %ge3A_53 : i32
      %convert_element_type3A_55 = arith.extui %ge3A_54 : i1 to i32
      %cond3A_56 = arith.constant 0 : i32
      %cond3A_57 = arith.cmpi ne, %convert_element_type3A_55, %cond3A_56 : i32
      scf.if %cond3A_57 {
        %sub3A = arith.constant 4 : i32
        %sub3A_87 = arith.subi %add3A_52, %sub3A : i32
        %dma_wait3A_88 = arith.constant 0 : i32
        %dma_wait3A_89 = tpu.memref_slice %arg6[%sub3A_87, %dma_wait3A_88] : memref<80x125xi32, #tpu.memory_space<vmem>> -> memref<1x125xi32, #tpu.memory_space<vmem>>
        %dma_wait3A_90 = tpu.memref_squeeze %dma_wait3A_89 : memref<1x125xi32, #tpu.memory_space<vmem>> -> memref<125xi32, #tpu.memory_space<vmem>>
        %dma_wait3A_91 = arith.constant 0 : i32
        %dma_wait3A_92 = tpu.memref_slice %arg8[%dma_wait3A_91] : memref<10240xf32, #tpu.memory_space<vmem_shared>> -> memref<10240xf32, #tpu.memory_space<vmem_shared>>
        tpu.wait_indirect_dma semaphore(%arg10 : memref<!tpu.dma_semaphore, #tpu.memory_space<semaphore_mem>>) src(%arg7 : memref<125xf32, #tpu.memory_space<vmem>>) dst(%dma_wait3A_92 : memref<10240xf32, #tpu.memory_space<vmem_shared>>)
      } else {
      }
      %dma_start3A_58 = arith.constant 0 : i32
      %dma_start3A_59 = tpu.memref_slice %arg6[%add3A_52, %dma_start3A_58] : memref<80x125xi32, #tpu.memory_space<vmem>> -> memref<1x125xi32, #tpu.memory_space<vmem>>
      %dma_start3A_60 = tpu.memref_squeeze %dma_start3A_59 : memref<1x125xi32, #tpu.memory_space<vmem>> -> memref<125xi32, #tpu.memory_space<vmem>>
      %dma_start3A_61 = arith.constant 0 : i32
      %dma_start3A_62 = tpu.memref_slice %arg8[%dma_start3A_61] : memref<10240xf32, #tpu.memory_space<vmem_shared>> -> memref<10240xf32, #tpu.memory_space<vmem_shared>>
      tpu.enqueue_indirect_dma source(%arg7 : memref<125xf32, #tpu.memory_space<vmem>>) target(%dma_start3A_62 : memref<10240xf32, #tpu.memory_space<vmem_shared>>) offsets(%dma_start3A_60 : memref<125xi32, #tpu.memory_space<vmem>>) semaphore(%arg10 : memref<!tpu.dma_semaphore, #tpu.memory_space<semaphore_mem>>) {add = true}
      %add3A_63 = arith.constant 2 : i32
      %add3A_64 = arith.addi %add3A_42, %add3A_63 : i32
      %ge3A_65 = arith.constant 4 : i32
      %ge3A_66 = arith.cmpi sge, %add3A_64, %ge3A_65 : i32
      %convert_element_type3A_67 = arith.extui %ge3A_66 : i1 to i32
      %cond3A_68 = arith.constant 0 : i32
      %cond3A_69 = arith.cmpi ne, %convert_element_type3A_67, %cond3A_68 : i32
      scf.if %cond3A_69 {
        %sub3A = arith.constant 4 : i32
        %sub3A_87 = arith.subi %add3A_64, %sub3A : i32
        %dma_wait3A_88 = arith.constant 0 : i32
        %dma_wait3A_89 = tpu.memref_slice %arg6[%sub3A_87, %dma_wait3A_88] : memref<80x125xi32, #tpu.memory_space<vmem>> -> memref<1x125xi32, #tpu.memory_space<vmem>>
        %dma_wait3A_90 = tpu.memref_squeeze %dma_wait3A_89 : memref<1x125xi32, #tpu.memory_space<vmem>> -> memref<125xi32, #tpu.memory_space<vmem>>
        %dma_wait3A_91 = arith.constant 0 : i32
        %dma_wait3A_92 = tpu.memref_slice %arg8[%dma_wait3A_91] : memref<10240xf32, #tpu.memory_space<vmem_shared>> -> memref<10240xf32, #tpu.memory_space<vmem_shared>>
        tpu.wait_indirect_dma semaphore(%arg11 : memref<!tpu.dma_semaphore, #tpu.memory_space<semaphore_mem>>) src(%arg7 : memref<125xf32, #tpu.memory_space<vmem>>) dst(%dma_wait3A_92 : memref<10240xf32, #tpu.memory_space<vmem_shared>>)
      } else {
      }
      %dma_start3A_70 = arith.constant 0 : i32
      %dma_start3A_71 = tpu.memref_slice %arg6[%add3A_64, %dma_start3A_70] : memref<80x125xi32, #tpu.memory_space<vmem>> -> memref<1x125xi32, #tpu.memory_space<vmem>>
      %dma_start3A_72 = tpu.memref_squeeze %dma_start3A_71 : memref<1x125xi32, #tpu.memory_space<vmem>> -> memref<125xi32, #tpu.memory_space<vmem>>
      %dma_start3A_73 = arith.constant 0 : i32
      %dma_start3A_74 = tpu.memref_slice %arg8[%dma_start3A_73] : memref<10240xf32, #tpu.memory_space<vmem_shared>> -> memref<10240xf32, #tpu.memory_space<vmem_shared>>
      tpu.enqueue_indirect_dma source(%arg7 : memref<125xf32, #tpu.memory_space<vmem>>) target(%dma_start3A_74 : memref<10240xf32, #tpu.memory_space<vmem_shared>>) offsets(%dma_start3A_72 : memref<125xi32, #tpu.memory_space<vmem>>) semaphore(%arg11 : memref<!tpu.dma_semaphore, #tpu.memory_space<semaphore_mem>>) {add = true}
      %add3A_75 = arith.constant 3 : i32
      %add3A_76 = arith.addi %add3A_42, %add3A_75 : i32
      %ge3A_77 = arith.constant 4 : i32
      %ge3A_78 = arith.cmpi sge, %add3A_76, %ge3A_77 : i32
      %convert_element_type3A_79 = arith.extui %ge3A_78 : i1 to i32
      %cond3A_80 = arith.constant 0 : i32
      %cond3A_81 = arith.cmpi ne, %convert_element_type3A_79, %cond3A_80 : i32
      scf.if %cond3A_81 {
        %sub3A = arith.constant 4 : i32
        %sub3A_87 = arith.subi %add3A_76, %sub3A : i32
        %dma_wait3A_88 = arith.constant 0 : i32
        %dma_wait3A_89 = tpu.memref_slice %arg6[%sub3A_87, %dma_wait3A_88] : memref<80x125xi32, #tpu.memory_space<vmem>> -> memref<1x125xi32, #tpu.memory_space<vmem>>
        %dma_wait3A_90 = tpu.memref_squeeze %dma_wait3A_89 : memref<1x125xi32, #tpu.memory_space<vmem>> -> memref<125xi32, #tpu.memory_space<vmem>>
        %dma_wait3A_91 = arith.constant 0 : i32
        %dma_wait3A_92 = tpu.memref_slice %arg8[%dma_wait3A_91] : memref<10240xf32, #tpu.memory_space<vmem_shared>> -> memref<10240xf32, #tpu.memory_space<vmem_shared>>
        tpu.wait_indirect_dma semaphore(%arg12 : memref<!tpu.dma_semaphore, #tpu.memory_space<semaphore_mem>>) src(%arg7 : memref<125xf32, #tpu.memory_space<vmem>>) dst(%dma_wait3A_92 : memref<10240xf32, #tpu.memory_space<vmem_shared>>)
      } else {
      }
      %dma_start3A_82 = arith.constant 0 : i32
      %dma_start3A_83 = tpu.memref_slice %arg6[%add3A_76, %dma_start3A_82] : memref<80x125xi32, #tpu.memory_space<vmem>> -> memref<1x125xi32, #tpu.memory_space<vmem>>
      %dma_start3A_84 = tpu.memref_squeeze %dma_start3A_83 : memref<1x125xi32, #tpu.memory_space<vmem>> -> memref<125xi32, #tpu.memory_space<vmem>>
      %dma_start3A_85 = arith.constant 0 : i32
      %dma_start3A_86 = tpu.memref_slice %arg8[%dma_start3A_85] : memref<10240xf32, #tpu.memory_space<vmem_shared>> -> memref<10240xf32, #tpu.memory_space<vmem_shared>>
      tpu.enqueue_indirect_dma source(%arg7 : memref<125xf32, #tpu.memory_space<vmem>>) target(%dma_start3A_86 : memref<10240xf32, #tpu.memory_space<vmem_shared>>) offsets(%dma_start3A_84 : memref<125xi32, #tpu.memory_space<vmem>>) semaphore(%arg12 : memref<!tpu.dma_semaphore, #tpu.memory_space<semaphore_mem>>) {add = true}
    }
    %scan3A_6 = arith.constant 20 : i32
    %dma_wait3A = arith.constant 76 : i32
    %dma_wait3A_7 = arith.constant 0 : i32
    %dma_wait3A_8 = tpu.memref_slice %arg6[%dma_wait3A, %dma_wait3A_7] : memref<80x125xi32, #tpu.memory_space<vmem>> -> memref<1x125xi32, #tpu.memory_space<vmem>>
    %dma_wait3A_9 = tpu.memref_squeeze %dma_wait3A_8 : memref<1x125xi32, #tpu.memory_space<vmem>> -> memref<125xi32, #tpu.memory_space<vmem>>
    %dma_wait3A_10 = arith.constant 0 : i32
    %dma_wait3A_11 = tpu.memref_slice %arg8[%dma_wait3A_10] : memref<10240xf32, #tpu.memory_space<vmem_shared>> -> memref<10240xf32, #tpu.memory_space<vmem_shared>>
    tpu.wait_indirect_dma semaphore(%arg9 : memref<!tpu.dma_semaphore, #tpu.memory_space<semaphore_mem>>) src(%arg7 : memref<125xf32, #tpu.memory_space<vmem>>) dst(%dma_wait3A_11 : memref<10240xf32, #tpu.memory_space<vmem_shared>>)
    %dma_wait3A_12 = arith.constant 77 : i32
    %dma_wait3A_13 = arith.constant 0 : i32
    %dma_wait3A_14 = tpu.memref_slice %arg6[%dma_wait3A_12, %dma_wait3A_13] : memref<80x125xi32, #tpu.memory_space<vmem>> -> memref<1x125xi32, #tpu.memory_space<vmem>>
    %dma_wait3A_15 = tpu.memref_squeeze %dma_wait3A_14 : memref<1x125xi32, #tpu.memory_space<vmem>> -> memref<125xi32, #tpu.memory_space<vmem>>
    %dma_wait3A_16 = arith.constant 0 : i32
    %dma_wait3A_17 = tpu.memref_slice %arg8[%dma_wait3A_16] : memref<10240xf32, #tpu.memory_space<vmem_shared>> -> memref<10240xf32, #tpu.memory_space<vmem_shared>>
    tpu.wait_indirect_dma semaphore(%arg10 : memref<!tpu.dma_semaphore, #tpu.memory_space<semaphore_mem>>) src(%arg7 : memref<125xf32, #tpu.memory_space<vmem>>) dst(%dma_wait3A_17 : memref<10240xf32, #tpu.memory_space<vmem_shared>>)
    %dma_wait3A_18 = arith.constant 78 : i32
    %dma_wait3A_19 = arith.constant 0 : i32
    %dma_wait3A_20 = tpu.memref_slice %arg6[%dma_wait3A_18, %dma_wait3A_19] : memref<80x125xi32, #tpu.memory_space<vmem>> -> memref<1x125xi32, #tpu.memory_space<vmem>>
    %dma_wait3A_21 = tpu.memref_squeeze %dma_wait3A_20 : memref<1x125xi32, #tpu.memory_space<vmem>> -> memref<125xi32, #tpu.memory_space<vmem>>
    %dma_wait3A_22 = arith.constant 0 : i32
    %dma_wait3A_23 = tpu.memref_slice %arg8[%dma_wait3A_22] : memref<10240xf32, #tpu.memory_space<vmem_shared>> -> memref<10240xf32, #tpu.memory_space<vmem_shared>>
    tpu.wait_indirect_dma semaphore(%arg11 : memref<!tpu.dma_semaphore, #tpu.memory_space<semaphore_mem>>) src(%arg7 : memref<125xf32, #tpu.memory_space<vmem>>) dst(%dma_wait3A_23 : memref<10240xf32, #tpu.memory_space<vmem_shared>>)
    %dma_wait3A_24 = arith.constant 79 : i32
    %dma_wait3A_25 = arith.constant 0 : i32
    %dma_wait3A_26 = tpu.memref_slice %arg6[%dma_wait3A_24, %dma_wait3A_25] : memref<80x125xi32, #tpu.memory_space<vmem>> -> memref<1x125xi32, #tpu.memory_space<vmem>>
    %dma_wait3A_27 = tpu.memref_squeeze %dma_wait3A_26 : memref<1x125xi32, #tpu.memory_space<vmem>> -> memref<125xi32, #tpu.memory_space<vmem>>
    %dma_wait3A_28 = arith.constant 0 : i32
    %dma_wait3A_29 = tpu.memref_slice %arg8[%dma_wait3A_28] : memref<10240xf32, #tpu.memory_space<vmem_shared>> -> memref<10240xf32, #tpu.memory_space<vmem_shared>>
    tpu.wait_indirect_dma semaphore(%arg12 : memref<!tpu.dma_semaphore, #tpu.memory_space<semaphore_mem>>) src(%arg7 : memref<125xf32, #tpu.memory_space<vmem>>) dst(%dma_wait3A_29 : memref<10240xf32, #tpu.memory_space<vmem_shared>>)
    %barrier3A_30 = arith.constant 0 : index
    tpu.barrier barrier_id(%barrier3A_30)
    %mul3A_31 = arith.constant 640 : i32
    %mul3A_32 = arith.muli %arg1, %mul3A_31 : i32
    %mul3A_33 = arith.constant 10240 : i32
    %mul3A_34 = arith.muli %arg0, %mul3A_33 : i32
    %mul3A_35 = arith.constant 640 : i32
    %mul3A_36 = arith.muli %arg1, %mul3A_35 : i32
    %add3A_37 = arith.addi %mul3A_34, %mul3A_36 : i32
    "tpu.region"() ({
      %run_scoped3A = tpu.sem_alloc : memref<!tpu.dma_semaphore, #tpu.memory_space<semaphore_mem>>
      %dma_start3A = tpu.memref_slice %arg5[%add3A_37] : memref<20480xf32, #tpu.memory_space<hbm>> -> memref<640xf32, #tpu.memory_space<hbm>>
      %dma_start3A_38 = tpu.memref_slice %arg8[%mul3A_32] : memref<10240xf32, #tpu.memory_space<vmem_shared>> -> memref<640xf32, #tpu.memory_space<vmem_shared>>
      tpu.enqueue_dma source(%dma_start3A_38 : memref<640xf32, #tpu.memory_space<vmem_shared>>) target(%dma_start3A : memref<640xf32, #tpu.memory_space<hbm>>) target_semaphore(%run_scoped3A : memref<!tpu.dma_semaphore, #tpu.memory_space<semaphore_mem>>)
      %dma_wait3A_39 = tpu.memref_slice %arg5[%add3A_37] : memref<20480xf32, #tpu.memory_space<hbm>> -> memref<640xf32, #tpu.memory_space<hbm>>
      %dma_wait3A_40 = tpu.memref_slice %arg8[%mul3A_32] : memref<10240xf32, #tpu.memory_space<vmem_shared>> -> memref<640xf32, #tpu.memory_space<vmem_shared>>
      tpu.wait_dma2 semaphore(%run_scoped3A : memref<!tpu.dma_semaphore, #tpu.memory_space<semaphore_mem>>) src(%dma_wait3A_40 : memref<640xf32, #tpu.memory_space<vmem_shared>>) dst(%dma_wait3A_39 : memref<640xf32, #tpu.memory_space<hbm>>)
      tpu.yield
    }) : () -> ()
    return
  }
}

#map = affine_map<(d0, d1) -> (0, 0)>
#map1 = affine_map<(d0, d1) -> (0, 0, 0)>
module attributes {stable_mosaic.version = 14 : i64} {
  func.func @agg_kernel(%arg0: i32, %arg1: i32, %arg2: memref<10000x128xf32, #tpu.memory_space<hbm>>, %arg3: memref<2560x2x125xi32, #tpu.memory_space<hbm>>, %arg4: memref<640x128xf32, #tpu.memory_space<hbm>>, %arg5: memref<20480x128xf32, #tpu.memory_space<hbm>>, %arg6: memref<2x125xi32, #tpu.memory_space<vmem>>, %arg7: memref<2x125xi32, #tpu.memory_space<vmem>>, %arg8: memref<2x125xi32, #tpu.memory_space<vmem>>, %arg9: memref<2x125xi32, #tpu.memory_space<vmem>>, %arg10: memref<125x128xf32, #tpu.memory_space<vmem>>, %arg11: memref<125x128xf32, #tpu.memory_space<vmem>>, %arg12: memref<10240x128xf32, #tpu.memory_space<vmem_shared>>, %arg13: memref<!tpu.dma_semaphore, #tpu.memory_space<semaphore_mem>>, %arg14: memref<!tpu.dma_semaphore, #tpu.memory_space<semaphore_mem>>, %arg15: memref<!tpu.dma_semaphore, #tpu.memory_space<semaphore_mem>>, %arg16: memref<!tpu.dma_semaphore, #tpu.memory_space<semaphore_mem>>, %arg17: memref<!tpu.dma_semaphore, #tpu.memory_space<semaphore_mem>>, %arg18: memref<!tpu.dma_semaphore, #tpu.memory_space<semaphore_mem>>, %arg19: memref<!tpu.dma_semaphore, #tpu.memory_space<semaphore_mem>>, %arg20: memref<!tpu.dma_semaphore, #tpu.memory_space<semaphore_mem>>) attributes {dimension_semantics = [#tpu.dimension_semantics<core_parallel>, #tpu.dimension_semantics<subcore_parallel>], iteration_bounds = array<i64: 2, 16>, scalar_prefetch = 0 : i64, scratch_operands = 15 : i64, tpu.core_type = #tpu.core_type<sc_vector_subcore>, window_params = [{transform_indices = #map}, {transform_indices = #map1}, {transform_indices = #map}, {transform_indices = #map}]} {
    %mul3A = arith.constant 16 : i32
    %mul3A_0 = arith.muli %arg0, %mul3A : i32
    %add3A = arith.addi %mul3A_0, %arg1 : i32
    %mul3A_1 = arith.constant 80 : i32
    %mul3A_2 = arith.muli %add3A, %mul3A_1 : i32
    %dma_start3A = arith.constant 0 : i32
    %dma_start3A_3 = arith.constant 0 : i32
    %dma_start3A_4 = tpu.memref_slice %arg3[%mul3A_2, %dma_start3A, %dma_start3A_3] : memref<2560x2x125xi32, #tpu.memory_space<hbm>> -> memref<1x2x125xi32, #tpu.memory_space<hbm>>
    %dma_start3A_5 = tpu.memref_squeeze %dma_start3A_4 : memref<1x2x125xi32, #tpu.memory_space<hbm>> -> memref<2x125xi32, #tpu.memory_space<hbm>>
    %dma_start3A_6 = arith.constant 0 : i32
    %dma_start3A_7 = arith.constant 0 : i32
    %dma_start3A_8 = tpu.memref_slice %arg3[%mul3A_2, %dma_start3A_6, %dma_start3A_7] : memref<2560x2x125xi32, #tpu.memory_space<hbm>> -> memref<1x2x125xi32, #tpu.memory_space<hbm>>
    %dma_start3A_9 = tpu.memref_squeeze %dma_start3A_8 : memref<1x2x125xi32, #tpu.memory_space<hbm>> -> memref<2x125xi32, #tpu.memory_space<hbm>>
    tpu.enqueue_dma source(%dma_start3A_9 : memref<2x125xi32, #tpu.memory_space<hbm>>) target(%arg6 : memref<2x125xi32, #tpu.memory_space<vmem>>) target_semaphore(%arg13 : memref<!tpu.dma_semaphore, #tpu.memory_space<semaphore_mem>>)
    %mul3A_10 = arith.constant 640 : i32
    %mul3A_11 = arith.muli %arg1, %mul3A_10 : i32
    "tpu.region"() ({
      %run_scoped3A = tpu.sem_alloc : memref<!tpu.dma_semaphore, #tpu.memory_space<semaphore_mem>>
      %dma_start3A_55 = arith.constant 0 : i32
      %dma_start3A_56 = tpu.memref_slice %arg12[%mul3A_11, %dma_start3A_55] : memref<10240x128xf32, #tpu.memory_space<vmem_shared>> -> memref<640x128xf32, #tpu.memory_space<vmem_shared>>
      tpu.enqueue_dma source(%arg4 : memref<640x128xf32, #tpu.memory_space<hbm>>) target(%dma_start3A_56 : memref<640x128xf32, #tpu.memory_space<vmem_shared>>) target_semaphore(%run_scoped3A : memref<!tpu.dma_semaphore, #tpu.memory_space<semaphore_mem>>)
      %dma_wait3A_57 = arith.constant 0 : i32
      %dma_wait3A_58 = tpu.memref_slice %arg12[%mul3A_11, %dma_wait3A_57] : memref<10240x128xf32, #tpu.memory_space<vmem_shared>> -> memref<640x128xf32, #tpu.memory_space<vmem_shared>>
      tpu.wait_dma2 semaphore(%run_scoped3A : memref<!tpu.dma_semaphore, #tpu.memory_space<semaphore_mem>>) src(%arg4 : memref<640x128xf32, #tpu.memory_space<hbm>>) dst(%dma_wait3A_58 : memref<640x128xf32, #tpu.memory_space<vmem_shared>>)
      tpu.yield
    }) : () -> ()
    %dma_wait3A = arith.constant 0 : i32
    %dma_wait3A_12 = arith.constant 0 : i32
    %dma_wait3A_13 = tpu.memref_slice %arg3[%mul3A_2, %dma_wait3A, %dma_wait3A_12] : memref<2560x2x125xi32, #tpu.memory_space<hbm>> -> memref<1x2x125xi32, #tpu.memory_space<hbm>>
    %dma_wait3A_14 = tpu.memref_squeeze %dma_wait3A_13 : memref<1x2x125xi32, #tpu.memory_space<hbm>> -> memref<2x125xi32, #tpu.memory_space<hbm>>
    %dma_wait3A_15 = arith.constant 0 : i32
    %dma_wait3A_16 = arith.constant 0 : i32
    %dma_wait3A_17 = tpu.memref_slice %arg3[%mul3A_2, %dma_wait3A_15, %dma_wait3A_16] : memref<2560x2x125xi32, #tpu.memory_space<hbm>> -> memref<1x2x125xi32, #tpu.memory_space<hbm>>
    %dma_wait3A_18 = tpu.memref_squeeze %dma_wait3A_17 : memref<1x2x125xi32, #tpu.memory_space<hbm>> -> memref<2x125xi32, #tpu.memory_space<hbm>>
    tpu.wait_dma2 semaphore(%arg13 : memref<!tpu.dma_semaphore, #tpu.memory_space<semaphore_mem>>) src(%dma_wait3A_18 : memref<2x125xi32, #tpu.memory_space<hbm>>) dst(%arg6 : memref<2x125xi32, #tpu.memory_space<vmem>>)
    %dma_start3A_19 = arith.constant 0 : i32
    %dma_start3A_20 = arith.constant 0 : i32
    %dma_start3A_21 = tpu.memref_slice %arg6[%dma_start3A_19, %dma_start3A_20] : memref<2x125xi32, #tpu.memory_space<vmem>> -> memref<1x125xi32, #tpu.memory_space<vmem>>
    %dma_start3A_22 = tpu.memref_squeeze %dma_start3A_21 : memref<1x125xi32, #tpu.memory_space<vmem>> -> memref<125xi32, #tpu.memory_space<vmem>>
    %dma_start3A_23 = arith.constant 0 : i32
    %dma_start3A_24 = arith.constant 0 : i32
    %dma_start3A_25 = tpu.memref_slice %arg2[%dma_start3A_23, %dma_start3A_24] : memref<10000x128xf32, #tpu.memory_space<hbm>> -> memref<10000x128xf32, #tpu.memory_space<hbm>>
    tpu.enqueue_indirect_dma source(%dma_start3A_25 : memref<10000x128xf32, #tpu.memory_space<hbm>>) target(%arg10 : memref<125x128xf32, #tpu.memory_space<vmem>>) offsets(%dma_start3A_22 : memref<125xi32, #tpu.memory_space<vmem>>) semaphore(%arg17 : memref<!tpu.dma_semaphore, #tpu.memory_space<semaphore_mem>>)
    %add3A_26 = arith.constant 1 : i32
    %add3A_27 = arith.addi %mul3A_2, %add3A_26 : i32
    %dma_start3A_28 = arith.constant 0 : i32
    %dma_start3A_29 = arith.constant 0 : i32
    %dma_start3A_30 = tpu.memref_slice %arg3[%add3A_27, %dma_start3A_28, %dma_start3A_29] : memref<2560x2x125xi32, #tpu.memory_space<hbm>> -> memref<1x2x125xi32, #tpu.memory_space<hbm>>
    %dma_start3A_31 = tpu.memref_squeeze %dma_start3A_30 : memref<1x2x125xi32, #tpu.memory_space<hbm>> -> memref<2x125xi32, #tpu.memory_space<hbm>>
    %dma_start3A_32 = arith.constant 0 : i32
    %dma_start3A_33 = arith.constant 0 : i32
    %dma_start3A_34 = tpu.memref_slice %arg3[%add3A_27, %dma_start3A_32, %dma_start3A_33] : memref<2560x2x125xi32, #tpu.memory_space<hbm>> -> memref<1x2x125xi32, #tpu.memory_space<hbm>>
    %dma_start3A_35 = tpu.memref_squeeze %dma_start3A_34 : memref<1x2x125xi32, #tpu.memory_space<hbm>> -> memref<2x125xi32, #tpu.memory_space<hbm>>
    tpu.enqueue_dma source(%dma_start3A_35 : memref<2x125xi32, #tpu.memory_space<hbm>>) target(%arg7 : memref<2x125xi32, #tpu.memory_space<vmem>>) target_semaphore(%arg14 : memref<!tpu.dma_semaphore, #tpu.memory_space<semaphore_mem>>)
    %barrier3A = arith.constant 0 : index
    tpu.barrier barrier_id(%barrier3A)
    %scan3A = arith.constant 0 : i32
    %scan3A_36 = arith.constant 20 : i32
    %scan3A_37 = arith.addi %scan3A, %scan3A_36 : i32
    %scan3A_38 = arith.constant 1 : i32
    scf.for %scan3A_55 = %scan3A to %scan3A_37 step %scan3A_38  : i32 {
      %mul3A_56 = arith.constant 4 : i32
      %mul3A_57 = arith.muli %scan3A_55, %mul3A_56 : i32
      %add3A_58 = arith.constant 0 : i32
      %add3A_59 = arith.addi %add3A_58, %mul3A_57 : i32
      %add3A_60 = arith.constant 0 : i32
      %add3A_61 = arith.addi %add3A_59, %add3A_60 : i32
      %ge3A = arith.constant 1 : i32
      %ge3A_62 = arith.cmpi sge, %add3A_61, %ge3A : i32
      %convert_element_type3A = arith.extui %ge3A_62 : i1 to i32
      %cond3A = arith.constant 0 : i32
      %cond3A_63 = arith.cmpi ne, %convert_element_type3A, %cond3A : i32
      scf.if %cond3A_63 {
        %dma_wait3A_196 = arith.constant 1 : i32
        %dma_wait3A_197 = arith.constant 0 : i32
        %dma_wait3A_198 = tpu.memref_slice %arg9[%dma_wait3A_196, %dma_wait3A_197] : memref<2x125xi32, #tpu.memory_space<vmem>> -> memref<1x125xi32, #tpu.memory_space<vmem>>
        %dma_wait3A_199 = tpu.memref_squeeze %dma_wait3A_198 : memref<1x125xi32, #tpu.memory_space<vmem>> -> memref<125xi32, #tpu.memory_space<vmem>>
        %dma_wait3A_200 = arith.constant 0 : i32
        %dma_wait3A_201 = arith.constant 0 : i32
        %dma_wait3A_202 = tpu.memref_slice %arg12[%dma_wait3A_200, %dma_wait3A_201] : memref<10240x128xf32, #tpu.memory_space<vmem_shared>> -> memref<10240x128xf32, #tpu.memory_space<vmem_shared>>
        tpu.wait_indirect_dma semaphore(%arg20 : memref<!tpu.dma_semaphore, #tpu.memory_space<semaphore_mem>>) src(%arg11 : memref<125x128xf32, #tpu.memory_space<vmem>>) dst(%dma_wait3A_202 : memref<10240x128xf32, #tpu.memory_space<vmem_shared>>)
      } else {
      }
      %add3A_64 = arith.constant 1 : i32
      %add3A_65 = arith.addi %add3A_61, %add3A_64 : i32
      %lt3A = arith.constant 80 : i32
      %lt3A_66 = arith.cmpi slt, %add3A_65, %lt3A : i32
      %convert_element_type3A_67 = arith.extui %lt3A_66 : i1 to i32
      %cond3A_68 = arith.constant 0 : i32
      %cond3A_69 = arith.cmpi ne, %convert_element_type3A_67, %cond3A_68 : i32
      scf.if %cond3A_69 {
        %add3A_196 = arith.addi %mul3A_2, %add3A_61 : i32
        %add3A_197 = arith.constant 1 : i32
        %add3A_198 = arith.addi %add3A_196, %add3A_197 : i32
        %dma_wait3A_199 = arith.constant 0 : i32
        %dma_wait3A_200 = arith.constant 0 : i32
        %dma_wait3A_201 = tpu.memref_slice %arg3[%add3A_198, %dma_wait3A_199, %dma_wait3A_200] : memref<2560x2x125xi32, #tpu.memory_space<hbm>> -> memref<1x2x125xi32, #tpu.memory_space<hbm>>
        %dma_wait3A_202 = tpu.memref_squeeze %dma_wait3A_201 : memref<1x2x125xi32, #tpu.memory_space<hbm>> -> memref<2x125xi32, #tpu.memory_space<hbm>>
        %dma_wait3A_203 = arith.constant 0 : i32
        %dma_wait3A_204 = arith.constant 0 : i32
        %dma_wait3A_205 = tpu.memref_slice %arg3[%add3A_198, %dma_wait3A_203, %dma_wait3A_204] : memref<2560x2x125xi32, #tpu.memory_space<hbm>> -> memref<1x2x125xi32, #tpu.memory_space<hbm>>
        %dma_wait3A_206 = tpu.memref_squeeze %dma_wait3A_205 : memref<1x2x125xi32, #tpu.memory_space<hbm>> -> memref<2x125xi32, #tpu.memory_space<hbm>>
        tpu.wait_dma2 semaphore(%arg14 : memref<!tpu.dma_semaphore, #tpu.memory_space<semaphore_mem>>) src(%dma_wait3A_206 : memref<2x125xi32, #tpu.memory_space<hbm>>) dst(%arg7 : memref<2x125xi32, #tpu.memory_space<vmem>>)
        %dma_start3A_207 = arith.constant 0 : i32
        %dma_start3A_208 = arith.constant 0 : i32
        %dma_start3A_209 = tpu.memref_slice %arg7[%dma_start3A_207, %dma_start3A_208] : memref<2x125xi32, #tpu.memory_space<vmem>> -> memref<1x125xi32, #tpu.memory_space<vmem>>
        %dma_start3A_210 = tpu.memref_squeeze %dma_start3A_209 : memref<1x125xi32, #tpu.memory_space<vmem>> -> memref<125xi32, #tpu.memory_space<vmem>>
        %dma_start3A_211 = arith.constant 0 : i32
        %dma_start3A_212 = arith.constant 0 : i32
        %dma_start3A_213 = tpu.memref_slice %arg2[%dma_start3A_211, %dma_start3A_212] : memref<10000x128xf32, #tpu.memory_space<hbm>> -> memref<10000x128xf32, #tpu.memory_space<hbm>>
        tpu.enqueue_indirect_dma source(%dma_start3A_213 : memref<10000x128xf32, #tpu.memory_space<hbm>>) target(%arg11 : memref<125x128xf32, #tpu.memory_space<vmem>>) offsets(%dma_start3A_210 : memref<125xi32, #tpu.memory_space<vmem>>) semaphore(%arg18 : memref<!tpu.dma_semaphore, #tpu.memory_space<semaphore_mem>>)
      } else {
      }
      %add3A_70 = arith.constant 2 : i32
      %add3A_71 = arith.addi %add3A_61, %add3A_70 : i32
      %lt3A_72 = arith.constant 80 : i32
      %lt3A_73 = arith.cmpi slt, %add3A_71, %lt3A_72 : i32
      %convert_element_type3A_74 = arith.extui %lt3A_73 : i1 to i32
      %cond3A_75 = arith.constant 0 : i32
      %cond3A_76 = arith.cmpi ne, %convert_element_type3A_74, %cond3A_75 : i32
      scf.if %cond3A_76 {
        %add3A_196 = arith.addi %mul3A_2, %add3A_61 : i32
        %add3A_197 = arith.constant 2 : i32
        %add3A_198 = arith.addi %add3A_196, %add3A_197 : i32
        %dma_start3A_199 = arith.constant 0 : i32
        %dma_start3A_200 = arith.constant 0 : i32
        %dma_start3A_201 = tpu.memref_slice %arg3[%add3A_198, %dma_start3A_199, %dma_start3A_200] : memref<2560x2x125xi32, #tpu.memory_space<hbm>> -> memref<1x2x125xi32, #tpu.memory_space<hbm>>
        %dma_start3A_202 = tpu.memref_squeeze %dma_start3A_201 : memref<1x2x125xi32, #tpu.memory_space<hbm>> -> memref<2x125xi32, #tpu.memory_space<hbm>>
        %dma_start3A_203 = arith.constant 0 : i32
        %dma_start3A_204 = arith.constant 0 : i32
        %dma_start3A_205 = tpu.memref_slice %arg3[%add3A_198, %dma_start3A_203, %dma_start3A_204] : memref<2560x2x125xi32, #tpu.memory_space<hbm>> -> memref<1x2x125xi32, #tpu.memory_space<hbm>>
        %dma_start3A_206 = tpu.memref_squeeze %dma_start3A_205 : memref<1x2x125xi32, #tpu.memory_space<hbm>> -> memref<2x125xi32, #tpu.memory_space<hbm>>
        tpu.enqueue_dma source(%dma_start3A_206 : memref<2x125xi32, #tpu.memory_space<hbm>>) target(%arg8 : memref<2x125xi32, #tpu.memory_space<vmem>>) target_semaphore(%arg15 : memref<!tpu.dma_semaphore, #tpu.memory_space<semaphore_mem>>)
      } else {
      }
      %dma_wait3A_77 = arith.constant 0 : i32
      %dma_wait3A_78 = arith.constant 0 : i32
      %dma_wait3A_79 = tpu.memref_slice %arg6[%dma_wait3A_77, %dma_wait3A_78] : memref<2x125xi32, #tpu.memory_space<vmem>> -> memref<1x125xi32, #tpu.memory_space<vmem>>
      %dma_wait3A_80 = tpu.memref_squeeze %dma_wait3A_79 : memref<1x125xi32, #tpu.memory_space<vmem>> -> memref<125xi32, #tpu.memory_space<vmem>>
      %dma_wait3A_81 = arith.constant 0 : i32
      %dma_wait3A_82 = arith.constant 0 : i32
      %dma_wait3A_83 = tpu.memref_slice %arg2[%dma_wait3A_81, %dma_wait3A_82] : memref<10000x128xf32, #tpu.memory_space<hbm>> -> memref<10000x128xf32, #tpu.memory_space<hbm>>
      tpu.wait_indirect_dma semaphore(%arg17 : memref<!tpu.dma_semaphore, #tpu.memory_space<semaphore_mem>>) src(%dma_wait3A_83 : memref<10000x128xf32, #tpu.memory_space<hbm>>) dst(%arg10 : memref<125x128xf32, #tpu.memory_space<vmem>>)
      %dma_start3A_84 = arith.constant 1 : i32
      %dma_start3A_85 = arith.constant 0 : i32
      %dma_start3A_86 = tpu.memref_slice %arg6[%dma_start3A_84, %dma_start3A_85] : memref<2x125xi32, #tpu.memory_space<vmem>> -> memref<1x125xi32, #tpu.memory_space<vmem>>
      %dma_start3A_87 = tpu.memref_squeeze %dma_start3A_86 : memref<1x125xi32, #tpu.memory_space<vmem>> -> memref<125xi32, #tpu.memory_space<vmem>>
      %dma_start3A_88 = arith.constant 0 : i32
      %dma_start3A_89 = arith.constant 0 : i32
      %dma_start3A_90 = tpu.memref_slice %arg12[%dma_start3A_88, %dma_start3A_89] : memref<10240x128xf32, #tpu.memory_space<vmem_shared>> -> memref<10240x128xf32, #tpu.memory_space<vmem_shared>>
      tpu.enqueue_indirect_dma source(%arg10 : memref<125x128xf32, #tpu.memory_space<vmem>>) target(%dma_start3A_90 : memref<10240x128xf32, #tpu.memory_space<vmem_shared>>) offsets(%dma_start3A_87 : memref<125xi32, #tpu.memory_space<vmem>>) semaphore(%arg19 : memref<!tpu.dma_semaphore, #tpu.memory_space<semaphore_mem>>) {add = true}
      %add3A_91 = arith.constant 1 : i32
      %add3A_92 = arith.addi %add3A_59, %add3A_91 : i32
      %ge3A_93 = arith.constant 1 : i32
      %ge3A_94 = arith.cmpi sge, %add3A_92, %ge3A_93 : i32
      %convert_element_type3A_95 = arith.extui %ge3A_94 : i1 to i32
      %cond3A_96 = arith.constant 0 : i32
      %cond3A_97 = arith.cmpi ne, %convert_element_type3A_95, %cond3A_96 : i32
      scf.if %cond3A_97 {
        %dma_wait3A_196 = arith.constant 1 : i32
        %dma_wait3A_197 = arith.constant 0 : i32
        %dma_wait3A_198 = tpu.memref_slice %arg6[%dma_wait3A_196, %dma_wait3A_197] : memref<2x125xi32, #tpu.memory_space<vmem>> -> memref<1x125xi32, #tpu.memory_space<vmem>>
        %dma_wait3A_199 = tpu.memref_squeeze %dma_wait3A_198 : memref<1x125xi32, #tpu.memory_space<vmem>> -> memref<125xi32, #tpu.memory_space<vmem>>
        %dma_wait3A_200 = arith.constant 0 : i32
        %dma_wait3A_201 = arith.constant 0 : i32
        %dma_wait3A_202 = tpu.memref_slice %arg12[%dma_wait3A_200, %dma_wait3A_201] : memref<10240x128xf32, #tpu.memory_space<vmem_shared>> -> memref<10240x128xf32, #tpu.memory_space<vmem_shared>>
        tpu.wait_indirect_dma semaphore(%arg19 : memref<!tpu.dma_semaphore, #tpu.memory_space<semaphore_mem>>) src(%arg10 : memref<125x128xf32, #tpu.memory_space<vmem>>) dst(%dma_wait3A_202 : memref<10240x128xf32, #tpu.memory_space<vmem_shared>>)
      } else {
      }
      %add3A_98 = arith.constant 1 : i32
      %add3A_99 = arith.addi %add3A_92, %add3A_98 : i32
      %lt3A_100 = arith.constant 80 : i32
      %lt3A_101 = arith.cmpi slt, %add3A_99, %lt3A_100 : i32
      %convert_element_type3A_102 = arith.extui %lt3A_101 : i1 to i32
      %cond3A_103 = arith.constant 0 : i32
      %cond3A_104 = arith.cmpi ne, %convert_element_type3A_102, %cond3A_103 : i32
      scf.if %cond3A_104 {
        %add3A_196 = arith.addi %mul3A_2, %add3A_92 : i32
        %add3A_197 = arith.constant 1 : i32
        %add3A_198 = arith.addi %add3A_196, %add3A_197 : i32
        %dma_wait3A_199 = arith.constant 0 : i32
        %dma_wait3A_200 = arith.constant 0 : i32
        %dma_wait3A_201 = tpu.memref_slice %arg3[%add3A_198, %dma_wait3A_199, %dma_wait3A_200] : memref<2560x2x125xi32, #tpu.memory_space<hbm>> -> memref<1x2x125xi32, #tpu.memory_space<hbm>>
        %dma_wait3A_202 = tpu.memref_squeeze %dma_wait3A_201 : memref<1x2x125xi32, #tpu.memory_space<hbm>> -> memref<2x125xi32, #tpu.memory_space<hbm>>
        %dma_wait3A_203 = arith.constant 0 : i32
        %dma_wait3A_204 = arith.constant 0 : i32
        %dma_wait3A_205 = tpu.memref_slice %arg3[%add3A_198, %dma_wait3A_203, %dma_wait3A_204] : memref<2560x2x125xi32, #tpu.memory_space<hbm>> -> memref<1x2x125xi32, #tpu.memory_space<hbm>>
        %dma_wait3A_206 = tpu.memref_squeeze %dma_wait3A_205 : memref<1x2x125xi32, #tpu.memory_space<hbm>> -> memref<2x125xi32, #tpu.memory_space<hbm>>
        tpu.wait_dma2 semaphore(%arg15 : memref<!tpu.dma_semaphore, #tpu.memory_space<semaphore_mem>>) src(%dma_wait3A_206 : memref<2x125xi32, #tpu.memory_space<hbm>>) dst(%arg8 : memref<2x125xi32, #tpu.memory_space<vmem>>)
        %dma_start3A_207 = arith.constant 0 : i32
        %dma_start3A_208 = arith.constant 0 : i32
        %dma_start3A_209 = tpu.memref_slice %arg8[%dma_start3A_207, %dma_start3A_208] : memref<2x125xi32, #tpu.memory_space<vmem>> -> memref<1x125xi32, #tpu.memory_space<vmem>>
        %dma_start3A_210 = tpu.memref_squeeze %dma_start3A_209 : memref<1x125xi32, #tpu.memory_space<vmem>> -> memref<125xi32, #tpu.memory_space<vmem>>
        %dma_start3A_211 = arith.constant 0 : i32
        %dma_start3A_212 = arith.constant 0 : i32
        %dma_start3A_213 = tpu.memref_slice %arg2[%dma_start3A_211, %dma_start3A_212] : memref<10000x128xf32, #tpu.memory_space<hbm>> -> memref<10000x128xf32, #tpu.memory_space<hbm>>
        tpu.enqueue_indirect_dma source(%dma_start3A_213 : memref<10000x128xf32, #tpu.memory_space<hbm>>) target(%arg10 : memref<125x128xf32, #tpu.memory_space<vmem>>) offsets(%dma_start3A_210 : memref<125xi32, #tpu.memory_space<vmem>>) semaphore(%arg17 : memref<!tpu.dma_semaphore, #tpu.memory_space<semaphore_mem>>)
      } else {
      }
      %add3A_105 = arith.constant 2 : i32
      %add3A_106 = arith.addi %add3A_92, %add3A_105 : i32
      %lt3A_107 = arith.constant 80 : i32
      %lt3A_108 = arith.cmpi slt, %add3A_106, %lt3A_107 : i32
      %convert_element_type3A_109 = arith.extui %lt3A_108 : i1 to i32
      %cond3A_110 = arith.constant 0 : i32
      %cond3A_111 = arith.cmpi ne, %convert_element_type3A_109, %cond3A_110 : i32
      scf.if %cond3A_111 {
        %add3A_196 = arith.addi %mul3A_2, %add3A_92 : i32
        %add3A_197 = arith.constant 2 : i32
        %add3A_198 = arith.addi %add3A_196, %add3A_197 : i32
        %dma_start3A_199 = arith.constant 0 : i32
        %dma_start3A_200 = arith.constant 0 : i32
        %dma_start3A_201 = tpu.memref_slice %arg3[%add3A_198, %dma_start3A_199, %dma_start3A_200] : memref<2560x2x125xi32, #tpu.memory_space<hbm>> -> memref<1x2x125xi32, #tpu.memory_space<hbm>>
        %dma_start3A_202 = tpu.memref_squeeze %dma_start3A_201 : memref<1x2x125xi32, #tpu.memory_space<hbm>> -> memref<2x125xi32, #tpu.memory_space<hbm>>
        %dma_start3A_203 = arith.constant 0 : i32
        %dma_start3A_204 = arith.constant 0 : i32
        %dma_start3A_205 = tpu.memref_slice %arg3[%add3A_198, %dma_start3A_203, %dma_start3A_204] : memref<2560x2x125xi32, #tpu.memory_space<hbm>> -> memref<1x2x125xi32, #tpu.memory_space<hbm>>
        %dma_start3A_206 = tpu.memref_squeeze %dma_start3A_205 : memref<1x2x125xi32, #tpu.memory_space<hbm>> -> memref<2x125xi32, #tpu.memory_space<hbm>>
        tpu.enqueue_dma source(%dma_start3A_206 : memref<2x125xi32, #tpu.memory_space<hbm>>) target(%arg9 : memref<2x125xi32, #tpu.memory_space<vmem>>) target_semaphore(%arg16 : memref<!tpu.dma_semaphore, #tpu.memory_space<semaphore_mem>>)
      } else {
      }
      %dma_wait3A_112 = arith.constant 0 : i32
      %dma_wait3A_113 = arith.constant 0 : i32
      %dma_wait3A_114 = tpu.memref_slice %arg7[%dma_wait3A_112, %dma_wait3A_113] : memref<2x125xi32, #tpu.memory_space<vmem>> -> memref<1x125xi32, #tpu.memory_space<vmem>>
      %dma_wait3A_115 = tpu.memref_squeeze %dma_wait3A_114 : memref<1x125xi32, #tpu.memory_space<vmem>> -> memref<125xi32, #tpu.memory_space<vmem>>
      %dma_wait3A_116 = arith.constant 0 : i32
      %dma_wait3A_117 = arith.constant 0 : i32
      %dma_wait3A_118 = tpu.memref_slice %arg2[%dma_wait3A_116, %dma_wait3A_117] : memref<10000x128xf32, #tpu.memory_space<hbm>> -> memref<10000x128xf32, #tpu.memory_space<hbm>>
      tpu.wait_indirect_dma semaphore(%arg18 : memref<!tpu.dma_semaphore, #tpu.memory_space<semaphore_mem>>) src(%dma_wait3A_118 : memref<10000x128xf32, #tpu.memory_space<hbm>>) dst(%arg11 : memref<125x128xf32, #tpu.memory_space<vmem>>)
      %dma_start3A_119 = arith.constant 1 : i32
      %dma_start3A_120 = arith.constant 0 : i32
      %dma_start3A_121 = tpu.memref_slice %arg7[%dma_start3A_119, %dma_start3A_120] : memref<2x125xi32, #tpu.memory_space<vmem>> -> memref<1x125xi32, #tpu.memory_space<vmem>>
      %dma_start3A_122 = tpu.memref_squeeze %dma_start3A_121 : memref<1x125xi32, #tpu.memory_space<vmem>> -> memref<125xi32, #tpu.memory_space<vmem>>
      %dma_start3A_123 = arith.constant 0 : i32
      %dma_start3A_124 = arith.constant 0 : i32
      %dma_start3A_125 = tpu.memref_slice %arg12[%dma_start3A_123, %dma_start3A_124] : memref<10240x128xf32, #tpu.memory_space<vmem_shared>> -> memref<10240x128xf32, #tpu.memory_space<vmem_shared>>
      tpu.enqueue_indirect_dma source(%arg11 : memref<125x128xf32, #tpu.memory_space<vmem>>) target(%dma_start3A_125 : memref<10240x128xf32, #tpu.memory_space<vmem_shared>>) offsets(%dma_start3A_122 : memref<125xi32, #tpu.memory_space<vmem>>) semaphore(%arg20 : memref<!tpu.dma_semaphore, #tpu.memory_space<semaphore_mem>>) {add = true}
      %add3A_126 = arith.constant 2 : i32
      %add3A_127 = arith.addi %add3A_59, %add3A_126 : i32
      %ge3A_128 = arith.constant 1 : i32
      %ge3A_129 = arith.cmpi sge, %add3A_127, %ge3A_128 : i32
      %convert_element_type3A_130 = arith.extui %ge3A_129 : i1 to i32
      %cond3A_131 = arith.constant 0 : i32
      %cond3A_132 = arith.cmpi ne, %convert_element_type3A_130, %cond3A_131 : i32
      scf.if %cond3A_132 {
        %dma_wait3A_196 = arith.constant 1 : i32
        %dma_wait3A_197 = arith.constant 0 : i32
        %dma_wait3A_198 = tpu.memref_slice %arg7[%dma_wait3A_196, %dma_wait3A_197] : memref<2x125xi32, #tpu.memory_space<vmem>> -> memref<1x125xi32, #tpu.memory_space<vmem>>
        %dma_wait3A_199 = tpu.memref_squeeze %dma_wait3A_198 : memref<1x125xi32, #tpu.memory_space<vmem>> -> memref<125xi32, #tpu.memory_space<vmem>>
        %dma_wait3A_200 = arith.constant 0 : i32
        %dma_wait3A_201 = arith.constant 0 : i32
        %dma_wait3A_202 = tpu.memref_slice %arg12[%dma_wait3A_200, %dma_wait3A_201] : memref<10240x128xf32, #tpu.memory_space<vmem_shared>> -> memref<10240x128xf32, #tpu.memory_space<vmem_shared>>
        tpu.wait_indirect_dma semaphore(%arg20 : memref<!tpu.dma_semaphore, #tpu.memory_space<semaphore_mem>>) src(%arg11 : memref<125x128xf32, #tpu.memory_space<vmem>>) dst(%dma_wait3A_202 : memref<10240x128xf32, #tpu.memory_space<vmem_shared>>)
      } else {
      }
      %add3A_133 = arith.constant 1 : i32
      %add3A_134 = arith.addi %add3A_127, %add3A_133 : i32
      %lt3A_135 = arith.constant 80 : i32
      %lt3A_136 = arith.cmpi slt, %add3A_134, %lt3A_135 : i32
      %convert_element_type3A_137 = arith.extui %lt3A_136 : i1 to i32
      %cond3A_138 = arith.constant 0 : i32
      %cond3A_139 = arith.cmpi ne, %convert_element_type3A_137, %cond3A_138 : i32
      scf.if %cond3A_139 {
        %add3A_196 = arith.addi %mul3A_2, %add3A_127 : i32
        %add3A_197 = arith.constant 1 : i32
        %add3A_198 = arith.addi %add3A_196, %add3A_197 : i32
        %dma_wait3A_199 = arith.constant 0 : i32
        %dma_wait3A_200 = arith.constant 0 : i32
        %dma_wait3A_201 = tpu.memref_slice %arg3[%add3A_198, %dma_wait3A_199, %dma_wait3A_200] : memref<2560x2x125xi32, #tpu.memory_space<hbm>> -> memref<1x2x125xi32, #tpu.memory_space<hbm>>
        %dma_wait3A_202 = tpu.memref_squeeze %dma_wait3A_201 : memref<1x2x125xi32, #tpu.memory_space<hbm>> -> memref<2x125xi32, #tpu.memory_space<hbm>>
        %dma_wait3A_203 = arith.constant 0 : i32
        %dma_wait3A_204 = arith.constant 0 : i32
        %dma_wait3A_205 = tpu.memref_slice %arg3[%add3A_198, %dma_wait3A_203, %dma_wait3A_204] : memref<2560x2x125xi32, #tpu.memory_space<hbm>> -> memref<1x2x125xi32, #tpu.memory_space<hbm>>
        %dma_wait3A_206 = tpu.memref_squeeze %dma_wait3A_205 : memref<1x2x125xi32, #tpu.memory_space<hbm>> -> memref<2x125xi32, #tpu.memory_space<hbm>>
        tpu.wait_dma2 semaphore(%arg16 : memref<!tpu.dma_semaphore, #tpu.memory_space<semaphore_mem>>) src(%dma_wait3A_206 : memref<2x125xi32, #tpu.memory_space<hbm>>) dst(%arg9 : memref<2x125xi32, #tpu.memory_space<vmem>>)
        %dma_start3A_207 = arith.constant 0 : i32
        %dma_start3A_208 = arith.constant 0 : i32
        %dma_start3A_209 = tpu.memref_slice %arg9[%dma_start3A_207, %dma_start3A_208] : memref<2x125xi32, #tpu.memory_space<vmem>> -> memref<1x125xi32, #tpu.memory_space<vmem>>
        %dma_start3A_210 = tpu.memref_squeeze %dma_start3A_209 : memref<1x125xi32, #tpu.memory_space<vmem>> -> memref<125xi32, #tpu.memory_space<vmem>>
        %dma_start3A_211 = arith.constant 0 : i32
        %dma_start3A_212 = arith.constant 0 : i32
        %dma_start3A_213 = tpu.memref_slice %arg2[%dma_start3A_211, %dma_start3A_212] : memref<10000x128xf32, #tpu.memory_space<hbm>> -> memref<10000x128xf32, #tpu.memory_space<hbm>>
        tpu.enqueue_indirect_dma source(%dma_start3A_213 : memref<10000x128xf32, #tpu.memory_space<hbm>>) target(%arg11 : memref<125x128xf32, #tpu.memory_space<vmem>>) offsets(%dma_start3A_210 : memref<125xi32, #tpu.memory_space<vmem>>) semaphore(%arg18 : memref<!tpu.dma_semaphore, #tpu.memory_space<semaphore_mem>>)
      } else {
      }
      %add3A_140 = arith.constant 2 : i32
      %add3A_141 = arith.addi %add3A_127, %add3A_140 : i32
      %lt3A_142 = arith.constant 80 : i32
      %lt3A_143 = arith.cmpi slt, %add3A_141, %lt3A_142 : i32
      %convert_element_type3A_144 = arith.extui %lt3A_143 : i1 to i32
      %cond3A_145 = arith.constant 0 : i32
      %cond3A_146 = arith.cmpi ne, %convert_element_type3A_144, %cond3A_145 : i32
      scf.if %cond3A_146 {
        %add3A_196 = arith.addi %mul3A_2, %add3A_127 : i32
        %add3A_197 = arith.constant 2 : i32
        %add3A_198 = arith.addi %add3A_196, %add3A_197 : i32
        %dma_start3A_199 = arith.constant 0 : i32
        %dma_start3A_200 = arith.constant 0 : i32
        %dma_start3A_201 = tpu.memref_slice %arg3[%add3A_198, %dma_start3A_199, %dma_start3A_200] : memref<2560x2x125xi32, #tpu.memory_space<hbm>> -> memref<1x2x125xi32, #tpu.memory_space<hbm>>
        %dma_start3A_202 = tpu.memref_squeeze %dma_start3A_201 : memref<1x2x125xi32, #tpu.memory_space<hbm>> -> memref<2x125xi32, #tpu.memory_space<hbm>>
        %dma_start3A_203 = arith.constant 0 : i32
        %dma_start3A_204 = arith.constant 0 : i32
        %dma_start3A_205 = tpu.memref_slice %arg3[%add3A_198, %dma_start3A_203, %dma_start3A_204] : memref<2560x2x125xi32, #tpu.memory_space<hbm>> -> memref<1x2x125xi32, #tpu.memory_space<hbm>>
        %dma_start3A_206 = tpu.memref_squeeze %dma_start3A_205 : memref<1x2x125xi32, #tpu.memory_space<hbm>> -> memref<2x125xi32, #tpu.memory_space<hbm>>
        tpu.enqueue_dma source(%dma_start3A_206 : memref<2x125xi32, #tpu.memory_space<hbm>>) target(%arg6 : memref<2x125xi32, #tpu.memory_space<vmem>>) target_semaphore(%arg13 : memref<!tpu.dma_semaphore, #tpu.memory_space<semaphore_mem>>)
      } else {
      }
      %dma_wait3A_147 = arith.constant 0 : i32
      %dma_wait3A_148 = arith.constant 0 : i32
      %dma_wait3A_149 = tpu.memref_slice %arg8[%dma_wait3A_147, %dma_wait3A_148] : memref<2x125xi32, #tpu.memory_space<vmem>> -> memref<1x125xi32, #tpu.memory_space<vmem>>
      %dma_wait3A_150 = tpu.memref_squeeze %dma_wait3A_149 : memref<1x125xi32, #tpu.memory_space<vmem>> -> memref<125xi32, #tpu.memory_space<vmem>>
      %dma_wait3A_151 = arith.constant 0 : i32
      %dma_wait3A_152 = arith.constant 0 : i32
      %dma_wait3A_153 = tpu.memref_slice %arg2[%dma_wait3A_151, %dma_wait3A_152] : memref<10000x128xf32, #tpu.memory_space<hbm>> -> memref<10000x128xf32, #tpu.memory_space<hbm>>
      tpu.wait_indirect_dma semaphore(%arg17 : memref<!tpu.dma_semaphore, #tpu.memory_space<semaphore_mem>>) src(%dma_wait3A_153 : memref<10000x128xf32, #tpu.memory_space<hbm>>) dst(%arg10 : memref<125x128xf32, #tpu.memory_space<vmem>>)
      %dma_start3A_154 = arith.constant 1 : i32
      %dma_start3A_155 = arith.constant 0 : i32
      %dma_start3A_156 = tpu.memref_slice %arg8[%dma_start3A_154, %dma_start3A_155] : memref<2x125xi32, #tpu.memory_space<vmem>> -> memref<1x125xi32, #tpu.memory_space<vmem>>
      %dma_start3A_157 = tpu.memref_squeeze %dma_start3A_156 : memref<1x125xi32, #tpu.memory_space<vmem>> -> memref<125xi32, #tpu.memory_space<vmem>>
      %dma_start3A_158 = arith.constant 0 : i32
      %dma_start3A_159 = arith.constant 0 : i32
      %dma_start3A_160 = tpu.memref_slice %arg12[%dma_start3A_158, %dma_start3A_159] : memref<10240x128xf32, #tpu.memory_space<vmem_shared>> -> memref<10240x128xf32, #tpu.memory_space<vmem_shared>>
      tpu.enqueue_indirect_dma source(%arg10 : memref<125x128xf32, #tpu.memory_space<vmem>>) target(%dma_start3A_160 : memref<10240x128xf32, #tpu.memory_space<vmem_shared>>) offsets(%dma_start3A_157 : memref<125xi32, #tpu.memory_space<vmem>>) semaphore(%arg19 : memref<!tpu.dma_semaphore, #tpu.memory_space<semaphore_mem>>) {add = true}
      %add3A_161 = arith.constant 3 : i32
      %add3A_162 = arith.addi %add3A_59, %add3A_161 : i32
      %ge3A_163 = arith.constant 1 : i32
      %ge3A_164 = arith.cmpi sge, %add3A_162, %ge3A_163 : i32
      %convert_element_type3A_165 = arith.extui %ge3A_164 : i1 to i32
      %cond3A_166 = arith.constant 0 : i32
      %cond3A_167 = arith.cmpi ne, %convert_element_type3A_165, %cond3A_166 : i32
      scf.if %cond3A_167 {
        %dma_wait3A_196 = arith.constant 1 : i32
        %dma_wait3A_197 = arith.constant 0 : i32
        %dma_wait3A_198 = tpu.memref_slice %arg8[%dma_wait3A_196, %dma_wait3A_197] : memref<2x125xi32, #tpu.memory_space<vmem>> -> memref<1x125xi32, #tpu.memory_space<vmem>>
        %dma_wait3A_199 = tpu.memref_squeeze %dma_wait3A_198 : memref<1x125xi32, #tpu.memory_space<vmem>> -> memref<125xi32, #tpu.memory_space<vmem>>
        %dma_wait3A_200 = arith.constant 0 : i32
        %dma_wait3A_201 = arith.constant 0 : i32
        %dma_wait3A_202 = tpu.memref_slice %arg12[%dma_wait3A_200, %dma_wait3A_201] : memref<10240x128xf32, #tpu.memory_space<vmem_shared>> -> memref<10240x128xf32, #tpu.memory_space<vmem_shared>>
        tpu.wait_indirect_dma semaphore(%arg19 : memref<!tpu.dma_semaphore, #tpu.memory_space<semaphore_mem>>) src(%arg10 : memref<125x128xf32, #tpu.memory_space<vmem>>) dst(%dma_wait3A_202 : memref<10240x128xf32, #tpu.memory_space<vmem_shared>>)
      } else {
      }
      %add3A_168 = arith.constant 1 : i32
      %add3A_169 = arith.addi %add3A_162, %add3A_168 : i32
      %lt3A_170 = arith.constant 80 : i32
      %lt3A_171 = arith.cmpi slt, %add3A_169, %lt3A_170 : i32
      %convert_element_type3A_172 = arith.extui %lt3A_171 : i1 to i32
      %cond3A_173 = arith.constant 0 : i32
      %cond3A_174 = arith.cmpi ne, %convert_element_type3A_172, %cond3A_173 : i32
      scf.if %cond3A_174 {
        %add3A_196 = arith.addi %mul3A_2, %add3A_162 : i32
        %add3A_197 = arith.constant 1 : i32
        %add3A_198 = arith.addi %add3A_196, %add3A_197 : i32
        %dma_wait3A_199 = arith.constant 0 : i32
        %dma_wait3A_200 = arith.constant 0 : i32
        %dma_wait3A_201 = tpu.memref_slice %arg3[%add3A_198, %dma_wait3A_199, %dma_wait3A_200] : memref<2560x2x125xi32, #tpu.memory_space<hbm>> -> memref<1x2x125xi32, #tpu.memory_space<hbm>>
        %dma_wait3A_202 = tpu.memref_squeeze %dma_wait3A_201 : memref<1x2x125xi32, #tpu.memory_space<hbm>> -> memref<2x125xi32, #tpu.memory_space<hbm>>
        %dma_wait3A_203 = arith.constant 0 : i32
        %dma_wait3A_204 = arith.constant 0 : i32
        %dma_wait3A_205 = tpu.memref_slice %arg3[%add3A_198, %dma_wait3A_203, %dma_wait3A_204] : memref<2560x2x125xi32, #tpu.memory_space<hbm>> -> memref<1x2x125xi32, #tpu.memory_space<hbm>>
        %dma_wait3A_206 = tpu.memref_squeeze %dma_wait3A_205 : memref<1x2x125xi32, #tpu.memory_space<hbm>> -> memref<2x125xi32, #tpu.memory_space<hbm>>
        tpu.wait_dma2 semaphore(%arg13 : memref<!tpu.dma_semaphore, #tpu.memory_space<semaphore_mem>>) src(%dma_wait3A_206 : memref<2x125xi32, #tpu.memory_space<hbm>>) dst(%arg6 : memref<2x125xi32, #tpu.memory_space<vmem>>)
        %dma_start3A_207 = arith.constant 0 : i32
        %dma_start3A_208 = arith.constant 0 : i32
        %dma_start3A_209 = tpu.memref_slice %arg6[%dma_start3A_207, %dma_start3A_208] : memref<2x125xi32, #tpu.memory_space<vmem>> -> memref<1x125xi32, #tpu.memory_space<vmem>>
        %dma_start3A_210 = tpu.memref_squeeze %dma_start3A_209 : memref<1x125xi32, #tpu.memory_space<vmem>> -> memref<125xi32, #tpu.memory_space<vmem>>
        %dma_start3A_211 = arith.constant 0 : i32
        %dma_start3A_212 = arith.constant 0 : i32
        %dma_start3A_213 = tpu.memref_slice %arg2[%dma_start3A_211, %dma_start3A_212] : memref<10000x128xf32, #tpu.memory_space<hbm>> -> memref<10000x128xf32, #tpu.memory_space<hbm>>
        tpu.enqueue_indirect_dma source(%dma_start3A_213 : memref<10000x128xf32, #tpu.memory_space<hbm>>) target(%arg10 : memref<125x128xf32, #tpu.memory_space<vmem>>) offsets(%dma_start3A_210 : memref<125xi32, #tpu.memory_space<vmem>>) semaphore(%arg17 : memref<!tpu.dma_semaphore, #tpu.memory_space<semaphore_mem>>)
      } else {
      }
      %add3A_175 = arith.constant 2 : i32
      %add3A_176 = arith.addi %add3A_162, %add3A_175 : i32
      %lt3A_177 = arith.constant 80 : i32
      %lt3A_178 = arith.cmpi slt, %add3A_176, %lt3A_177 : i32
      %convert_element_type3A_179 = arith.extui %lt3A_178 : i1 to i32
      %cond3A_180 = arith.constant 0 : i32
      %cond3A_181 = arith.cmpi ne, %convert_element_type3A_179, %cond3A_180 : i32
      scf.if %cond3A_181 {
        %add3A_196 = arith.addi %mul3A_2, %add3A_162 : i32
        %add3A_197 = arith.constant 2 : i32
        %add3A_198 = arith.addi %add3A_196, %add3A_197 : i32
        %dma_start3A_199 = arith.constant 0 : i32
        %dma_start3A_200 = arith.constant 0 : i32
        %dma_start3A_201 = tpu.memref_slice %arg3[%add3A_198, %dma_start3A_199, %dma_start3A_200] : memref<2560x2x125xi32, #tpu.memory_space<hbm>> -> memref<1x2x125xi32, #tpu.memory_space<hbm>>
        %dma_start3A_202 = tpu.memref_squeeze %dma_start3A_201 : memref<1x2x125xi32, #tpu.memory_space<hbm>> -> memref<2x125xi32, #tpu.memory_space<hbm>>
        %dma_start3A_203 = arith.constant 0 : i32
        %dma_start3A_204 = arith.constant 0 : i32
        %dma_start3A_205 = tpu.memref_slice %arg3[%add3A_198, %dma_start3A_203, %dma_start3A_204] : memref<2560x2x125xi32, #tpu.memory_space<hbm>> -> memref<1x2x125xi32, #tpu.memory_space<hbm>>
        %dma_start3A_206 = tpu.memref_squeeze %dma_start3A_205 : memref<1x2x125xi32, #tpu.memory_space<hbm>> -> memref<2x125xi32, #tpu.memory_space<hbm>>
        tpu.enqueue_dma source(%dma_start3A_206 : memref<2x125xi32, #tpu.memory_space<hbm>>) target(%arg7 : memref<2x125xi32, #tpu.memory_space<vmem>>) target_semaphore(%arg14 : memref<!tpu.dma_semaphore, #tpu.memory_space<semaphore_mem>>)
      } else {
      }
      %dma_wait3A_182 = arith.constant 0 : i32
      %dma_wait3A_183 = arith.constant 0 : i32
      %dma_wait3A_184 = tpu.memref_slice %arg9[%dma_wait3A_182, %dma_wait3A_183] : memref<2x125xi32, #tpu.memory_space<vmem>> -> memref<1x125xi32, #tpu.memory_space<vmem>>
      %dma_wait3A_185 = tpu.memref_squeeze %dma_wait3A_184 : memref<1x125xi32, #tpu.memory_space<vmem>> -> memref<125xi32, #tpu.memory_space<vmem>>
      %dma_wait3A_186 = arith.constant 0 : i32
      %dma_wait3A_187 = arith.constant 0 : i32
      %dma_wait3A_188 = tpu.memref_slice %arg2[%dma_wait3A_186, %dma_wait3A_187] : memref<10000x128xf32, #tpu.memory_space<hbm>> -> memref<10000x128xf32, #tpu.memory_space<hbm>>
      tpu.wait_indirect_dma semaphore(%arg18 : memref<!tpu.dma_semaphore, #tpu.memory_space<semaphore_mem>>) src(%dma_wait3A_188 : memref<10000x128xf32, #tpu.memory_space<hbm>>) dst(%arg11 : memref<125x128xf32, #tpu.memory_space<vmem>>)
      %dma_start3A_189 = arith.constant 1 : i32
      %dma_start3A_190 = arith.constant 0 : i32
      %dma_start3A_191 = tpu.memref_slice %arg9[%dma_start3A_189, %dma_start3A_190] : memref<2x125xi32, #tpu.memory_space<vmem>> -> memref<1x125xi32, #tpu.memory_space<vmem>>
      %dma_start3A_192 = tpu.memref_squeeze %dma_start3A_191 : memref<1x125xi32, #tpu.memory_space<vmem>> -> memref<125xi32, #tpu.memory_space<vmem>>
      %dma_start3A_193 = arith.constant 0 : i32
      %dma_start3A_194 = arith.constant 0 : i32
      %dma_start3A_195 = tpu.memref_slice %arg12[%dma_start3A_193, %dma_start3A_194] : memref<10240x128xf32, #tpu.memory_space<vmem_shared>> -> memref<10240x128xf32, #tpu.memory_space<vmem_shared>>
      tpu.enqueue_indirect_dma source(%arg11 : memref<125x128xf32, #tpu.memory_space<vmem>>) target(%dma_start3A_195 : memref<10240x128xf32, #tpu.memory_space<vmem_shared>>) offsets(%dma_start3A_192 : memref<125xi32, #tpu.memory_space<vmem>>) semaphore(%arg20 : memref<!tpu.dma_semaphore, #tpu.memory_space<semaphore_mem>>) {add = true}
    }
    %scan3A_39 = arith.constant 20 : i32
    %dma_wait3A_40 = arith.constant 1 : i32
    %dma_wait3A_41 = arith.constant 0 : i32
    %dma_wait3A_42 = tpu.memref_slice %arg9[%dma_wait3A_40, %dma_wait3A_41] : memref<2x125xi32, #tpu.memory_space<vmem>> -> memref<1x125xi32, #tpu.memory_space<vmem>>
    %dma_wait3A_43 = tpu.memref_squeeze %dma_wait3A_42 : memref<1x125xi32, #tpu.memory_space<vmem>> -> memref<125xi32, #tpu.memory_space<vmem>>
    %dma_wait3A_44 = arith.constant 0 : i32
    %dma_wait3A_45 = arith.constant 0 : i32
    %dma_wait3A_46 = tpu.memref_slice %arg12[%dma_wait3A_44, %dma_wait3A_45] : memref<10240x128xf32, #tpu.memory_space<vmem_shared>> -> memref<10240x128xf32, #tpu.memory_space<vmem_shared>>
    tpu.wait_indirect_dma semaphore(%arg20 : memref<!tpu.dma_semaphore, #tpu.memory_space<semaphore_mem>>) src(%arg11 : memref<125x128xf32, #tpu.memory_space<vmem>>) dst(%dma_wait3A_46 : memref<10240x128xf32, #tpu.memory_space<vmem_shared>>)
    %barrier3A_47 = arith.constant 0 : index
    tpu.barrier barrier_id(%barrier3A_47)
    %mul3A_48 = arith.constant 640 : i32
    %mul3A_49 = arith.muli %arg1, %mul3A_48 : i32
    %mul3A_50 = arith.constant 10240 : i32
    %mul3A_51 = arith.muli %arg0, %mul3A_50 : i32
    %mul3A_52 = arith.constant 640 : i32
    %mul3A_53 = arith.muli %arg1, %mul3A_52 : i32
    %add3A_54 = arith.addi %mul3A_51, %mul3A_53 : i32
    "tpu.region"() ({
      %run_scoped3A = tpu.sem_alloc : memref<!tpu.dma_semaphore, #tpu.memory_space<semaphore_mem>>
      %dma_start3A_55 = arith.constant 0 : i32
      %dma_start3A_56 = tpu.memref_slice %arg5[%add3A_54, %dma_start3A_55] : memref<20480x128xf32, #tpu.memory_space<hbm>> -> memref<640x128xf32, #tpu.memory_space<hbm>>
      %dma_start3A_57 = arith.constant 0 : i32
      %dma_start3A_58 = tpu.memref_slice %arg12[%mul3A_49, %dma_start3A_57] : memref<10240x128xf32, #tpu.memory_space<vmem_shared>> -> memref<640x128xf32, #tpu.memory_space<vmem_shared>>
      tpu.enqueue_dma source(%dma_start3A_58 : memref<640x128xf32, #tpu.memory_space<vmem_shared>>) target(%dma_start3A_56 : memref<640x128xf32, #tpu.memory_space<hbm>>) target_semaphore(%run_scoped3A : memref<!tpu.dma_semaphore, #tpu.memory_space<semaphore_mem>>)
      %dma_wait3A_59 = arith.constant 0 : i32
      %dma_wait3A_60 = tpu.memref_slice %arg5[%add3A_54, %dma_wait3A_59] : memref<20480x128xf32, #tpu.memory_space<hbm>> -> memref<640x128xf32, #tpu.memory_space<hbm>>
      %dma_wait3A_61 = arith.constant 0 : i32
      %dma_wait3A_62 = tpu.memref_slice %arg12[%mul3A_49, %dma_wait3A_61] : memref<10240x128xf32, #tpu.memory_space<vmem_shared>> -> memref<640x128xf32, #tpu.memory_space<vmem_shared>>
      tpu.wait_dma2 semaphore(%run_scoped3A : memref<!tpu.dma_semaphore, #tpu.memory_space<semaphore_mem>>) src(%dma_wait3A_62 : memref<640x128xf32, #tpu.memory_space<vmem_shared>>) dst(%dma_wait3A_60 : memref<640x128xf32, #tpu.memory_space<hbm>>)
      tpu.yield
    }) : () -> ()
    return
  }
}

#map = affine_map<(d0, d1) -> (0, 0)>
#map1 = affine_map<(d0, d1) -> (0, 0, 0)>
module attributes {stable_mosaic.version = 14 : i64} {
  func.func @agg_kernel(%arg0: i32, %arg1: i32, %arg2: memref<10000x128xf32, #tpu.memory_space<hbm>>, %arg3: memref<2560x2x125xi32, #tpu.memory_space<hbm>>, %arg4: memref<640x128xf32, #tpu.memory_space<hbm>>, %arg5: memref<20480x128xf32, #tpu.memory_space<hbm>>, %arg6: memref<2x125xi32, #tpu.memory_space<vmem>>, %arg7: memref<2x125xi32, #tpu.memory_space<vmem>>, %arg8: memref<2x125xi32, #tpu.memory_space<vmem>>, %arg9: memref<2x125xi32, #tpu.memory_space<vmem>>, %arg10: memref<125x128xf32, #tpu.memory_space<vmem>>, %arg11: memref<125x128xf32, #tpu.memory_space<vmem>>, %arg12: memref<10240x128xf32, #tpu.memory_space<vmem_shared>>, %arg13: memref<!tpu.dma_semaphore, #tpu.memory_space<semaphore_mem>>, %arg14: memref<!tpu.dma_semaphore, #tpu.memory_space<semaphore_mem>>, %arg15: memref<!tpu.dma_semaphore, #tpu.memory_space<semaphore_mem>>, %arg16: memref<!tpu.dma_semaphore, #tpu.memory_space<semaphore_mem>>, %arg17: memref<!tpu.dma_semaphore, #tpu.memory_space<semaphore_mem>>, %arg18: memref<!tpu.dma_semaphore, #tpu.memory_space<semaphore_mem>>, %arg19: memref<!tpu.dma_semaphore, #tpu.memory_space<semaphore_mem>>, %arg20: memref<!tpu.dma_semaphore, #tpu.memory_space<semaphore_mem>>) attributes {dimension_semantics = [#tpu.dimension_semantics<core_parallel>, #tpu.dimension_semantics<subcore_parallel>], iteration_bounds = array<i64: 2, 16>, scalar_prefetch = 0 : i64, scratch_operands = 15 : i64, tpu.core_type = #tpu.core_type<sc_vector_subcore>, window_params = [{transform_indices = #map}, {transform_indices = #map1}, {transform_indices = #map}, {transform_indices = #map}]} {
    %mul3A = arith.constant 16 : i32
    %mul3A_0 = arith.muli %arg0, %mul3A : i32
    %add3A = arith.addi %mul3A_0, %arg1 : i32
    %mul3A_1 = arith.constant 80 : i32
    %mul3A_2 = arith.muli %add3A, %mul3A_1 : i32
    %dma_start3A = arith.constant 0 : i32
    %dma_start3A_3 = arith.constant 0 : i32
    %dma_start3A_4 = tpu.memref_slice %arg3[%mul3A_2, %dma_start3A, %dma_start3A_3] : memref<2560x2x125xi32, #tpu.memory_space<hbm>> -> memref<1x2x125xi32, #tpu.memory_space<hbm>>
    %dma_start3A_5 = tpu.memref_squeeze %dma_start3A_4 : memref<1x2x125xi32, #tpu.memory_space<hbm>> -> memref<2x125xi32, #tpu.memory_space<hbm>>
    %dma_start3A_6 = arith.constant 0 : i32
    %dma_start3A_7 = arith.constant 0 : i32
    %dma_start3A_8 = tpu.memref_slice %arg3[%mul3A_2, %dma_start3A_6, %dma_start3A_7] : memref<2560x2x125xi32, #tpu.memory_space<hbm>> -> memref<1x2x125xi32, #tpu.memory_space<hbm>>
    %dma_start3A_9 = tpu.memref_squeeze %dma_start3A_8 : memref<1x2x125xi32, #tpu.memory_space<hbm>> -> memref<2x125xi32, #tpu.memory_space<hbm>>
    tpu.enqueue_dma source(%dma_start3A_9 : memref<2x125xi32, #tpu.memory_space<hbm>>) target(%arg6 : memref<2x125xi32, #tpu.memory_space<vmem>>) target_semaphore(%arg13 : memref<!tpu.dma_semaphore, #tpu.memory_space<semaphore_mem>>)
    %mul3A_10 = arith.constant 640 : i32
    %mul3A_11 = arith.muli %arg1, %mul3A_10 : i32
    "tpu.region"() ({
      %run_scoped3A = tpu.sem_alloc : memref<!tpu.dma_semaphore, #tpu.memory_space<semaphore_mem>>
      %dma_start3A_55 = arith.constant 0 : i32
      %dma_start3A_56 = tpu.memref_slice %arg12[%mul3A_11, %dma_start3A_55] : memref<10240x128xf32, #tpu.memory_space<vmem_shared>> -> memref<640x128xf32, #tpu.memory_space<vmem_shared>>
      tpu.enqueue_dma source(%arg4 : memref<640x128xf32, #tpu.memory_space<hbm>>) target(%dma_start3A_56 : memref<640x128xf32, #tpu.memory_space<vmem_shared>>) target_semaphore(%run_scoped3A : memref<!tpu.dma_semaphore, #tpu.memory_space<semaphore_mem>>)
      %dma_wait3A_57 = arith.constant 0 : i32
      %dma_wait3A_58 = tpu.memref_slice %arg12[%mul3A_11, %dma_wait3A_57] : memref<10240x128xf32, #tpu.memory_space<vmem_shared>> -> memref<640x128xf32, #tpu.memory_space<vmem_shared>>
      tpu.wait_dma2 semaphore(%run_scoped3A : memref<!tpu.dma_semaphore, #tpu.memory_space<semaphore_mem>>) src(%arg4 : memref<640x128xf32, #tpu.memory_space<hbm>>) dst(%dma_wait3A_58 : memref<640x128xf32, #tpu.memory_space<vmem_shared>>)
      tpu.yield
    }) : () -> ()
    %dma_wait3A = arith.constant 0 : i32
    %dma_wait3A_12 = arith.constant 0 : i32
    %dma_wait3A_13 = tpu.memref_slice %arg3[%mul3A_2, %dma_wait3A, %dma_wait3A_12] : memref<2560x2x125xi32, #tpu.memory_space<hbm>> -> memref<1x2x125xi32, #tpu.memory_space<hbm>>
    %dma_wait3A_14 = tpu.memref_squeeze %dma_wait3A_13 : memref<1x2x125xi32, #tpu.memory_space<hbm>> -> memref<2x125xi32, #tpu.memory_space<hbm>>
    %dma_wait3A_15 = arith.constant 0 : i32
    %dma_wait3A_16 = arith.constant 0 : i32
    %dma_wait3A_17 = tpu.memref_slice %arg3[%mul3A_2, %dma_wait3A_15, %dma_wait3A_16] : memref<2560x2x125xi32, #tpu.memory_space<hbm>> -> memref<1x2x125xi32, #tpu.memory_space<hbm>>
    %dma_wait3A_18 = tpu.memref_squeeze %dma_wait3A_17 : memref<1x2x125xi32, #tpu.memory_space<hbm>> -> memref<2x125xi32, #tpu.memory_space<hbm>>
    tpu.wait_dma2 semaphore(%arg13 : memref<!tpu.dma_semaphore, #tpu.memory_space<semaphore_mem>>) src(%dma_wait3A_18 : memref<2x125xi32, #tpu.memory_space<hbm>>) dst(%arg6 : memref<2x125xi32, #tpu.memory_space<vmem>>)
    %dma_start3A_19 = arith.constant 0 : i32
    %dma_start3A_20 = arith.constant 0 : i32
    %dma_start3A_21 = tpu.memref_slice %arg6[%dma_start3A_19, %dma_start3A_20] : memref<2x125xi32, #tpu.memory_space<vmem>> -> memref<1x125xi32, #tpu.memory_space<vmem>>
    %dma_start3A_22 = tpu.memref_squeeze %dma_start3A_21 : memref<1x125xi32, #tpu.memory_space<vmem>> -> memref<125xi32, #tpu.memory_space<vmem>>
    %dma_start3A_23 = arith.constant 0 : i32
    %dma_start3A_24 = arith.constant 0 : i32
    %dma_start3A_25 = tpu.memref_slice %arg2[%dma_start3A_23, %dma_start3A_24] : memref<10000x128xf32, #tpu.memory_space<hbm>> -> memref<10000x128xf32, #tpu.memory_space<hbm>>
    tpu.enqueue_indirect_dma source(%dma_start3A_25 : memref<10000x128xf32, #tpu.memory_space<hbm>>) target(%arg10 : memref<125x128xf32, #tpu.memory_space<vmem>>) offsets(%dma_start3A_22 : memref<125xi32, #tpu.memory_space<vmem>>) semaphore(%arg17 : memref<!tpu.dma_semaphore, #tpu.memory_space<semaphore_mem>>)
    %add3A_26 = arith.constant 1 : i32
    %add3A_27 = arith.addi %mul3A_2, %add3A_26 : i32
    %dma_start3A_28 = arith.constant 0 : i32
    %dma_start3A_29 = arith.constant 0 : i32
    %dma_start3A_30 = tpu.memref_slice %arg3[%add3A_27, %dma_start3A_28, %dma_start3A_29] : memref<2560x2x125xi32, #tpu.memory_space<hbm>> -> memref<1x2x125xi32, #tpu.memory_space<hbm>>
    %dma_start3A_31 = tpu.memref_squeeze %dma_start3A_30 : memref<1x2x125xi32, #tpu.memory_space<hbm>> -> memref<2x125xi32, #tpu.memory_space<hbm>>
    %dma_start3A_32 = arith.constant 0 : i32
    %dma_start3A_33 = arith.constant 0 : i32
    %dma_start3A_34 = tpu.memref_slice %arg3[%add3A_27, %dma_start3A_32, %dma_start3A_33] : memref<2560x2x125xi32, #tpu.memory_space<hbm>> -> memref<1x2x125xi32, #tpu.memory_space<hbm>>
    %dma_start3A_35 = tpu.memref_squeeze %dma_start3A_34 : memref<1x2x125xi32, #tpu.memory_space<hbm>> -> memref<2x125xi32, #tpu.memory_space<hbm>>
    tpu.enqueue_dma source(%dma_start3A_35 : memref<2x125xi32, #tpu.memory_space<hbm>>) target(%arg7 : memref<2x125xi32, #tpu.memory_space<vmem>>) target_semaphore(%arg14 : memref<!tpu.dma_semaphore, #tpu.memory_space<semaphore_mem>>)
    %barrier3A = arith.constant 0 : index
    tpu.barrier barrier_id(%barrier3A)
    %scan3A = arith.constant 0 : i32
    %scan3A_36 = arith.constant 20 : i32
    %scan3A_37 = arith.addi %scan3A, %scan3A_36 : i32
    %scan3A_38 = arith.constant 1 : i32
    scf.for %scan3A_55 = %scan3A to %scan3A_37 step %scan3A_38  : i32 {
      %mul3A_56 = arith.constant 4 : i32
      %mul3A_57 = arith.muli %scan3A_55, %mul3A_56 : i32
      %add3A_58 = arith.constant 0 : i32
      %add3A_59 = arith.addi %add3A_58, %mul3A_57 : i32
      %add3A_60 = arith.constant 0 : i32
      %add3A_61 = arith.addi %add3A_59, %add3A_60 : i32
      %ge3A = arith.constant 1 : i32
      %ge3A_62 = arith.cmpi sge, %add3A_61, %ge3A : i32
      %convert_element_type3A = arith.extui %ge3A_62 : i1 to i32
      %cond3A = arith.constant 0 : i32
      %cond3A_63 = arith.cmpi ne, %convert_element_type3A, %cond3A : i32
      scf.if %cond3A_63 {
        %dma_wait3A_196 = arith.constant 1 : i32
        %dma_wait3A_197 = arith.constant 0 : i32
        %dma_wait3A_198 = tpu.memref_slice %arg9[%dma_wait3A_196, %dma_wait3A_197] : memref<2x125xi32, #tpu.memory_space<vmem>> -> memref<1x125xi32, #tpu.memory_space<vmem>>
        %dma_wait3A_199 = tpu.memref_squeeze %dma_wait3A_198 : memref<1x125xi32, #tpu.memory_space<vmem>> -> memref<125xi32, #tpu.memory_space<vmem>>
        %dma_wait3A_200 = arith.constant 0 : i32
        %dma_wait3A_201 = arith.constant 0 : i32
        %dma_wait3A_202 = tpu.memref_slice %arg12[%dma_wait3A_200, %dma_wait3A_201] : memref<10240x128xf32, #tpu.memory_space<vmem_shared>> -> memref<10240x128xf32, #tpu.memory_space<vmem_shared>>
        tpu.wait_indirect_dma semaphore(%arg20 : memref<!tpu.dma_semaphore, #tpu.memory_space<semaphore_mem>>) src(%arg11 : memref<125x128xf32, #tpu.memory_space<vmem>>) dst(%dma_wait3A_202 : memref<10240x128xf32, #tpu.memory_space<vmem_shared>>)
      } else {
      }
      %add3A_64 = arith.constant 1 : i32
      %add3A_65 = arith.addi %add3A_61, %add3A_64 : i32
      %lt3A = arith.constant 80 : i32
      %lt3A_66 = arith.cmpi slt, %add3A_65, %lt3A : i32
      %convert_element_type3A_67 = arith.extui %lt3A_66 : i1 to i32
      %cond3A_68 = arith.constant 0 : i32
      %cond3A_69 = arith.cmpi ne, %convert_element_type3A_67, %cond3A_68 : i32
      scf.if %cond3A_69 {
        %add3A_196 = arith.addi %mul3A_2, %add3A_61 : i32
        %add3A_197 = arith.constant 1 : i32
        %add3A_198 = arith.addi %add3A_196, %add3A_197 : i32
        %dma_wait3A_199 = arith.constant 0 : i32
        %dma_wait3A_200 = arith.constant 0 : i32
        %dma_wait3A_201 = tpu.memref_slice %arg3[%add3A_198, %dma_wait3A_199, %dma_wait3A_200] : memref<2560x2x125xi32, #tpu.memory_space<hbm>> -> memref<1x2x125xi32, #tpu.memory_space<hbm>>
        %dma_wait3A_202 = tpu.memref_squeeze %dma_wait3A_201 : memref<1x2x125xi32, #tpu.memory_space<hbm>> -> memref<2x125xi32, #tpu.memory_space<hbm>>
        %dma_wait3A_203 = arith.constant 0 : i32
        %dma_wait3A_204 = arith.constant 0 : i32
        %dma_wait3A_205 = tpu.memref_slice %arg3[%add3A_198, %dma_wait3A_203, %dma_wait3A_204] : memref<2560x2x125xi32, #tpu.memory_space<hbm>> -> memref<1x2x125xi32, #tpu.memory_space<hbm>>
        %dma_wait3A_206 = tpu.memref_squeeze %dma_wait3A_205 : memref<1x2x125xi32, #tpu.memory_space<hbm>> -> memref<2x125xi32, #tpu.memory_space<hbm>>
        tpu.wait_dma2 semaphore(%arg14 : memref<!tpu.dma_semaphore, #tpu.memory_space<semaphore_mem>>) src(%dma_wait3A_206 : memref<2x125xi32, #tpu.memory_space<hbm>>) dst(%arg7 : memref<2x125xi32, #tpu.memory_space<vmem>>)
        %dma_start3A_207 = arith.constant 0 : i32
        %dma_start3A_208 = arith.constant 0 : i32
        %dma_start3A_209 = tpu.memref_slice %arg7[%dma_start3A_207, %dma_start3A_208] : memref<2x125xi32, #tpu.memory_space<vmem>> -> memref<1x125xi32, #tpu.memory_space<vmem>>
        %dma_start3A_210 = tpu.memref_squeeze %dma_start3A_209 : memref<1x125xi32, #tpu.memory_space<vmem>> -> memref<125xi32, #tpu.memory_space<vmem>>
        %dma_start3A_211 = arith.constant 0 : i32
        %dma_start3A_212 = arith.constant 0 : i32
        %dma_start3A_213 = tpu.memref_slice %arg2[%dma_start3A_211, %dma_start3A_212] : memref<10000x128xf32, #tpu.memory_space<hbm>> -> memref<10000x128xf32, #tpu.memory_space<hbm>>
        tpu.enqueue_indirect_dma source(%dma_start3A_213 : memref<10000x128xf32, #tpu.memory_space<hbm>>) target(%arg11 : memref<125x128xf32, #tpu.memory_space<vmem>>) offsets(%dma_start3A_210 : memref<125xi32, #tpu.memory_space<vmem>>) semaphore(%arg18 : memref<!tpu.dma_semaphore, #tpu.memory_space<semaphore_mem>>)
      } else {
      }
      %add3A_70 = arith.constant 2 : i32
      %add3A_71 = arith.addi %add3A_61, %add3A_70 : i32
      %lt3A_72 = arith.constant 80 : i32
      %lt3A_73 = arith.cmpi slt, %add3A_71, %lt3A_72 : i32
      %convert_element_type3A_74 = arith.extui %lt3A_73 : i1 to i32
      %cond3A_75 = arith.constant 0 : i32
      %cond3A_76 = arith.cmpi ne, %convert_element_type3A_74, %cond3A_75 : i32
      scf.if %cond3A_76 {
        %add3A_196 = arith.addi %mul3A_2, %add3A_61 : i32
        %add3A_197 = arith.constant 2 : i32
        %add3A_198 = arith.addi %add3A_196, %add3A_197 : i32
        %dma_start3A_199 = arith.constant 0 : i32
        %dma_start3A_200 = arith.constant 0 : i32
        %dma_start3A_201 = tpu.memref_slice %arg3[%add3A_198, %dma_start3A_199, %dma_start3A_200] : memref<2560x2x125xi32, #tpu.memory_space<hbm>> -> memref<1x2x125xi32, #tpu.memory_space<hbm>>
        %dma_start3A_202 = tpu.memref_squeeze %dma_start3A_201 : memref<1x2x125xi32, #tpu.memory_space<hbm>> -> memref<2x125xi32, #tpu.memory_space<hbm>>
        %dma_start3A_203 = arith.constant 0 : i32
        %dma_start3A_204 = arith.constant 0 : i32
        %dma_start3A_205 = tpu.memref_slice %arg3[%add3A_198, %dma_start3A_203, %dma_start3A_204] : memref<2560x2x125xi32, #tpu.memory_space<hbm>> -> memref<1x2x125xi32, #tpu.memory_space<hbm>>
        %dma_start3A_206 = tpu.memref_squeeze %dma_start3A_205 : memref<1x2x125xi32, #tpu.memory_space<hbm>> -> memref<2x125xi32, #tpu.memory_space<hbm>>
        tpu.enqueue_dma source(%dma_start3A_206 : memref<2x125xi32, #tpu.memory_space<hbm>>) target(%arg8 : memref<2x125xi32, #tpu.memory_space<vmem>>) target_semaphore(%arg15 : memref<!tpu.dma_semaphore, #tpu.memory_space<semaphore_mem>>)
      } else {
      }
      %dma_wait3A_77 = arith.constant 0 : i32
      %dma_wait3A_78 = arith.constant 0 : i32
      %dma_wait3A_79 = tpu.memref_slice %arg6[%dma_wait3A_77, %dma_wait3A_78] : memref<2x125xi32, #tpu.memory_space<vmem>> -> memref<1x125xi32, #tpu.memory_space<vmem>>
      %dma_wait3A_80 = tpu.memref_squeeze %dma_wait3A_79 : memref<1x125xi32, #tpu.memory_space<vmem>> -> memref<125xi32, #tpu.memory_space<vmem>>
      %dma_wait3A_81 = arith.constant 0 : i32
      %dma_wait3A_82 = arith.constant 0 : i32
      %dma_wait3A_83 = tpu.memref_slice %arg2[%dma_wait3A_81, %dma_wait3A_82] : memref<10000x128xf32, #tpu.memory_space<hbm>> -> memref<10000x128xf32, #tpu.memory_space<hbm>>
      tpu.wait_indirect_dma semaphore(%arg17 : memref<!tpu.dma_semaphore, #tpu.memory_space<semaphore_mem>>) src(%dma_wait3A_83 : memref<10000x128xf32, #tpu.memory_space<hbm>>) dst(%arg10 : memref<125x128xf32, #tpu.memory_space<vmem>>)
      %dma_start3A_84 = arith.constant 1 : i32
      %dma_start3A_85 = arith.constant 0 : i32
      %dma_start3A_86 = tpu.memref_slice %arg6[%dma_start3A_84, %dma_start3A_85] : memref<2x125xi32, #tpu.memory_space<vmem>> -> memref<1x125xi32, #tpu.memory_space<vmem>>
      %dma_start3A_87 = tpu.memref_squeeze %dma_start3A_86 : memref<1x125xi32, #tpu.memory_space<vmem>> -> memref<125xi32, #tpu.memory_space<vmem>>
      %dma_start3A_88 = arith.constant 0 : i32
      %dma_start3A_89 = arith.constant 0 : i32
      %dma_start3A_90 = tpu.memref_slice %arg12[%dma_start3A_88, %dma_start3A_89] : memref<10240x128xf32, #tpu.memory_space<vmem_shared>> -> memref<10240x128xf32, #tpu.memory_space<vmem_shared>>
      tpu.enqueue_indirect_dma source(%arg10 : memref<125x128xf32, #tpu.memory_space<vmem>>) target(%dma_start3A_90 : memref<10240x128xf32, #tpu.memory_space<vmem_shared>>) offsets(%dma_start3A_87 : memref<125xi32, #tpu.memory_space<vmem>>) semaphore(%arg19 : memref<!tpu.dma_semaphore, #tpu.memory_space<semaphore_mem>>) {add = true}
      %add3A_91 = arith.constant 1 : i32
      %add3A_92 = arith.addi %add3A_59, %add3A_91 : i32
      %ge3A_93 = arith.constant 1 : i32
      %ge3A_94 = arith.cmpi sge, %add3A_92, %ge3A_93 : i32
      %convert_element_type3A_95 = arith.extui %ge3A_94 : i1 to i32
      %cond3A_96 = arith.constant 0 : i32
      %cond3A_97 = arith.cmpi ne, %convert_element_type3A_95, %cond3A_96 : i32
      scf.if %cond3A_97 {
        %dma_wait3A_196 = arith.constant 1 : i32
        %dma_wait3A_197 = arith.constant 0 : i32
        %dma_wait3A_198 = tpu.memref_slice %arg6[%dma_wait3A_196, %dma_wait3A_197] : memref<2x125xi32, #tpu.memory_space<vmem>> -> memref<1x125xi32, #tpu.memory_space<vmem>>
        %dma_wait3A_199 = tpu.memref_squeeze %dma_wait3A_198 : memref<1x125xi32, #tpu.memory_space<vmem>> -> memref<125xi32, #tpu.memory_space<vmem>>
        %dma_wait3A_200 = arith.constant 0 : i32
        %dma_wait3A_201 = arith.constant 0 : i32
        %dma_wait3A_202 = tpu.memref_slice %arg12[%dma_wait3A_200, %dma_wait3A_201] : memref<10240x128xf32, #tpu.memory_space<vmem_shared>> -> memref<10240x128xf32, #tpu.memory_space<vmem_shared>>
        tpu.wait_indirect_dma semaphore(%arg19 : memref<!tpu.dma_semaphore, #tpu.memory_space<semaphore_mem>>) src(%arg10 : memref<125x128xf32, #tpu.memory_space<vmem>>) dst(%dma_wait3A_202 : memref<10240x128xf32, #tpu.memory_space<vmem_shared>>)
      } else {
      }
      %add3A_98 = arith.constant 1 : i32
      %add3A_99 = arith.addi %add3A_92, %add3A_98 : i32
      %lt3A_100 = arith.constant 80 : i32
      %lt3A_101 = arith.cmpi slt, %add3A_99, %lt3A_100 : i32
      %convert_element_type3A_102 = arith.extui %lt3A_101 : i1 to i32
      %cond3A_103 = arith.constant 0 : i32
      %cond3A_104 = arith.cmpi ne, %convert_element_type3A_102, %cond3A_103 : i32
      scf.if %cond3A_104 {
        %add3A_196 = arith.addi %mul3A_2, %add3A_92 : i32
        %add3A_197 = arith.constant 1 : i32
        %add3A_198 = arith.addi %add3A_196, %add3A_197 : i32
        %dma_wait3A_199 = arith.constant 0 : i32
        %dma_wait3A_200 = arith.constant 0 : i32
        %dma_wait3A_201 = tpu.memref_slice %arg3[%add3A_198, %dma_wait3A_199, %dma_wait3A_200] : memref<2560x2x125xi32, #tpu.memory_space<hbm>> -> memref<1x2x125xi32, #tpu.memory_space<hbm>>
        %dma_wait3A_202 = tpu.memref_squeeze %dma_wait3A_201 : memref<1x2x125xi32, #tpu.memory_space<hbm>> -> memref<2x125xi32, #tpu.memory_space<hbm>>
        %dma_wait3A_203 = arith.constant 0 : i32
        %dma_wait3A_204 = arith.constant 0 : i32
        %dma_wait3A_205 = tpu.memref_slice %arg3[%add3A_198, %dma_wait3A_203, %dma_wait3A_204] : memref<2560x2x125xi32, #tpu.memory_space<hbm>> -> memref<1x2x125xi32, #tpu.memory_space<hbm>>
        %dma_wait3A_206 = tpu.memref_squeeze %dma_wait3A_205 : memref<1x2x125xi32, #tpu.memory_space<hbm>> -> memref<2x125xi32, #tpu.memory_space<hbm>>
        tpu.wait_dma2 semaphore(%arg15 : memref<!tpu.dma_semaphore, #tpu.memory_space<semaphore_mem>>) src(%dma_wait3A_206 : memref<2x125xi32, #tpu.memory_space<hbm>>) dst(%arg8 : memref<2x125xi32, #tpu.memory_space<vmem>>)
        %dma_start3A_207 = arith.constant 0 : i32
        %dma_start3A_208 = arith.constant 0 : i32
        %dma_start3A_209 = tpu.memref_slice %arg8[%dma_start3A_207, %dma_start3A_208] : memref<2x125xi32, #tpu.memory_space<vmem>> -> memref<1x125xi32, #tpu.memory_space<vmem>>
        %dma_start3A_210 = tpu.memref_squeeze %dma_start3A_209 : memref<1x125xi32, #tpu.memory_space<vmem>> -> memref<125xi32, #tpu.memory_space<vmem>>
        %dma_start3A_211 = arith.constant 0 : i32
        %dma_start3A_212 = arith.constant 0 : i32
        %dma_start3A_213 = tpu.memref_slice %arg2[%dma_start3A_211, %dma_start3A_212] : memref<10000x128xf32, #tpu.memory_space<hbm>> -> memref<10000x128xf32, #tpu.memory_space<hbm>>
        tpu.enqueue_indirect_dma source(%dma_start3A_213 : memref<10000x128xf32, #tpu.memory_space<hbm>>) target(%arg10 : memref<125x128xf32, #tpu.memory_space<vmem>>) offsets(%dma_start3A_210 : memref<125xi32, #tpu.memory_space<vmem>>) semaphore(%arg17 : memref<!tpu.dma_semaphore, #tpu.memory_space<semaphore_mem>>)
      } else {
      }
      %add3A_105 = arith.constant 2 : i32
      %add3A_106 = arith.addi %add3A_92, %add3A_105 : i32
      %lt3A_107 = arith.constant 80 : i32
      %lt3A_108 = arith.cmpi slt, %add3A_106, %lt3A_107 : i32
      %convert_element_type3A_109 = arith.extui %lt3A_108 : i1 to i32
      %cond3A_110 = arith.constant 0 : i32
      %cond3A_111 = arith.cmpi ne, %convert_element_type3A_109, %cond3A_110 : i32
      scf.if %cond3A_111 {
        %add3A_196 = arith.addi %mul3A_2, %add3A_92 : i32
        %add3A_197 = arith.constant 2 : i32
        %add3A_198 = arith.addi %add3A_196, %add3A_197 : i32
        %dma_start3A_199 = arith.constant 0 : i32
        %dma_start3A_200 = arith.constant 0 : i32
        %dma_start3A_201 = tpu.memref_slice %arg3[%add3A_198, %dma_start3A_199, %dma_start3A_200] : memref<2560x2x125xi32, #tpu.memory_space<hbm>> -> memref<1x2x125xi32, #tpu.memory_space<hbm>>
        %dma_start3A_202 = tpu.memref_squeeze %dma_start3A_201 : memref<1x2x125xi32, #tpu.memory_space<hbm>> -> memref<2x125xi32, #tpu.memory_space<hbm>>
        %dma_start3A_203 = arith.constant 0 : i32
        %dma_start3A_204 = arith.constant 0 : i32
        %dma_start3A_205 = tpu.memref_slice %arg3[%add3A_198, %dma_start3A_203, %dma_start3A_204] : memref<2560x2x125xi32, #tpu.memory_space<hbm>> -> memref<1x2x125xi32, #tpu.memory_space<hbm>>
        %dma_start3A_206 = tpu.memref_squeeze %dma_start3A_205 : memref<1x2x125xi32, #tpu.memory_space<hbm>> -> memref<2x125xi32, #tpu.memory_space<hbm>>
        tpu.enqueue_dma source(%dma_start3A_206 : memref<2x125xi32, #tpu.memory_space<hbm>>) target(%arg9 : memref<2x125xi32, #tpu.memory_space<vmem>>) target_semaphore(%arg16 : memref<!tpu.dma_semaphore, #tpu.memory_space<semaphore_mem>>)
      } else {
      }
      %dma_wait3A_112 = arith.constant 0 : i32
      %dma_wait3A_113 = arith.constant 0 : i32
      %dma_wait3A_114 = tpu.memref_slice %arg7[%dma_wait3A_112, %dma_wait3A_113] : memref<2x125xi32, #tpu.memory_space<vmem>> -> memref<1x125xi32, #tpu.memory_space<vmem>>
      %dma_wait3A_115 = tpu.memref_squeeze %dma_wait3A_114 : memref<1x125xi32, #tpu.memory_space<vmem>> -> memref<125xi32, #tpu.memory_space<vmem>>
      %dma_wait3A_116 = arith.constant 0 : i32
      %dma_wait3A_117 = arith.constant 0 : i32
      %dma_wait3A_118 = tpu.memref_slice %arg2[%dma_wait3A_116, %dma_wait3A_117] : memref<10000x128xf32, #tpu.memory_space<hbm>> -> memref<10000x128xf32, #tpu.memory_space<hbm>>
      tpu.wait_indirect_dma semaphore(%arg18 : memref<!tpu.dma_semaphore, #tpu.memory_space<semaphore_mem>>) src(%dma_wait3A_118 : memref<10000x128xf32, #tpu.memory_space<hbm>>) dst(%arg11 : memref<125x128xf32, #tpu.memory_space<vmem>>)
      %dma_start3A_119 = arith.constant 1 : i32
      %dma_start3A_120 = arith.constant 0 : i32
      %dma_start3A_121 = tpu.memref_slice %arg7[%dma_start3A_119, %dma_start3A_120] : memref<2x125xi32, #tpu.memory_space<vmem>> -> memref<1x125xi32, #tpu.memory_space<vmem>>
      %dma_start3A_122 = tpu.memref_squeeze %dma_start3A_121 : memref<1x125xi32, #tpu.memory_space<vmem>> -> memref<125xi32, #tpu.memory_space<vmem>>
      %dma_start3A_123 = arith.constant 0 : i32
      %dma_start3A_124 = arith.constant 0 : i32
      %dma_start3A_125 = tpu.memref_slice %arg12[%dma_start3A_123, %dma_start3A_124] : memref<10240x128xf32, #tpu.memory_space<vmem_shared>> -> memref<10240x128xf32, #tpu.memory_space<vmem_shared>>
      tpu.enqueue_indirect_dma source(%arg11 : memref<125x128xf32, #tpu.memory_space<vmem>>) target(%dma_start3A_125 : memref<10240x128xf32, #tpu.memory_space<vmem_shared>>) offsets(%dma_start3A_122 : memref<125xi32, #tpu.memory_space<vmem>>) semaphore(%arg20 : memref<!tpu.dma_semaphore, #tpu.memory_space<semaphore_mem>>) {add = true}
      %add3A_126 = arith.constant 2 : i32
      %add3A_127 = arith.addi %add3A_59, %add3A_126 : i32
      %ge3A_128 = arith.constant 1 : i32
      %ge3A_129 = arith.cmpi sge, %add3A_127, %ge3A_128 : i32
      %convert_element_type3A_130 = arith.extui %ge3A_129 : i1 to i32
      %cond3A_131 = arith.constant 0 : i32
      %cond3A_132 = arith.cmpi ne, %convert_element_type3A_130, %cond3A_131 : i32
      scf.if %cond3A_132 {
        %dma_wait3A_196 = arith.constant 1 : i32
        %dma_wait3A_197 = arith.constant 0 : i32
        %dma_wait3A_198 = tpu.memref_slice %arg7[%dma_wait3A_196, %dma_wait3A_197] : memref<2x125xi32, #tpu.memory_space<vmem>> -> memref<1x125xi32, #tpu.memory_space<vmem>>
        %dma_wait3A_199 = tpu.memref_squeeze %dma_wait3A_198 : memref<1x125xi32, #tpu.memory_space<vmem>> -> memref<125xi32, #tpu.memory_space<vmem>>
        %dma_wait3A_200 = arith.constant 0 : i32
        %dma_wait3A_201 = arith.constant 0 : i32
        %dma_wait3A_202 = tpu.memref_slice %arg12[%dma_wait3A_200, %dma_wait3A_201] : memref<10240x128xf32, #tpu.memory_space<vmem_shared>> -> memref<10240x128xf32, #tpu.memory_space<vmem_shared>>
        tpu.wait_indirect_dma semaphore(%arg20 : memref<!tpu.dma_semaphore, #tpu.memory_space<semaphore_mem>>) src(%arg11 : memref<125x128xf32, #tpu.memory_space<vmem>>) dst(%dma_wait3A_202 : memref<10240x128xf32, #tpu.memory_space<vmem_shared>>)
      } else {
      }
      %add3A_133 = arith.constant 1 : i32
      %add3A_134 = arith.addi %add3A_127, %add3A_133 : i32
      %lt3A_135 = arith.constant 80 : i32
      %lt3A_136 = arith.cmpi slt, %add3A_134, %lt3A_135 : i32
      %convert_element_type3A_137 = arith.extui %lt3A_136 : i1 to i32
      %cond3A_138 = arith.constant 0 : i32
      %cond3A_139 = arith.cmpi ne, %convert_element_type3A_137, %cond3A_138 : i32
      scf.if %cond3A_139 {
        %add3A_196 = arith.addi %mul3A_2, %add3A_127 : i32
        %add3A_197 = arith.constant 1 : i32
        %add3A_198 = arith.addi %add3A_196, %add3A_197 : i32
        %dma_wait3A_199 = arith.constant 0 : i32
        %dma_wait3A_200 = arith.constant 0 : i32
        %dma_wait3A_201 = tpu.memref_slice %arg3[%add3A_198, %dma_wait3A_199, %dma_wait3A_200] : memref<2560x2x125xi32, #tpu.memory_space<hbm>> -> memref<1x2x125xi32, #tpu.memory_space<hbm>>
        %dma_wait3A_202 = tpu.memref_squeeze %dma_wait3A_201 : memref<1x2x125xi32, #tpu.memory_space<hbm>> -> memref<2x125xi32, #tpu.memory_space<hbm>>
        %dma_wait3A_203 = arith.constant 0 : i32
        %dma_wait3A_204 = arith.constant 0 : i32
        %dma_wait3A_205 = tpu.memref_slice %arg3[%add3A_198, %dma_wait3A_203, %dma_wait3A_204] : memref<2560x2x125xi32, #tpu.memory_space<hbm>> -> memref<1x2x125xi32, #tpu.memory_space<hbm>>
        %dma_wait3A_206 = tpu.memref_squeeze %dma_wait3A_205 : memref<1x2x125xi32, #tpu.memory_space<hbm>> -> memref<2x125xi32, #tpu.memory_space<hbm>>
        tpu.wait_dma2 semaphore(%arg16 : memref<!tpu.dma_semaphore, #tpu.memory_space<semaphore_mem>>) src(%dma_wait3A_206 : memref<2x125xi32, #tpu.memory_space<hbm>>) dst(%arg9 : memref<2x125xi32, #tpu.memory_space<vmem>>)
        %dma_start3A_207 = arith.constant 0 : i32
        %dma_start3A_208 = arith.constant 0 : i32
        %dma_start3A_209 = tpu.memref_slice %arg9[%dma_start3A_207, %dma_start3A_208] : memref<2x125xi32, #tpu.memory_space<vmem>> -> memref<1x125xi32, #tpu.memory_space<vmem>>
        %dma_start3A_210 = tpu.memref_squeeze %dma_start3A_209 : memref<1x125xi32, #tpu.memory_space<vmem>> -> memref<125xi32, #tpu.memory_space<vmem>>
        %dma_start3A_211 = arith.constant 0 : i32
        %dma_start3A_212 = arith.constant 0 : i32
        %dma_start3A_213 = tpu.memref_slice %arg2[%dma_start3A_211, %dma_start3A_212] : memref<10000x128xf32, #tpu.memory_space<hbm>> -> memref<10000x128xf32, #tpu.memory_space<hbm>>
        tpu.enqueue_indirect_dma source(%dma_start3A_213 : memref<10000x128xf32, #tpu.memory_space<hbm>>) target(%arg11 : memref<125x128xf32, #tpu.memory_space<vmem>>) offsets(%dma_start3A_210 : memref<125xi32, #tpu.memory_space<vmem>>) semaphore(%arg18 : memref<!tpu.dma_semaphore, #tpu.memory_space<semaphore_mem>>)
      } else {
      }
      %add3A_140 = arith.constant 2 : i32
      %add3A_141 = arith.addi %add3A_127, %add3A_140 : i32
      %lt3A_142 = arith.constant 80 : i32
      %lt3A_143 = arith.cmpi slt, %add3A_141, %lt3A_142 : i32
      %convert_element_type3A_144 = arith.extui %lt3A_143 : i1 to i32
      %cond3A_145 = arith.constant 0 : i32
      %cond3A_146 = arith.cmpi ne, %convert_element_type3A_144, %cond3A_145 : i32
      scf.if %cond3A_146 {
        %add3A_196 = arith.addi %mul3A_2, %add3A_127 : i32
        %add3A_197 = arith.constant 2 : i32
        %add3A_198 = arith.addi %add3A_196, %add3A_197 : i32
        %dma_start3A_199 = arith.constant 0 : i32
        %dma_start3A_200 = arith.constant 0 : i32
        %dma_start3A_201 = tpu.memref_slice %arg3[%add3A_198, %dma_start3A_199, %dma_start3A_200] : memref<2560x2x125xi32, #tpu.memory_space<hbm>> -> memref<1x2x125xi32, #tpu.memory_space<hbm>>
        %dma_start3A_202 = tpu.memref_squeeze %dma_start3A_201 : memref<1x2x125xi32, #tpu.memory_space<hbm>> -> memref<2x125xi32, #tpu.memory_space<hbm>>
        %dma_start3A_203 = arith.constant 0 : i32
        %dma_start3A_204 = arith.constant 0 : i32
        %dma_start3A_205 = tpu.memref_slice %arg3[%add3A_198, %dma_start3A_203, %dma_start3A_204] : memref<2560x2x125xi32, #tpu.memory_space<hbm>> -> memref<1x2x125xi32, #tpu.memory_space<hbm>>
        %dma_start3A_206 = tpu.memref_squeeze %dma_start3A_205 : memref<1x2x125xi32, #tpu.memory_space<hbm>> -> memref<2x125xi32, #tpu.memory_space<hbm>>
        tpu.enqueue_dma source(%dma_start3A_206 : memref<2x125xi32, #tpu.memory_space<hbm>>) target(%arg6 : memref<2x125xi32, #tpu.memory_space<vmem>>) target_semaphore(%arg13 : memref<!tpu.dma_semaphore, #tpu.memory_space<semaphore_mem>>)
      } else {
      }
      %dma_wait3A_147 = arith.constant 0 : i32
      %dma_wait3A_148 = arith.constant 0 : i32
      %dma_wait3A_149 = tpu.memref_slice %arg8[%dma_wait3A_147, %dma_wait3A_148] : memref<2x125xi32, #tpu.memory_space<vmem>> -> memref<1x125xi32, #tpu.memory_space<vmem>>
      %dma_wait3A_150 = tpu.memref_squeeze %dma_wait3A_149 : memref<1x125xi32, #tpu.memory_space<vmem>> -> memref<125xi32, #tpu.memory_space<vmem>>
      %dma_wait3A_151 = arith.constant 0 : i32
      %dma_wait3A_152 = arith.constant 0 : i32
      %dma_wait3A_153 = tpu.memref_slice %arg2[%dma_wait3A_151, %dma_wait3A_152] : memref<10000x128xf32, #tpu.memory_space<hbm>> -> memref<10000x128xf32, #tpu.memory_space<hbm>>
      tpu.wait_indirect_dma semaphore(%arg17 : memref<!tpu.dma_semaphore, #tpu.memory_space<semaphore_mem>>) src(%dma_wait3A_153 : memref<10000x128xf32, #tpu.memory_space<hbm>>) dst(%arg10 : memref<125x128xf32, #tpu.memory_space<vmem>>)
      %dma_start3A_154 = arith.constant 1 : i32
      %dma_start3A_155 = arith.constant 0 : i32
      %dma_start3A_156 = tpu.memref_slice %arg8[%dma_start3A_154, %dma_start3A_155] : memref<2x125xi32, #tpu.memory_space<vmem>> -> memref<1x125xi32, #tpu.memory_space<vmem>>
      %dma_start3A_157 = tpu.memref_squeeze %dma_start3A_156 : memref<1x125xi32, #tpu.memory_space<vmem>> -> memref<125xi32, #tpu.memory_space<vmem>>
      %dma_start3A_158 = arith.constant 0 : i32
      %dma_start3A_159 = arith.constant 0 : i32
      %dma_start3A_160 = tpu.memref_slice %arg12[%dma_start3A_158, %dma_start3A_159] : memref<10240x128xf32, #tpu.memory_space<vmem_shared>> -> memref<10240x128xf32, #tpu.memory_space<vmem_shared>>
      tpu.enqueue_indirect_dma source(%arg10 : memref<125x128xf32, #tpu.memory_space<vmem>>) target(%dma_start3A_160 : memref<10240x128xf32, #tpu.memory_space<vmem_shared>>) offsets(%dma_start3A_157 : memref<125xi32, #tpu.memory_space<vmem>>) semaphore(%arg19 : memref<!tpu.dma_semaphore, #tpu.memory_space<semaphore_mem>>) {add = true}
      %add3A_161 = arith.constant 3 : i32
      %add3A_162 = arith.addi %add3A_59, %add3A_161 : i32
      %ge3A_163 = arith.constant 1 : i32
      %ge3A_164 = arith.cmpi sge, %add3A_162, %ge3A_163 : i32
      %convert_element_type3A_165 = arith.extui %ge3A_164 : i1 to i32
      %cond3A_166 = arith.constant 0 : i32
      %cond3A_167 = arith.cmpi ne, %convert_element_type3A_165, %cond3A_166 : i32
      scf.if %cond3A_167 {
        %dma_wait3A_196 = arith.constant 1 : i32
        %dma_wait3A_197 = arith.constant 0 : i32
        %dma_wait3A_198 = tpu.memref_slice %arg8[%dma_wait3A_196, %dma_wait3A_197] : memref<2x125xi32, #tpu.memory_space<vmem>> -> memref<1x125xi32, #tpu.memory_space<vmem>>
        %dma_wait3A_199 = tpu.memref_squeeze %dma_wait3A_198 : memref<1x125xi32, #tpu.memory_space<vmem>> -> memref<125xi32, #tpu.memory_space<vmem>>
        %dma_wait3A_200 = arith.constant 0 : i32
        %dma_wait3A_201 = arith.constant 0 : i32
        %dma_wait3A_202 = tpu.memref_slice %arg12[%dma_wait3A_200, %dma_wait3A_201] : memref<10240x128xf32, #tpu.memory_space<vmem_shared>> -> memref<10240x128xf32, #tpu.memory_space<vmem_shared>>
        tpu.wait_indirect_dma semaphore(%arg19 : memref<!tpu.dma_semaphore, #tpu.memory_space<semaphore_mem>>) src(%arg10 : memref<125x128xf32, #tpu.memory_space<vmem>>) dst(%dma_wait3A_202 : memref<10240x128xf32, #tpu.memory_space<vmem_shared>>)
      } else {
      }
      %add3A_168 = arith.constant 1 : i32
      %add3A_169 = arith.addi %add3A_162, %add3A_168 : i32
      %lt3A_170 = arith.constant 80 : i32
      %lt3A_171 = arith.cmpi slt, %add3A_169, %lt3A_170 : i32
      %convert_element_type3A_172 = arith.extui %lt3A_171 : i1 to i32
      %cond3A_173 = arith.constant 0 : i32
      %cond3A_174 = arith.cmpi ne, %convert_element_type3A_172, %cond3A_173 : i32
      scf.if %cond3A_174 {
        %add3A_196 = arith.addi %mul3A_2, %add3A_162 : i32
        %add3A_197 = arith.constant 1 : i32
        %add3A_198 = arith.addi %add3A_196, %add3A_197 : i32
        %dma_wait3A_199 = arith.constant 0 : i32
        %dma_wait3A_200 = arith.constant 0 : i32
        %dma_wait3A_201 = tpu.memref_slice %arg3[%add3A_198, %dma_wait3A_199, %dma_wait3A_200] : memref<2560x2x125xi32, #tpu.memory_space<hbm>> -> memref<1x2x125xi32, #tpu.memory_space<hbm>>
        %dma_wait3A_202 = tpu.memref_squeeze %dma_wait3A_201 : memref<1x2x125xi32, #tpu.memory_space<hbm>> -> memref<2x125xi32, #tpu.memory_space<hbm>>
        %dma_wait3A_203 = arith.constant 0 : i32
        %dma_wait3A_204 = arith.constant 0 : i32
        %dma_wait3A_205 = tpu.memref_slice %arg3[%add3A_198, %dma_wait3A_203, %dma_wait3A_204] : memref<2560x2x125xi32, #tpu.memory_space<hbm>> -> memref<1x2x125xi32, #tpu.memory_space<hbm>>
        %dma_wait3A_206 = tpu.memref_squeeze %dma_wait3A_205 : memref<1x2x125xi32, #tpu.memory_space<hbm>> -> memref<2x125xi32, #tpu.memory_space<hbm>>
        tpu.wait_dma2 semaphore(%arg13 : memref<!tpu.dma_semaphore, #tpu.memory_space<semaphore_mem>>) src(%dma_wait3A_206 : memref<2x125xi32, #tpu.memory_space<hbm>>) dst(%arg6 : memref<2x125xi32, #tpu.memory_space<vmem>>)
        %dma_start3A_207 = arith.constant 0 : i32
        %dma_start3A_208 = arith.constant 0 : i32
        %dma_start3A_209 = tpu.memref_slice %arg6[%dma_start3A_207, %dma_start3A_208] : memref<2x125xi32, #tpu.memory_space<vmem>> -> memref<1x125xi32, #tpu.memory_space<vmem>>
        %dma_start3A_210 = tpu.memref_squeeze %dma_start3A_209 : memref<1x125xi32, #tpu.memory_space<vmem>> -> memref<125xi32, #tpu.memory_space<vmem>>
        %dma_start3A_211 = arith.constant 0 : i32
        %dma_start3A_212 = arith.constant 0 : i32
        %dma_start3A_213 = tpu.memref_slice %arg2[%dma_start3A_211, %dma_start3A_212] : memref<10000x128xf32, #tpu.memory_space<hbm>> -> memref<10000x128xf32, #tpu.memory_space<hbm>>
        tpu.enqueue_indirect_dma source(%dma_start3A_213 : memref<10000x128xf32, #tpu.memory_space<hbm>>) target(%arg10 : memref<125x128xf32, #tpu.memory_space<vmem>>) offsets(%dma_start3A_210 : memref<125xi32, #tpu.memory_space<vmem>>) semaphore(%arg17 : memref<!tpu.dma_semaphore, #tpu.memory_space<semaphore_mem>>)
      } else {
      }
      %add3A_175 = arith.constant 2 : i32
      %add3A_176 = arith.addi %add3A_162, %add3A_175 : i32
      %lt3A_177 = arith.constant 80 : i32
      %lt3A_178 = arith.cmpi slt, %add3A_176, %lt3A_177 : i32
      %convert_element_type3A_179 = arith.extui %lt3A_178 : i1 to i32
      %cond3A_180 = arith.constant 0 : i32
      %cond3A_181 = arith.cmpi ne, %convert_element_type3A_179, %cond3A_180 : i32
      scf.if %cond3A_181 {
        %add3A_196 = arith.addi %mul3A_2, %add3A_162 : i32
        %add3A_197 = arith.constant 2 : i32
        %add3A_198 = arith.addi %add3A_196, %add3A_197 : i32
        %dma_start3A_199 = arith.constant 0 : i32
        %dma_start3A_200 = arith.constant 0 : i32
        %dma_start3A_201 = tpu.memref_slice %arg3[%add3A_198, %dma_start3A_199, %dma_start3A_200] : memref<2560x2x125xi32, #tpu.memory_space<hbm>> -> memref<1x2x125xi32, #tpu.memory_space<hbm>>
        %dma_start3A_202 = tpu.memref_squeeze %dma_start3A_201 : memref<1x2x125xi32, #tpu.memory_space<hbm>> -> memref<2x125xi32, #tpu.memory_space<hbm>>
        %dma_start3A_203 = arith.constant 0 : i32
        %dma_start3A_204 = arith.constant 0 : i32
        %dma_start3A_205 = tpu.memref_slice %arg3[%add3A_198, %dma_start3A_203, %dma_start3A_204] : memref<2560x2x125xi32, #tpu.memory_space<hbm>> -> memref<1x2x125xi32, #tpu.memory_space<hbm>>
        %dma_start3A_206 = tpu.memref_squeeze %dma_start3A_205 : memref<1x2x125xi32, #tpu.memory_space<hbm>> -> memref<2x125xi32, #tpu.memory_space<hbm>>
        tpu.enqueue_dma source(%dma_start3A_206 : memref<2x125xi32, #tpu.memory_space<hbm>>) target(%arg7 : memref<2x125xi32, #tpu.memory_space<vmem>>) target_semaphore(%arg14 : memref<!tpu.dma_semaphore, #tpu.memory_space<semaphore_mem>>)
      } else {
      }
      %dma_wait3A_182 = arith.constant 0 : i32
      %dma_wait3A_183 = arith.constant 0 : i32
      %dma_wait3A_184 = tpu.memref_slice %arg9[%dma_wait3A_182, %dma_wait3A_183] : memref<2x125xi32, #tpu.memory_space<vmem>> -> memref<1x125xi32, #tpu.memory_space<vmem>>
      %dma_wait3A_185 = tpu.memref_squeeze %dma_wait3A_184 : memref<1x125xi32, #tpu.memory_space<vmem>> -> memref<125xi32, #tpu.memory_space<vmem>>
      %dma_wait3A_186 = arith.constant 0 : i32
      %dma_wait3A_187 = arith.constant 0 : i32
      %dma_wait3A_188 = tpu.memref_slice %arg2[%dma_wait3A_186, %dma_wait3A_187] : memref<10000x128xf32, #tpu.memory_space<hbm>> -> memref<10000x128xf32, #tpu.memory_space<hbm>>
      tpu.wait_indirect_dma semaphore(%arg18 : memref<!tpu.dma_semaphore, #tpu.memory_space<semaphore_mem>>) src(%dma_wait3A_188 : memref<10000x128xf32, #tpu.memory_space<hbm>>) dst(%arg11 : memref<125x128xf32, #tpu.memory_space<vmem>>)
      %dma_start3A_189 = arith.constant 1 : i32
      %dma_start3A_190 = arith.constant 0 : i32
      %dma_start3A_191 = tpu.memref_slice %arg9[%dma_start3A_189, %dma_start3A_190] : memref<2x125xi32, #tpu.memory_space<vmem>> -> memref<1x125xi32, #tpu.memory_space<vmem>>
      %dma_start3A_192 = tpu.memref_squeeze %dma_start3A_191 : memref<1x125xi32, #tpu.memory_space<vmem>> -> memref<125xi32, #tpu.memory_space<vmem>>
      %dma_start3A_193 = arith.constant 0 : i32
      %dma_start3A_194 = arith.constant 0 : i32
      %dma_start3A_195 = tpu.memref_slice %arg12[%dma_start3A_193, %dma_start3A_194] : memref<10240x128xf32, #tpu.memory_space<vmem_shared>> -> memref<10240x128xf32, #tpu.memory_space<vmem_shared>>
      tpu.enqueue_indirect_dma source(%arg11 : memref<125x128xf32, #tpu.memory_space<vmem>>) target(%dma_start3A_195 : memref<10240x128xf32, #tpu.memory_space<vmem_shared>>) offsets(%dma_start3A_192 : memref<125xi32, #tpu.memory_space<vmem>>) semaphore(%arg20 : memref<!tpu.dma_semaphore, #tpu.memory_space<semaphore_mem>>) {add = true}
    }
    %scan3A_39 = arith.constant 20 : i32
    %dma_wait3A_40 = arith.constant 1 : i32
    %dma_wait3A_41 = arith.constant 0 : i32
    %dma_wait3A_42 = tpu.memref_slice %arg9[%dma_wait3A_40, %dma_wait3A_41] : memref<2x125xi32, #tpu.memory_space<vmem>> -> memref<1x125xi32, #tpu.memory_space<vmem>>
    %dma_wait3A_43 = tpu.memref_squeeze %dma_wait3A_42 : memref<1x125xi32, #tpu.memory_space<vmem>> -> memref<125xi32, #tpu.memory_space<vmem>>
    %dma_wait3A_44 = arith.constant 0 : i32
    %dma_wait3A_45 = arith.constant 0 : i32
    %dma_wait3A_46 = tpu.memref_slice %arg12[%dma_wait3A_44, %dma_wait3A_45] : memref<10240x128xf32, #tpu.memory_space<vmem_shared>> -> memref<10240x128xf32, #tpu.memory_space<vmem_shared>>
    tpu.wait_indirect_dma semaphore(%arg20 : memref<!tpu.dma_semaphore, #tpu.memory_space<semaphore_mem>>) src(%arg11 : memref<125x128xf32, #tpu.memory_space<vmem>>) dst(%dma_wait3A_46 : memref<10240x128xf32, #tpu.memory_space<vmem_shared>>)
    %barrier3A_47 = arith.constant 0 : index
    tpu.barrier barrier_id(%barrier3A_47)
    %mul3A_48 = arith.constant 640 : i32
    %mul3A_49 = arith.muli %arg1, %mul3A_48 : i32
    %mul3A_50 = arith.constant 10240 : i32
    %mul3A_51 = arith.muli %arg0, %mul3A_50 : i32
    %mul3A_52 = arith.constant 640 : i32
    %mul3A_53 = arith.muli %arg1, %mul3A_52 : i32
    %add3A_54 = arith.addi %mul3A_51, %mul3A_53 : i32
    "tpu.region"() ({
      %run_scoped3A = tpu.sem_alloc : memref<!tpu.dma_semaphore, #tpu.memory_space<semaphore_mem>>
      %dma_start3A_55 = arith.constant 0 : i32
      %dma_start3A_56 = tpu.memref_slice %arg5[%add3A_54, %dma_start3A_55] : memref<20480x128xf32, #tpu.memory_space<hbm>> -> memref<640x128xf32, #tpu.memory_space<hbm>>
      %dma_start3A_57 = arith.constant 0 : i32
      %dma_start3A_58 = tpu.memref_slice %arg12[%mul3A_49, %dma_start3A_57] : memref<10240x128xf32, #tpu.memory_space<vmem_shared>> -> memref<640x128xf32, #tpu.memory_space<vmem_shared>>
      tpu.enqueue_dma source(%dma_start3A_58 : memref<640x128xf32, #tpu.memory_space<vmem_shared>>) target(%dma_start3A_56 : memref<640x128xf32, #tpu.memory_space<hbm>>) target_semaphore(%run_scoped3A : memref<!tpu.dma_semaphore, #tpu.memory_space<semaphore_mem>>)
      %dma_wait3A_59 = arith.constant 0 : i32
      %dma_wait3A_60 = tpu.memref_slice %arg5[%add3A_54, %dma_wait3A_59] : memref<20480x128xf32, #tpu.memory_space<hbm>> -> memref<640x128xf32, #tpu.memory_space<hbm>>
      %dma_wait3A_61 = arith.constant 0 : i32
      %dma_wait3A_62 = tpu.memref_slice %arg12[%mul3A_49, %dma_wait3A_61] : memref<10240x128xf32, #tpu.memory_space<vmem_shared>> -> memref<640x128xf32, #tpu.memory_space<vmem_shared>>
      tpu.wait_dma2 semaphore(%run_scoped3A : memref<!tpu.dma_semaphore, #tpu.memory_space<semaphore_mem>>) src(%dma_wait3A_62 : memref<640x128xf32, #tpu.memory_space<vmem_shared>>) dst(%dma_wait3A_60 : memref<640x128xf32, #tpu.memory_space<hbm>>)
      tpu.yield
    }) : () -> ()
    return
  }
}

module attributes {stable_mosaic.version = 14 : i64} {
  func.func @body(%arg0: i32, %arg1: memref<2x1000x1xf32, #tpu.memory_space<vmem>>, %arg2: memref<1000x128xf32, #tpu.memory_space<vmem>>, %arg3: memref<128x128xf32, #tpu.memory_space<vmem>>, %arg4: memref<1000x128xf32, #tpu.memory_space<vmem>>) attributes {dimension_semantics = [#tpu.dimension_semantics<arbitrary>], iteration_bounds = array<i64: 10>, scalar_prefetch = 0 : i64, scratch_operands = 0 : i64, tpu.core_type = #tpu.core_type<tc>, window_params = [{transform_indices = @transform_0, window_bounds = array<i64: 2, 1000, 1>}, {transform_indices = @transform_1, window_bounds = array<i64: 1000, 128>}, {pipeline_mode = #tpu.pipeline_mode<synchronous>, transform_indices = @transform_2, window_bounds = array<i64: 128, 128>}, {transform_indices = @transform_3, window_bounds = array<i64: 1000, 128>}]} {
    %get3A = arith.constant 0 : index
    %get3A_0 = arith.constant 0 : index
    %get3A_1 = arith.constant 0 : index
    %get3A_2 = vector.load %arg1[%get3A, %get3A_0, %get3A_1] : memref<2x1000x1xf32, #tpu.memory_space<vmem>>, vector<1x1000x1xf32>
    %get3A_3 = vector.shape_cast %get3A_2 : vector<1x1000x1xf32> to vector<1000x1xf32>
    %get3A_4 = arith.constant 1 : index
    %get3A_5 = arith.constant 0 : index
    %get3A_6 = arith.constant 0 : index
    %get3A_7 = vector.load %arg1[%get3A_4, %get3A_5, %get3A_6] : memref<2x1000x1xf32, #tpu.memory_space<vmem>>, vector<1x1000x1xf32>
    %get3A_8 = vector.shape_cast %get3A_7 : vector<1x1000x1xf32> to vector<1000x1xf32>
    %add3A = arith.addf %get3A_3, %get3A_8 : vector<1000x1xf32>
    %max3A = arith.constant 1.000000e+00 : f32
    %max3A_9 = vector.broadcast %max3A : f32 to vector<1000x1xf32>
    %max3A_10 = arith.maximumf %add3A, %max3A_9 : vector<1000x1xf32>
    %rsqrt3A = math.rsqrt %max3A_10 : vector<1000x1xf32>
    %get3A_11 = arith.constant 0 : index
    %get3A_12 = arith.constant 0 : index
    %get3A_13 = vector.load %arg2[%get3A_11, %get3A_12] : memref<1000x128xf32, #tpu.memory_space<vmem>>, vector<1000x128xf32>
    %get3A_14 = arith.constant 0 : index
    %get3A_15 = arith.constant 0 : index
    %get3A_16 = vector.load %arg3[%get3A_14, %get3A_15] : memref<128x128xf32, #tpu.memory_space<vmem>>, vector<128x128xf32>
    %dot_general3A = arith.constant dense<0.000000e+00> : vector<1000x128xf32>
    %dot_general3A_17 = tpu.matmul %get3A_13, %get3A_16, %dot_general3A {dimension_numbers = #tpu.dot_dimension_numbers<[1], [0], [0], [1], [0, 0, 1, 1], [], []>, transpose_lhs_hint = false} : vector<1000x128xf32>, vector<128x128xf32>, vector<1000x128xf32> -> vector<1000x128xf32>
    %mul3A = vector.broadcast %rsqrt3A : vector<1000x1xf32> to vector<1000x128xf32>
    %mul3A_18 = arith.mulf %dot_general3A_17, %mul3A : vector<1000x128xf32>
    %swap3A = arith.constant 0 : index
    %swap3A_19 = arith.constant 0 : index
    %swap3A_20 = vector.load %arg4[%swap3A, %swap3A_19] : memref<1000x128xf32, #tpu.memory_space<vmem>>, vector<1000x128xf32>
    tpu.vector_store %arg4[%swap3A, %swap3A_19], %mul3A_18 {strides = array<i32>} : memref<1000x128xf32, #tpu.memory_space<vmem>>, vector<1000x128xf32>,
    return
  }
  func.func @transform_0(%arg0: i32) -> (i32, i32, i32) {
    %c0_i32 = arith.constant 0 : i32
    %c0_i32_0 = arith.constant 0 : i32
    %c0_i32_1 = arith.constant 0 : i32
    return %c0_i32, %arg0, %c0_i32_0 : i32, i32, i32
  }
  func.func @transform_1(%arg0: i32) -> (i32, i32) {
    %c0_i32 = arith.constant 0 : i32
    %c0_i32_0 = arith.constant 0 : i32
    return %arg0, %c0_i32 : i32, i32
  }
  func.func @transform_2(%arg0: i32) -> (i32, i32) {
    %c0_i32 = arith.constant 0 : i32
    %c0_i32_0 = arith.constant 0 : i32
    %c0_i32_1 = arith.constant 0 : i32
    return %c0_i32, %c0_i32_0 : i32, i32
  }
  func.func @transform_3(%arg0: i32) -> (i32, i32) {
    %c0_i32 = arith.constant 0 : i32
    %c0_i32_0 = arith.constant 0 : i32
    return %arg0, %c0_i32 : i32, i32
  }
}

module attributes {stable_mosaic.version = 14 : i64} {
  func.func @body(%arg0: i32, %arg1: memref<2x1000x128xf32, #tpu.memory_space<vmem>>, %arg2: memref<2x1000x1xf32, #tpu.memory_space<vmem>>, %arg3: memref<1x128xf32, #tpu.memory_space<vmem>>, %arg4: memref<128x128xf32, #tpu.memory_space<vmem>>, %arg5: memref<1000x128xf32, #tpu.memory_space<vmem>>) attributes {dimension_semantics = [#tpu.dimension_semantics<arbitrary>], iteration_bounds = array<i64: 10>, scalar_prefetch = 0 : i64, scratch_operands = 0 : i64, tpu.core_type = #tpu.core_type<tc>, window_params = [{transform_indices = @transform_0, window_bounds = array<i64: 2, 1000, 128>}, {transform_indices = @transform_1, window_bounds = array<i64: 2, 1000, 1>}, {pipeline_mode = #tpu.pipeline_mode<synchronous>, transform_indices = @transform_2, window_bounds = array<i64: 1, 128>}, {pipeline_mode = #tpu.pipeline_mode<synchronous>, transform_indices = @transform_3, window_bounds = array<i64: 128, 128>}, {transform_indices = @transform_4, window_bounds = array<i64: 1000, 128>}]} {
    %get3A = arith.constant 0 : index
    %get3A_0 = arith.constant 0 : index
    %get3A_1 = arith.constant 0 : index
    %get3A_2 = vector.load %arg2[%get3A, %get3A_0, %get3A_1] : memref<2x1000x1xf32, #tpu.memory_space<vmem>>, vector<1x1000x1xf32>
    %get3A_3 = vector.shape_cast %get3A_2 : vector<1x1000x1xf32> to vector<1000x1xf32>
    %get3A_4 = arith.constant 1 : index
    %get3A_5 = arith.constant 0 : index
    %get3A_6 = arith.constant 0 : index
    %get3A_7 = vector.load %arg2[%get3A_4, %get3A_5, %get3A_6] : memref<2x1000x1xf32, #tpu.memory_space<vmem>>, vector<1x1000x1xf32>
    %get3A_8 = vector.shape_cast %get3A_7 : vector<1x1000x1xf32> to vector<1000x1xf32>
    %add3A = arith.addf %get3A_3, %get3A_8 : vector<1000x1xf32>
    %max3A = arith.constant 1.000000e+00 : f32
    %max3A_9 = vector.broadcast %max3A : f32 to vector<1000x1xf32>
    %max3A_10 = arith.maximumf %add3A, %max3A_9 : vector<1000x1xf32>
    %rsqrt3A = math.rsqrt %max3A_10 : vector<1000x1xf32>
    %get3A_11 = arith.constant 0 : index
    %get3A_12 = arith.constant 0 : index
    %get3A_13 = arith.constant 0 : index
    %get3A_14 = vector.load %arg1[%get3A_11, %get3A_12, %get3A_13] : memref<2x1000x128xf32, #tpu.memory_space<vmem>>, vector<1x1000x128xf32>
    %get3A_15 = vector.shape_cast %get3A_14 : vector<1x1000x128xf32> to vector<1000x128xf32>
    %get3A_16 = arith.constant 1 : index
    %get3A_17 = arith.constant 0 : index
    %get3A_18 = arith.constant 0 : index
    %get3A_19 = vector.load %arg1[%get3A_16, %get3A_17, %get3A_18] : memref<2x1000x128xf32, #tpu.memory_space<vmem>>, vector<1x1000x128xf32>
    %get3A_20 = vector.shape_cast %get3A_19 : vector<1x1000x128xf32> to vector<1000x128xf32>
    %add3A_21 = arith.addf %get3A_15, %get3A_20 : vector<1000x128xf32>
    %mul3A = vector.broadcast %rsqrt3A : vector<1000x1xf32> to vector<1000x128xf32>
    %mul3A_22 = arith.mulf %add3A_21, %mul3A : vector<1000x128xf32>
    %get3A_23 = arith.constant 0 : index
    %get3A_24 = arith.constant 0 : index
    %get3A_25 = vector.load %arg3[%get3A_23, %get3A_24] : memref<1x128xf32, #tpu.memory_space<vmem>>, vector<1x128xf32>
    %add3A_26 = vector.broadcast %get3A_25 : vector<1x128xf32> to vector<1000x128xf32>
    %add3A_27 = arith.addf %mul3A_22, %add3A_26 : vector<1000x128xf32>
    %tanh3A = math.tanh %add3A_27 : vector<1000x128xf32>
    %get3A_28 = arith.constant 0 : index
    %get3A_29 = arith.constant 0 : index
    %get3A_30 = vector.load %arg4[%get3A_28, %get3A_29] : memref<128x128xf32, #tpu.memory_space<vmem>>, vector<128x128xf32>
    %dot_general3A = arith.constant dense<0.000000e+00> : vector<1000x128xf32>
    %dot_general3A_31 = tpu.matmul %tanh3A, %get3A_30, %dot_general3A {dimension_numbers = #tpu.dot_dimension_numbers<[1], [0], [0], [1], [0, 0, 1, 1], [], []>, transpose_lhs_hint = false} : vector<1000x128xf32>, vector<128x128xf32>, vector<1000x128xf32> -> vector<1000x128xf32>
    %mul3A_32 = vector.broadcast %rsqrt3A : vector<1000x1xf32> to vector<1000x128xf32>
    %mul3A_33 = arith.mulf %dot_general3A_31, %mul3A_32 : vector<1000x128xf32>
    %swap3A = arith.constant 0 : index
    %swap3A_34 = arith.constant 0 : index
    %swap3A_35 = vector.load %arg5[%swap3A, %swap3A_34] : memref<1000x128xf32, #tpu.memory_space<vmem>>, vector<1000x128xf32>
    tpu.vector_store %arg5[%swap3A, %swap3A_34], %mul3A_33 {strides = array<i32>} : memref<1000x128xf32, #tpu.memory_space<vmem>>, vector<1000x128xf32>,
    return
  }
  func.func @transform_0(%arg0: i32) -> (i32, i32, i32) {
    %c0_i32 = arith.constant 0 : i32
    %c0_i32_0 = arith.constant 0 : i32
    %c0_i32_1 = arith.constant 0 : i32
    return %c0_i32, %arg0, %c0_i32_0 : i32, i32, i32
  }
  func.func @transform_1(%arg0: i32) -> (i32, i32, i32) {
    %c0_i32 = arith.constant 0 : i32
    %c0_i32_0 = arith.constant 0 : i32
    %c0_i32_1 = arith.constant 0 : i32
    return %c0_i32, %arg0, %c0_i32_0 : i32, i32, i32
  }
  func.func @transform_2(%arg0: i32) -> (i32, i32) {
    %c0_i32 = arith.constant 0 : i32
    %c0_i32_0 = arith.constant 0 : i32
    %c0_i32_1 = arith.constant 0 : i32
    return %c0_i32, %c0_i32_0 : i32, i32
  }
  func.func @transform_3(%arg0: i32) -> (i32, i32) {
    %c0_i32 = arith.constant 0 : i32
    %c0_i32_0 = arith.constant 0 : i32
    %c0_i32_1 = arith.constant 0 : i32
    return %c0_i32, %c0_i32_0 : i32, i32
  }
  func.func @transform_4(%arg0: i32) -> (i32, i32) {
    %c0_i32 = arith.constant 0 : i32
    %c0_i32_0 = arith.constant 0 : i32
    return %arg0, %c0_i32 : i32, i32
  }
}

module attributes {stable_mosaic.version = 14 : i64} {
  func.func @body(%arg0: i32, %arg1: memref<2x1000x128xf32, #tpu.memory_space<vmem>>, %arg2: memref<2x1000x1xf32, #tpu.memory_space<vmem>>, %arg3: memref<1x128xf32, #tpu.memory_space<vmem>>, %arg4: memref<1000x128xf32, #tpu.memory_space<vmem>>) attributes {dimension_semantics = [#tpu.dimension_semantics<arbitrary>], iteration_bounds = array<i64: 10>, scalar_prefetch = 0 : i64, scratch_operands = 0 : i64, tpu.core_type = #tpu.core_type<tc>, window_params = [{transform_indices = @transform_0, window_bounds = array<i64: 2, 1000, 128>}, {transform_indices = @transform_1, window_bounds = array<i64: 2, 1000, 1>}, {pipeline_mode = #tpu.pipeline_mode<synchronous>, transform_indices = @transform_2, window_bounds = array<i64: 1, 128>}, {transform_indices = @transform_3, window_bounds = array<i64: 1000, 128>}]} {
    %get3A = arith.constant 0 : index
    %get3A_0 = arith.constant 0 : index
    %get3A_1 = arith.constant 0 : index
    %get3A_2 = vector.load %arg2[%get3A, %get3A_0, %get3A_1] : memref<2x1000x1xf32, #tpu.memory_space<vmem>>, vector<1x1000x1xf32>
    %get3A_3 = vector.shape_cast %get3A_2 : vector<1x1000x1xf32> to vector<1000x1xf32>
    %get3A_4 = arith.constant 1 : index
    %get3A_5 = arith.constant 0 : index
    %get3A_6 = arith.constant 0 : index
    %get3A_7 = vector.load %arg2[%get3A_4, %get3A_5, %get3A_6] : memref<2x1000x1xf32, #tpu.memory_space<vmem>>, vector<1x1000x1xf32>
    %get3A_8 = vector.shape_cast %get3A_7 : vector<1x1000x1xf32> to vector<1000x1xf32>
    %add3A = arith.addf %get3A_3, %get3A_8 : vector<1000x1xf32>
    %max3A = arith.constant 1.000000e+00 : f32
    %max3A_9 = vector.broadcast %max3A : f32 to vector<1000x1xf32>
    %max3A_10 = arith.maximumf %add3A, %max3A_9 : vector<1000x1xf32>
    %rsqrt3A = math.rsqrt %max3A_10 : vector<1000x1xf32>
    %get3A_11 = arith.constant 0 : index
    %get3A_12 = arith.constant 0 : index
    %get3A_13 = arith.constant 0 : index
    %get3A_14 = vector.load %arg1[%get3A_11, %get3A_12, %get3A_13] : memref<2x1000x128xf32, #tpu.memory_space<vmem>>, vector<1x1000x128xf32>
    %get3A_15 = vector.shape_cast %get3A_14 : vector<1x1000x128xf32> to vector<1000x128xf32>
    %get3A_16 = arith.constant 1 : index
    %get3A_17 = arith.constant 0 : index
    %get3A_18 = arith.constant 0 : index
    %get3A_19 = vector.load %arg1[%get3A_16, %get3A_17, %get3A_18] : memref<2x1000x128xf32, #tpu.memory_space<vmem>>, vector<1x1000x128xf32>
    %get3A_20 = vector.shape_cast %get3A_19 : vector<1x1000x128xf32> to vector<1000x128xf32>
    %add3A_21 = arith.addf %get3A_15, %get3A_20 : vector<1000x128xf32>
    %mul3A = vector.broadcast %rsqrt3A : vector<1000x1xf32> to vector<1000x128xf32>
    %mul3A_22 = arith.mulf %add3A_21, %mul3A : vector<1000x128xf32>
    %get3A_23 = arith.constant 0 : index
    %get3A_24 = arith.constant 0 : index
    %get3A_25 = vector.load %arg3[%get3A_23, %get3A_24] : memref<1x128xf32, #tpu.memory_space<vmem>>, vector<1x128xf32>
    %add3A_26 = vector.broadcast %get3A_25 : vector<1x128xf32> to vector<1000x128xf32>
    %add3A_27 = arith.addf %mul3A_22, %add3A_26 : vector<1000x128xf32>
    %tanh3A = math.tanh %add3A_27 : vector<1000x128xf32>
    %swap3A = arith.constant 0 : index
    %swap3A_28 = arith.constant 0 : index
    %swap3A_29 = vector.load %arg4[%swap3A, %swap3A_28] : memref<1000x128xf32, #tpu.memory_space<vmem>>, vector<1000x128xf32>
    tpu.vector_store %arg4[%swap3A, %swap3A_28], %tanh3A {strides = array<i32>} : memref<1000x128xf32, #tpu.memory_space<vmem>>, vector<1000x128xf32>,
    return
  }
  func.func @transform_0(%arg0: i32) -> (i32, i32, i32) {
    %c0_i32 = arith.constant 0 : i32
    %c0_i32_0 = arith.constant 0 : i32
    %c0_i32_1 = arith.constant 0 : i32
    return %c0_i32, %arg0, %c0_i32_0 : i32, i32, i32
  }
  func.func @transform_1(%arg0: i32) -> (i32, i32, i32) {
    %c0_i32 = arith.constant 0 : i32
    %c0_i32_0 = arith.constant 0 : i32
    %c0_i32_1 = arith.constant 0 : i32
    return %c0_i32, %arg0, %c0_i32_0 : i32, i32, i32
  }
  func.func @transform_2(%arg0: i32) -> (i32, i32) {
    %c0_i32 = arith.constant 0 : i32
    %c0_i32_0 = arith.constant 0 : i32
    %c0_i32_1 = arith.constant 0 : i32
    return %c0_i32, %c0_i32_0 : i32, i32
  }
  func.func @transform_3(%arg0: i32) -> (i32, i32) {
    %c0_i32 = arith.constant 0 : i32
    %c0_i32_0 = arith.constant 0 : i32
    return %arg0, %c0_i32 : i32, i32
  }
}

</mosaic_0001>

<sc_bundles>
// kernel: kernel.11.cloned.1.call-start
scs
__scs_entry_jumppad:
0x0: {  	(pc) =	sbr.rel $0x88, $3  }
0x1: {  	(tag) =	ssettag $0x0;
	lr =	simm.s32 $0x1  }
0x2: {  	[smem:$0x3F9B] =	sst lr;
	_ =	strace $0xD0000000  }
0x3: {  	_ = 	snop  }
0x4: {  	_ = 	snop  }
0x5: {  	_ = 	snop  }
0x6: {  	_ = 	snop  }
0x7: {  	_ = 	snop  }
__scs_overlays_trampoline_lowered:
0x8: {  	[smem:$0x3FAA] =	sst s0  }
0x9: {  	[smem:$0x3FAB] =	sst s1  }
0xa: {  	[smem:$0x3FAC] =	sst s2  }
0xb: {  	[smem:$0x3FAD] =	sst s3  }
0xc: {  	[smem:$0x3FAE] =	sst s4  }
0xd: {  	[smem:$0x3FAF] =	sst s5  }
0xe: {  	[smem:$0x3FB0] =	sst s6  }
0xf: {  	[smem:$0x3FB1] =	sst s7  }
0x10: {  	[smem:$0x3FB2] =	sst s8  }
0x11: {  	[smem:$0x3FB3] =	sst s9;
	s0 =	simm.s32 @!p0 $0x0  }
0x12: {  	s1 =	sld [smem:$0x3F99];
	s0 =	simm.s32 @p0 $0x1  }
0x13: {  	[smem:$0x3FB4] =	sst s0;
	s0 =	simm.s32 @!p1 $0x0  }
0x14: {  	s2 =	sld [smem:$0x3F98];
	s0 =	simm.s32 @p1 $0x1  }
0x15: {  	[smem:$0x3FB5] =	sst s0;
	s0 =	simm.s32 @!p2 $0x0  }
0x16: {  	s3 =	sld [smem:$0x3FDB];
	s0 =	simm.s32 @p2 $0x1  }
0x17: {  	s4 =	simm.s32 $0x1BF5;
	[smem:$0x3FB7] =	sst s0  }
0x18: {  	s0 =	sld [smem:$0x3F9A];
	_ =	swait.ge [sflag:s4], $0x0  }
0x19: {  	s7 =	sld [smem:$0x3F9B]  }
0x1a: {  	s8 =	sadd.s32 $0xFFFFE003, lr  }
0x1b: {  	s9 =	sadd.s32 $0xFFFFFEF7, lr;
	s5 =	simm.s32 $0xFFFFFFFF;
	p2 =	slt.u32 s8, $0xFFFFF086  }
0x1c: {  	p1 =	slt.u32 s9, $0xF7A;
	s5 =	simm.s32 @!p2 $0x0  }
0x1d: {  	s5 =	simm.s32 @p1 $0x1;
	p0 =	seq.s32 s7, s2  }
0x1e: {  	s7 =	smul.u32 @!p0 $0xF7A, s2;
	p2 =	seq.s32 @!p0 s5, $0x0  }
0x1f: {  	s9 =	smul.u32 $0xF7A, s1;
	s8 =	simm.s32 @!p0 $0x1BF5;
	p2 =	por !p2, p0  }
0x20: {  	[sflag:s8] =	ssyncset.s32 @!p0 $0xFFFFF086;
	s6 =	sadd.s32 @!p0 s3, s7;
	s7 =	simm.s32 @!p0 $0x108  }
0x21: {  	s3 =	sadd.s32 s3, s9;
	s6 =	sadd.s32 @!p0 $0x88, s6;
	s7 =	simm.s32 @p2 $0x1082  }
0x22: {  	[simem:s7], [sflag:s8] =	dma.local @!p0 [hbm:s6], $0xF7A  }
0x23: {  	s9 =	sor.u32 $0xD0000000, s2;
	s6 =	simm.s32 $0x108;
	_ =	swait.ge @!p0 [sflag:s8], $0x0  }
0x24: {  	s3 =	sadd.s32 $0x88, s3;
	s6 =	simm.s32 @!p1 $0x1082;
	[sflag:s4] =	ssyncset.s32 $0xFFFFF086  }
0x25: {  	[simem:s6], [sflag:s4] =	dma.local [hbm:s3], $0xF7A  }
0x26: {  	[smem:$0x3F9B] =	sst s1;
	(tag) =	ssettag s2;
	_ =	strace s9  }
0x27: {  	s1 =	sld [smem:$0x3FAB]  }
0x28: {  	s2 =	sld [smem:$0x3FAC]  }
0x29: {  	s4 =	sld [smem:$0x3FAE]  }
0x2a: {  	p0 =	seq.s32 s5, $0x0;
	s5 =	sld [smem:$0x3FAF]  }
0x2b: {  	s6 =	sld [smem:$0x3FB0]  }
0x2c: {  	s7 =	sld [smem:$0x3FB1]  }
0x2d: {  	s3 =	simm.s32 $0x108;
	s8 =	sld [smem:$0x3FB2]  }
0x2e: {  	s3 =	simm.s32 @!p0 $0x1082;
	s9 =	sld [smem:$0x3FB3]  }
0x2f: {  	lr =	sadd.s32 s0, s3;
	s0 =	sld [smem:$0x3FAA]  }
0x30: {  	s3 =	sld [smem:$0x3FAD]  }
0x31: {  	[smem:$0x3FB6] =	sst s10  }
0x32: {  	s10 =	sld [smem:$0x3FB4];
	_ =	sdelay $0x3  }
0x33: {  	p0 =	seq.s32 s10, $0x1;
	s10 =	sld [smem:$0x3FB6];
	_ =	sdelay $0x3  }
0x34: {  	[smem:$0x3FB6] =	sst s10  }
0x35: {  	s10 =	sld [smem:$0x3FB5];
	_ =	sdelay $0x3  }
0x36: {  	p1 =	seq.s32 s10, $0x1;
	s10 =	sld [smem:$0x3FB6];
	_ =	sdelay $0x3  }
0x37: {  	[smem:$0x3FB6] =	sst s10  }
0x38: {  	s10 =	sld [smem:$0x3FB7]  }
0x39: {  	_ = 	snop;
	(pc) =	sbr.ind lr, $3  }
0x3a: {  	_ = 	snop  }
0x3b: {  	_ = 	snop  }
0x3c: {  	p2 =	seq.s32 s10, $0x1;
	s10 =	sld [smem:$0x3FB6]  }
0x3d: {  	_ =	shalt  }
0x3e: {  	_ =	shalt  }
0x3f: {  	_ =	shalt  }
0x40: {  	_ =	shalt  }
0x41: {  	_ =	shalt  }
0x42: {  	_ =	shalt  }
0x43: {  	_ =	shalt  }
0x44: {  	_ =	shalt  }
0x45: {  	_ =	shalt  }
0x46: {  	_ =	shalt  }
0x47: {  	_ =	shalt  }
0x48: {  	_ =	shalt  }
0x49: {  	_ =	shalt  }
0x4a: {  	_ =	shalt  }
0x4b: {  	_ =	shalt  }
0x4c: {  	_ =	shalt  }
0x4d: {  	_ =	shalt  }
0x4e: {  	_ =	shalt  }
0x4f: {  	_ =	shalt  }
0x50: {  	_ =	shalt  }
0x51: {  	_ =	shalt  }
0x52: {  	_ =	shalt  }
0x53: {  	_ =	shalt  }
0x54: {  	_ =	shalt  }
0x55: {  	_ =	shalt  }
0x56: {  	_ =	shalt  }
0x57: {  	_ =	shalt  }
0x58: {  	_ =	shalt  }
0x59: {  	_ =	shalt  }
0x5a: {  	_ =	shalt  }
0x5b: {  	_ =	shalt  }
0x5c: {  	_ =	shalt  }
0x5d: {  	_ =	shalt  }
0x5e: {  	_ =	shalt  }
0x5f: {  	_ =	shalt  }
0x60: {  	_ =	shalt  }
0x61: {  	_ =	shalt  }
0x62: {  	_ =	shalt  }
0x63: {  	_ =	shalt  }
0x64: {  	_ =	shalt  }
0x65: {  	_ =	shalt  }
0x66: {  	_ =	shalt  }
0x67: {  	_ =	shalt  }
0x68: {  	_ =	shalt  }
0x69: {  	_ =	shalt  }
0x6a: {  	_ =	shalt  }
0x6b: {  	_ =	shalt  }
0x6c: {  	_ =	shalt  }
0x6d: {  	_ =	shalt  }
0x6e: {  	_ =	shalt  }
0x6f: {  	_ =	shalt  }
0x70: {  	_ =	shalt  }
0x71: {  	_ =	shalt  }
0x72: {  	_ =	shalt  }
0x73: {  	_ =	shalt  }
0x74: {  	_ =	shalt  }
0x75: {  	_ =	shalt  }
0x76: {  	_ =	shalt  }
0x77: {  	_ =	shalt  }
0x78: {  	_ =	shalt  }
0x79: {  	_ =	shalt  }
0x7a: {  	_ =	shalt  }
0x7b: {  	_ =	shalt  }
0x7c: {  	_ =	shalt  }
0x7d: {  	_ =	shalt  }
0x7e: {  	_ =	shalt  }
0x7f: {  	_ =	shalt  }
0x80: {  	_ =	shalt  }
0x81: {  	_ =	shalt  }
0x82: {  	_ =	shalt  }
0x83: {  	_ =	shalt  }
0x84: {  	_ =	shalt  }
0x85: {  	_ =	shalt  }
0x86: {  	_ =	shalt  }
0x87: {  	_ =	shalt  }
.Lfunc_end0:
.L_simem_size_0:
called_computation.1_lowered:
.L_overlay_start_0:
0x88: {  	s2 =	sld [smem:$0x3FD9]  }
0x89: {  	s3 =	sld [smem:$0x3FFE];
	_ =	sdelay $0x1  }
0x8a: {  	s1 =	srdreg.scid  }
0x8b: {  	s0 =	sand.u32 $0x1, s1  }
0x8c: {  	s17 =	sshll.u32 s0, $0xA;
	s2 =	sadd.s32 s3, s2  }
0x8d: {  	s2 =	sadd.s32 s2, s17  }
0x8e: {  	[smem:$0x3FC2] =	sst s2  }
0x8f: {  	_ = 	snop  }
0x90: {  	s2 =	sld [smem:$0x3FD0];
	(tm) =	ssettm $0x1  }
0x91: {  	s18 =	sld [smem:$0x3FFB];
	_ =	sdelay $0x3  }
0x92: {  	_ =	strace s18  }
0x93: {  	s3 =	sld [smem:$0x3FFC];
	_ =	sdelay $0x3  }
0x94: {  	_ =	strace s3  }
0x95: {  	s3 =	sld [smem:$0x3FFD];
	_ =	sdelay $0x3  }
0x96: {  	_ =	strace s3  }
0x97: {  	_ =	strace $0x8FFFFFFF  }
0x98: {  	s19 =	sld [smem:$0x3FDB];
	_ =	sdelay $0x1  }
0x99: {  	s4 =	simm.s32 $_scs_section_size  }
0x9a: {  	s5 =	simm.s32 $_size__tile_overlayer_lowered;
	s6 =	simm.s32 $_tile_overlayer_lowered  }
0x9b: {  	s22 =	simm.s32 $0x1BFF;
	s21 =	sshll.u32 s6, $0x1;
	s3 =	sadd.s32 s4, s19  }
0x9c: {  	s7 =	simm.s32 $0x0;
	s20 =	sshll.u32 s5, $0x1;
	s5 =	sadd.s32 s21, s3  }
0x9d: {  	[timem:s7], [sflag:s22] =	dma.local [hbm:s5], s20  }
0x9e: {  	_ =	swait.ge [sflag:s22], s20  }
0x9f: {  	s4 =	ssub.s32 $0x0, s20;
	[sflag:s22] =	ssyncset.done $0x0  }
0xa0: {  	[sflag:s22] =	ssyncadd.s32 s4;
	_ =	sdelay $0x1  }
0xa1: {  	s23 =	simm.s32 $0x1B8B  }
0xa2: {  	_ =	swait.ge [sflag:s23], $0x1  }
0xa3: {  	[sflag:s23] =	ssyncset.done $0x0  }
0xa4: {  	s25 =	simm.s32 $0x1B8E;
	s24 =	sld [smem:$0x3FFE];
	[sflag:s23] =	ssyncadd.s32 $0xFFFFFFFF  }
0xa5: {  	s26 =	simm.s32 $execute0_lowered;
	[smem:$0x3FD2] =	sst s25  }
0xa6: {  	s5 =	sshll.u32 s26, $0x1;
	_ =	strace $0x80000049;
	[dreg:$0x1] =	wrdreg $0xFFFFFFFF  }
0xa7: {  	s28 =	simm.s32 $_size_execute0_lowered;
	s3 =	sadd.s32 s3, s5;
	[dreg:$0x0] =	wrdreg $0x0  }
0xa8: {  	s5 =	sshll.u32 s28, $0x1;
	[dreg:$0x2] =	wrdreg s3  }
0xa9: {  	[dreg:$0x3] =	wrdreg s5  }
0xaa: {  	[dreg:$0x4] =	wrdreg $0xC0  }
0xab: {  	_ =	task [dreg:s7], $0x5FFFF  }
0xac: {  	[dreg:$0x1] =	wrdreg $0xFFFFFFFF  }
0xad: {  	[dreg:$0x0] =	wrdreg $0x60  }
0xae: {  	[dreg:$0x2] =	wrdreg s2  }
0xaf: {  	[dreg:$0x3] =	wrdreg s24  }
0xb0: {  	[dreg:$0x4] =	wrdreg $0x84000  }
0xb1: {  	[dreg:$0x5] =	wrdreg $0x9  }
0xb2: {  	_ =	task.clear_ibuf [dreg:s7], $0x6FFFF;
	_ =	strace $0x90000049  }
0xb3: {  	s29 =	simm.s32 $0x9;
	_ =	strace $0x8000004B  }
0xb4: {  	_ =	swait.ge [sflag:s29], $0x1  }
0xb5: {  	[sflag:s29] =	ssyncadd.s32 $0xFFFFFFFF  }
0xb6: {  	_ =	strace $0x9000004B  }
0xb7: {  	_ =	sfence  }
0xb8: {  	s30 =	sld [smem:$0x0];
	_ =	sdelay $0x2  }
0xb9: {  	s31 =	sshll.u32 s1, $0xD;
	s1 =	sshrl.u32 s1, $0x2  }
0xba: {  	s3 =	sand.u32 $0x4000, s31;
	s1 =	sadd.s32 s1, s30  }
0xbb: {  	s0 =	sor.u32 s3, s0;
	s1 =	sshll.u32 s1, $0x11  }
0xbc: {  	s0 =	sor.u32 s1, s0  }
0xbd: {  	s0 =	sadd.s32 $0x8F2B, s0  }
0xbe: {  	[sflag:s0] =	ssyncadd.remote.s32 $0x1  }
0xbf: {  	_ =	sfence.sel $0xFFFF  }
0xc0: {  	[dreg:$0x0] =	wrdreg $0xFFFFFFFF;
	(pc) =	sbr.abs _section_cstart, $3  }
0xc1: {  	[dreg:$0x1] =	wrdreg $0xFFFFFFFF  }
0xc2: {  	_ =	task.clear_ibuf [dreg:s7], $0x2FFFF;
	_ =	strace $0x9FFFFFFF  }
0xc3: {  	(tm) =	ssettm $0x7FFFFFFF  }
tec
execute0_lowered:
.L_overlay_start_1:
0x0: {  	(tag) =	ssettag $0x1  }
0x1: {  	s1 =	rddreg [dreg:$0x0]  }
0x2: {  	s0 =	rddreg [dreg:$0x1]  }
0x3: {  	s3 =	rddreg [dreg:$0x2];
	s2 =	srdreg.scid;
	s4 =	simm.s32 $0x0  }
0x4: {  	s14 =	stileid.u32;
	s26 =	simm.s32 $0x80;
	s30 =	simm.s32 $0x180  }
0x5: {  	s31 =	simm.s32 $0x380;
	s28 =	simm.s32 $0x4;
	s6 =	smul.u32 $0x2800, s14  }
0x6: {  	s29 =	simm.s32 $0x0;
	s2 =	sand.u32 $0x1, s2;
	s9 =	smul.u32 $0x50000, s14  }
0x7: {  	[smem:$0x7FF] =	sst s4;
	s10 =	sadd.s32 $0x3800, s0;
	s18 =	smul.u32 $0x50, s14  }
0x8: {  	s13 =	sadd.s32 $0x67800, s0;
	s20 =	sshll.u32 s14, $0x6;
	s21 =	smul.u32 $0xA00, s14  }
0x9: {  	_ =	strace $0x8000004A;
	s7 =	smul.u32 $0x28000, s2;
	[dreg:$0x8] =	wrdreg s13  }
0xa: {  	s5 =	sshll.u32 s2, $0x4;
	s11 =	smul.u32 $0x500, s2;
	[dreg:$0x5] =	wrdreg s26  }
0xb: {  	s15 =	ssub.s32 $0x2, s2;
	s2 =	smul.u32 $0xA000, s2;
	[dreg:$0x6] =	wrdreg s30  }
0xc: {  	[dreg:$0x7] =	wrdreg s31;
	s26 =	simm.s32 $0x8;
	s8 =	sor.u32 s14, s5  }
0xd: {  	s16 =	sshrl.u32 s15, $0x1;
	s17 =	sshrl.u32 s9, $0x2;
	s14 =	simm.s32 $0x1  }
0xe: {  	s8 =	smul.u32 $0xA00, s8;
	s6 =	sadd.s32 s6, s7;
	s12 =	ssub.s32 s15, s16  }
0xf: {  	s13 =	sadd.s32 s17, s3;
	s7 =	sor.u32 $0x1C09, s20;
	s9 =	sadd.s32 s18, s11  }
0x10: {  	s23 =	sadd.s32 s2, s10;
	s15 =	simm.s32 $0x7D;
	s16 =	simm.s32 $0x400  }
0x11: {  	s17 =	simm.s32 $0x100;
	s18 =	simm.s32 $0x2;
	s20 =	simm.s32 $0x200  }
0x12: {  	s0 =	sadd.s32 s6, s0;
	s22 =	sshll.u32 s9, $0x5;
	s11 =	sadd.s32 s21, s23  }
0x13: {  	s21 =	simm.s32 $0x5;
	s23 =	simm.s32 $0x3;
	s19 =	sadd.s32 s10, s8  }
0x14: {  	s0 =	sadd.s32 $0x6A000, s0;
	s24 =	sadd.s32 s22, s10;
	s10 =	smax.u32 s12, $0x1  }
0x15: {  	s12 =	sshrl.u32 s13, $0x3;
	s13 =	simm.s32 $0x9;
	[dreg:$0x9] =	wrdreg s19  }
0x16: {  	s22 =	simm.s32 $0x7;
	s5 =	sadd.s32 $0x20, s19;
	[dreg:$0xb] =	wrdreg s0  }
0x17: {  	s25 =	sadd.s32 $0x60, s24;
	s19 =	simm.s32 $0x4400;
	[dreg:$0xa] =	wrdreg s5  }
0x18: {  	s24 =	simm.s32 $0x300;
	[dreg:$0x4] =	wrdreg s25;
	s25 =	simm.s32 $0x6  }
.LBB2_1:
0x19: {  	s0 =	rddreg [dreg:$0x9]  }
0x1a: {  	s9 =	rddreg [dreg:$0x8]  }
0x1b: {  	[tilespmem:s4], [sflag:$0x1] =	stream.linear.gather [hbm4b:s0+s4], $0x100, $0x38;
	[tilespmem:$0x1C400] =	vst v63  }
0x1c: {  	[spmem:s12], [sflag:s7] =	dma.local [hbm:s9], $0x2800  }
0x1d: {  	_ =	swait.ge [sflag:s13], $0x2800  }
0x1e: {  	[sflag:s13] =	ssyncset.done $0x0  }
0x1f: {  	[sflag:s13] =	ssyncadd.s32 $0xFFFFD800  }
0x20: {  	_ =	swait.ge [sflag:s14], $0x100  }
0x21: {  	[sflag:s14] =	ssyncset.done $0x0  }
0x22: {  	[sflag:s14] =	ssyncadd.s32 $0xFFFFFF00  }
0x23: {  	[tilespmem:s16], [sflag:$0x5] =	stream.indirect.gather [hbm4b:s1+s15], $0x80, s4, s15, $0xb8;
	[tilespmem:$0x1C400] =	vst v63  }
0x24: {  	p0 =	por $0x1, $0x1;
	s2 =	rddreg [dreg:$0xa]  }
0x25: {  	[tilespmem:s17], [sflag:$0x2] =	stream.linear.gather [hbm4b:s2+s4], $0x100, $0x38;
	[tilespmem:$0x1C400] =	vst v63  }
0x26: {  	s0 =	simm.s32 @!p0 $0x8;
	[bflag:$0x0] =	sbarrier.arrive $0xFFFF  }
0x27: {  	_ =	swait.ge @!p0 [sflag:s0], $0x3E80  }
0x28: {  	[sflag:s0] =	ssyncset.done @!p0 $0x0  }
0x29: {  	[sflag:s0] =	ssyncadd.s32 @!p0 $0xFFFFC180  }
0x2a: {  	_ =	swait.ge [sflag:s18], $0x100  }
0x2b: {  	[sflag:s18] =	ssyncset.done $0x0  }
0x2c: {  	s5 =	sadd.s32 $0x0, s11;
	[sflag:s18] =	ssyncadd.s32 $0xFFFFFF00  }
0x2d: {  	[tilespmem:s19], [sflag:$0x6] =	stream.indirect.gather [hbm4b:s1+s15], $0x80, s17, s15, $0xb8;
	[tilespmem:$0x1C400] =	vst v63  }
0x2e: {  	s0 =	sadd.s32 $0x40, s5  }
0x2f: {  	[tilespmem:s20], [sflag:$0x3] =	stream.linear.gather [hbm4b:s0+s4], $0x100, $0x38;
	[tilespmem:$0x1C400] =	vst v63  }
0x30: {  	_ =	swait.ge [sflag:s21], $0x3E80  }
0x31: {  	[sflag:s21] =	ssyncset.done $0x0  }
0x32: {  	s6 =	rddreg [dreg:$0x5];
	[sflag:s21] =	ssyncadd.s32 $0xFFFFC180  }
0x33: {  	[spmem:s3] =	stream.indirect.scatter.add.f32 [tilespmem:s16], [sflag:$0x7], $0x80, s6, s15, $0xb8;
	[tilespmem:$0x1C400] =	vst v63  }
0x34: {  	_ =	swait.ge [sflag:s22], $0x3E80  }
0x35: {  	[sflag:s22] =	ssyncset.done $0x0  }
0x36: {  	[sflag:s22] =	ssyncadd.s32 $0xFFFFC180  }
0x37: {  	_ =	swait.ge [sflag:s23], $0x100  }
0x38: {  	[sflag:s23] =	ssyncset.done $0x0  }
0x39: {  	s8 =	rddreg [dreg:$0x4];
	[sflag:s23] =	ssyncadd.s32 $0xFFFFFF00  }
0x3a: {  	[tilespmem:s16], [sflag:$0x5] =	stream.indirect.gather [hbm4b:s1+s15], $0x80, s20, s15, $0xb8;
	[tilespmem:$0x1C400] =	vst v63  }
0x3b: {  	s0 =	sadd.s32 $0x0, s8  }
0x3c: {  	[tilespmem:s24], [sflag:$0x4] =	stream.linear.gather [hbm4b:s0+s4], $0x100, $0x38;
	[tilespmem:$0x1C400] =	vst v63  }
0x3d: {  	_ =	swait.ge [sflag:s25], $0x3E80  }
0x3e: {  	[sflag:s25] =	ssyncset.done $0x0  }
0x3f: {  	s9 =	rddreg [dreg:$0x6];
	[sflag:s25] =	ssyncadd.s32 $0xFFFFC180  }
0x40: {  	[spmem:s3] =	stream.indirect.scatter.add.f32 [tilespmem:s19], [sflag:$0x8], $0x80, s9, s15, $0xb8;
	[tilespmem:$0x1C400] =	vst v63  }
0x41: {  	_ =	swait.ge [sflag:s26], $0x3E80  }
0x42: {  	[sflag:s26] =	ssyncset.done $0x0  }
0x43: {  	[sflag:s26] =	ssyncadd.s32 $0xFFFFC180  }
0x44: {  	_ =	swait.ge [sflag:s28], $0x100  }
0x45: {  	p0 =	por $0x1, $0x1;
	[sflag:s28] =	ssyncset.done $0x0  }
0x46: {  	s0 =	sadd.s32 @p0 $0x0, s11;
	[sflag:s28] =	ssyncadd.s32 $0xFFFFFF00  }
0x47: {  	[tilespmem:s19], [sflag:$0x6] =	stream.indirect.gather [hbm4b:s1+s15], $0x80, s24, s15, $0xb8;
	[tilespmem:$0x1C400] =	vst v63  }
0x48: {  	s2 =	simm.s32 @p0 $0x0;
	s31 =	simm.s32 @p0 $0x5;
	s30 =	sadd.s32 @p0 $0x80, s0  }
0x49: {  	[tilespmem:s2], [sflag:$0x1] =	stream.linear.gather @p0 [hbm4b:s30+s2], $0x100, $0x38;
	[tilespmem:$0x1C400] =	vst v63  }
0x4a: {  	_ =	swait.ge @p0 [sflag:s31], $0x3E80  }
0x4b: {  	s5 =	simm.s32 @p0 $0x7D;
	[sflag:s31] =	ssyncset.done @p0 $0x0  }
0x4c: {  	s30 =	simm.s32 @p0 $0x400;
	[sflag:s31] =	ssyncadd.s32 @p0 $0xFFFFC180;
	s31 =	simm.s32 @p0 $0x280  }
0x4d: {  	[spmem:s3] =	stream.indirect.scatter.add.f32 @p0 [tilespmem:s30], [sflag:$0x7], $0x80, s31, s5, $0xb8;
	[tilespmem:$0x1C400] =	vst v63  }
0x4e: {  	s31 =	simm.s32 @p0 $0x7  }
0x4f: {  	_ =	swait.ge @p0 [sflag:s31], $0x3E80  }
0x50: {  	[sflag:s31] =	ssyncset.done @p0 $0x0  }
0x51: {  	[sflag:s31] =	ssyncadd.s32 @p0 $0xFFFFC180;
	s31 =	simm.s32 @p0 $0x1  }
0x52: {  	_ =	swait.ge @p0 [sflag:s31], $0x100  }
0x53: {  	[sflag:s31] =	ssyncset.done @p0 $0x0  }
0x54: {  	[sflag:s31] =	ssyncadd.s32 @p0 $0xFFFFFF00  }
0x55: {  	[tilespmem:s30], [sflag:$0x5] =	stream.indirect.gather @p0 [hbm4b:s1+s5], $0x80, s2, s5, $0xb8;
	[tilespmem:$0x1C400] =	vst v63  }
0x56: {  	s0 =	sadd.s32 @p0 $0xA0, s0;
	s5 =	simm.s32 @p0 $0x100  }
0x57: {  	[tilespmem:s5], [sflag:$0x2] =	stream.linear.gather @p0 [hbm4b:s0+s2], $0x100, $0x38;
	[tilespmem:$0x1C400] =	vst v63  }
0x58: {  	s0 =	simm.s32 @!p0 $0x5  }
0x59: {  	_ =	swait.ge @!p0 [sflag:s0], $0x3E80  }
0x5a: {  	s2 =	simm.s32 @!p0 $0x400;
	[sflag:s0] =	ssyncset.done @!p0 $0x0  }
0x5b: {  	s5 =	simm.s32 @!p0 $0x7D;
	[sflag:s0] =	ssyncadd.s32 @!p0 $0xFFFFC180;
	s0 =	simm.s32 @!p0 $0x280  }
0x5c: {  	[spmem:s3] =	stream.indirect.scatter.add.f32 @!p0 [tilespmem:s2], [sflag:$0x7], $0x80, s0, s5, $0xb8;
	[tilespmem:$0x1C400] =	vst v63  }
0x5d: {  	s0 =	simm.s32 @!p0 $0x7  }
0x5e: {  	_ =	swait.ge @!p0 [sflag:s0], $0x3E80  }
0x5f: {  	[sflag:s0] =	ssyncset.done @!p0 $0x0  }
0x60: {  	[sflag:s0] =	ssyncadd.s32 @!p0 $0xFFFFC180  }
0x61: {  	p1 =	por $0x0, $0x0;
	s31 =	simm.s32 $0x100;
	_ =	swait.ge [sflag:s25], $0x3E80  }
0x62: {  	s30 =	simm.s32 $0x80;
	[sflag:s25] =	ssyncset.done $0x0;
	s2 =	rddreg [dreg:$0x7]  }
.LBB2_2:
0x63: {  	s5 =	simm.s32 @!p1 $0x8;
	[sflag:s25] =	ssyncadd.s32 $0xFFFFC180  }
0x64: {  	[spmem:s3] =	stream.indirect.scatter.add.f32 [tilespmem:s19], [sflag:$0x8], $0x80, s2, s15, $0xb8;
	[tilespmem:$0x1C400] =	vst v63  }
0x65: {  	_ =	swait.ge @!p1 [sflag:s5], $0x3E80  }
0x66: {  	[sflag:s5] =	ssyncset.done @!p1 $0x0  }
0x67: {  	[sflag:s5] =	ssyncadd.s32 @!p1 $0xFFFFC180  }
0x68: {  	_ =	swait.ge [sflag:s18], $0x100  }
0x69: {  	[sflag:s18] =	ssyncset.done $0x0  }
0x6a: {  	s5 =	sadd.s32 s30, s11;
	[sflag:s18] =	ssyncadd.s32 $0xFFFFFF00  }
0x6b: {  	[tilespmem:s19], [sflag:$0x6] =	stream.indirect.gather [hbm4b:s1+s15], $0x80, s17, s15, $0xb8;
	[tilespmem:$0x1C400] =	vst v63  }
0x6c: {  	s2 =	sadd.s32 $0x40, s5  }
0x6d: {  	[tilespmem:s20], [sflag:$0x3] =	stream.linear.gather [hbm4b:s2+s4], $0x100, $0x38;
	[tilespmem:$0x1C400] =	vst v63  }
0x6e: {  	_ =	swait.ge [sflag:s21], $0x3E80  }
0x6f: {  	[sflag:s21] =	ssyncset.done $0x0  }
0x70: {  	s6 =	rddreg [dreg:$0x5];
	[sflag:s21] =	ssyncadd.s32 $0xFFFFC180  }
0x71: {  	[spmem:s3] =	stream.indirect.scatter.add.f32 [tilespmem:s16], [sflag:$0x7], $0x80, s6, s15, $0xb8;
	[tilespmem:$0x1C400] =	vst v63  }
0x72: {  	_ =	swait.ge [sflag:s22], $0x3E80  }
0x73: {  	[sflag:s22] =	ssyncset.done $0x0  }
0x74: {  	[sflag:s22] =	ssyncadd.s32 $0xFFFFC180  }
0x75: {  	_ =	swait.ge [sflag:s23], $0x100  }
0x76: {  	[sflag:s23] =	ssyncset.done $0x0  }
0x77: {  	s8 =	rddreg [dreg:$0x4];
	[sflag:s23] =	ssyncadd.s32 $0xFFFFFF00  }
0x78: {  	[tilespmem:s16], [sflag:$0x5] =	stream.indirect.gather [hbm4b:s1+s15], $0x80, s20, s15, $0xb8;
	[tilespmem:$0x1C400] =	vst v63  }
0x79: {  	s2 =	sadd.s32 s30, s8  }
0x7a: {  	[tilespmem:s24], [sflag:$0x4] =	stream.linear.gather [hbm4b:s2+s4], $0x100, $0x38;
	[tilespmem:$0x1C400] =	vst v63  }
0x7b: {  	_ =	swait.ge [sflag:s25], $0x3E80  }
0x7c: {  	[sflag:s25] =	ssyncset.done $0x0  }
0x7d: {  	s9 =	rddreg [dreg:$0x6];
	[sflag:s25] =	ssyncadd.s32 $0xFFFFC180  }
0x7e: {  	[spmem:s3] =	stream.indirect.scatter.add.f32 [tilespmem:s19], [sflag:$0x8], $0x80, s9, s15, $0xb8;
	[tilespmem:$0x1C400] =	vst v63  }
0x7f: {  	_ =	swait.ge [sflag:s26], $0x3E80  }
0x80: {  	[sflag:s26] =	ssyncset.done $0x0  }
0x81: {  	[sflag:s26] =	ssyncadd.s32 $0xFFFFC180  }
0x82: {  	_ =	swait.ge [sflag:s28], $0x100  }
0x83: {  	p1 =	sne.s32 s30, $0x980;
	[sflag:s28] =	ssyncset.done $0x0  }
0x84: {  	s2 =	sadd.s32 @p1 s30, s11;
	[sflag:s28] =	ssyncadd.s32 $0xFFFFFF00  }
0x85: {  	[tilespmem:s19], [sflag:$0x6] =	stream.indirect.gather [hbm4b:s1+s15], $0x80, s24, s15, $0xb8;
	[tilespmem:$0x1C400] =	vst v63  }
0x86: {  	s5 =	simm.s32 @p1 $0x0;
	s8 =	simm.s32 @p1 $0x5;
	s30 =	sadd.s32 @p1 $0x80, s2  }
0x87: {  	[tilespmem:s5], [sflag:$0x1] =	stream.linear.gather @p1 [hbm4b:s30+s5], $0x100, $0x38;
	[tilespmem:$0x1C400] =	vst v63  }
0x88: {  	s0 =	smov.u32 s31;
	s6 =	simm.s32 @p1 $0x280;
	_ =	swait.ge @p1 [sflag:s8], $0x3E80  }
0x89: {  	s9 =	simm.s32 @p1 $0x400;
	s30 =	smov.u32 s0;
	[sflag:s8] =	ssyncset.done @p1 $0x0  }
0x8a: {  	s0 =	simm.s32 @p1 $0x7D;
	[sflag:s8] =	ssyncadd.s32 @p1 $0xFFFFC180;
	s8 =	simm.s32 @p1 $0x7  }
0x8b: {  	[spmem:s3] =	stream.indirect.scatter.add.f32 @p1 [tilespmem:s9], [sflag:$0x7], $0x80, s6, s0, $0xb8;
	[tilespmem:$0x1C400] =	vst v63  }
0x8c: {  	_ =	swait.ge @p1 [sflag:s8], $0x3E80  }
0x8d: {  	[sflag:s8] =	ssyncset.done @p1 $0x0  }
0x8e: {  	s6 =	simm.s32 @p1 $0x1;
	[sflag:s8] =	ssyncadd.s32 @p1 $0xFFFFC180  }
0x8f: {  	_ =	swait.ge @p1 [sflag:s6], $0x100  }
0x90: {  	[sflag:s6] =	ssyncset.done @p1 $0x0  }
0x91: {  	s31 =	sadd.s32 $0x80, s31;
	[sflag:s6] =	ssyncadd.s32 @p1 $0xFFFFFF00  }
0x92: {  	[tilespmem:s9], [sflag:$0x5] =	stream.indirect.gather @p1 [hbm4b:s1+s0], $0x80, s5, s0, $0xb8;
	[tilespmem:$0x1C400] =	vst v63  }
0x93: {  	s2 =	sadd.s32 @p1 $0xA0, s2;
	s6 =	simm.s32 @p1 $0x100;
	s0 =	simm.s32 @!p1 $0x5  }
0x94: {  	[tilespmem:s6], [sflag:$0x2] =	stream.linear.gather @p1 [hbm4b:s2+s5], $0x100, $0x38;
	[tilespmem:$0x1C400] =	vst v63  }
0x95: {  	p0 =	sne.s32 s31, $0xA00;
	_ =	swait.ge @!p1 [sflag:s0], $0x3E80  }
0x96: {  	s2 =	simm.s32 @!p1 $0x400;
	s5 =	simm.s32 @!p1 $0x7D;
	[sflag:s0] =	ssyncset.done @!p1 $0x0  }
0x97: {  	s6 =	simm.s32 @!p1 $0x280;
	[sflag:s0] =	ssyncadd.s32 @!p1 $0xFFFFC180;
	s0 =	simm.s32 @!p1 $0x7  }
0x98: {  	[spmem:s3] =	stream.indirect.scatter.add.f32 @!p1 [tilespmem:s2], [sflag:$0x7], $0x80, s6, s5, $0xb8;
	[tilespmem:$0x1C400] =	vst v63  }
.Ltmp0:
0x99: {  	_ =	swait.ge @!p1 [sflag:s0], $0x3E80;
	(pc) =	sbr.rel @p0 .LBB2_2-.Ltmp0, $4  }
0x9a: {  	[sflag:s0] =	ssyncset.done @!p1 $0x0  }
0x9b: {  	[sflag:s0] =	ssyncadd.s32 @!p1 $0xFFFFC180  }
0x9c: {  	_ =	swait.ge [sflag:s25], $0x3E80  }
0x9d: {  	p1 =	seq.s32 s30, $0x0;
	[sflag:s25] =	ssyncset.done $0x0;
	s2 =	rddreg [dreg:$0x7]  }
0x9e: {  	s0 =	simm.s32 @!p1 $0x8;
	[sflag:s25] =	ssyncadd.s32 $0xFFFFC180  }
0x9f: {  	[spmem:s3] =	stream.indirect.scatter.add.f32 [tilespmem:s19], [sflag:$0x8], $0x80, s2, s15, $0xb8;
	[tilespmem:$0x1C400] =	vst v63  }
0xa0: {  	_ =	swait.ge @!p1 [sflag:s0], $0x3E80  }
0xa1: {  	[sflag:s0] =	ssyncset.done @!p1 $0x0  }
0xa2: {  	[sflag:s0] =	ssyncadd.s32 @!p1 $0xFFFFC180  }
0xa3: {  	_ =	swait.ge [sflag:s18], $0x100  }
0xa4: {  	[sflag:s18] =	ssyncset.done $0x0  }
0xa5: {  	s5 =	sadd.s32 s30, s11;
	[sflag:s18] =	ssyncadd.s32 $0xFFFFFF00  }
0xa6: {  	[tilespmem:s19], [sflag:$0x6] =	stream.indirect.gather [hbm4b:s1+s15], $0x80, s17, s15, $0xb8;
	[tilespmem:$0x1C400] =	vst v63  }
0xa7: {  	s0 =	sadd.s32 $0x40, s5  }
0xa8: {  	[tilespmem:s20], [sflag:$0x3] =	stream.linear.gather [hbm4b:s0+s4], $0x100, $0x38;
	[tilespmem:$0x1C400] =	vst v63  }
0xa9: {  	_ =	swait.ge [sflag:s21], $0x3E80  }
0xaa: {  	[sflag:s21] =	ssyncset.done $0x0  }
0xab: {  	s6 =	rddreg [dreg:$0x5];
	[sflag:s21] =	ssyncadd.s32 $0xFFFFC180  }
0xac: {  	[spmem:s3] =	stream.indirect.scatter.add.f32 [tilespmem:s16], [sflag:$0x7], $0x80, s6, s15, $0xb8;
	[tilespmem:$0x1C400] =	vst v63  }
0xad: {  	_ =	swait.ge [sflag:s22], $0x3E80  }
0xae: {  	[sflag:s22] =	ssyncset.done $0x0  }
0xaf: {  	[sflag:s22] =	ssyncadd.s32 $0xFFFFC180  }
0xb0: {  	_ =	swait.ge [sflag:s23], $0x100  }
0xb1: {  	[sflag:s23] =	ssyncset.done $0x0  }
0xb2: {  	s8 =	rddreg [dreg:$0x4];
	[sflag:s23] =	ssyncadd.s32 $0xFFFFFF00  }
0xb3: {  	[tilespmem:s16], [sflag:$0x5] =	stream.indirect.gather [hbm4b:s1+s15], $0x80, s20, s15, $0xb8;
	[tilespmem:$0x1C400] =	vst v63  }
0xb4: {  	s0 =	sadd.s32 s30, s8  }
0xb5: {  	[tilespmem:s24], [sflag:$0x4] =	stream.linear.gather [hbm4b:s0+s4], $0x100, $0x38;
	[tilespmem:$0x1C400] =	vst v63  }
0xb6: {  	_ =	swait.ge [sflag:s25], $0x3E80  }
0xb7: {  	[sflag:s25] =	ssyncset.done $0x0  }
0xb8: {  	s9 =	rddreg [dreg:$0x6];
	[sflag:s25] =	ssyncadd.s32 $0xFFFFC180  }
0xb9: {  	[spmem:s3] =	stream.indirect.scatter.add.f32 [tilespmem:s19], [sflag:$0x8], $0x80, s9, s15, $0xb8;
	[tilespmem:$0x1C400] =	vst v63  }
0xba: {  	_ =	swait.ge [sflag:s26], $0x3E80  }
0xbb: {  	[sflag:s26] =	ssyncset.done $0x0  }
0xbc: {  	[sflag:s26] =	ssyncadd.s32 $0xFFFFC180  }
0xbd: {  	_ =	swait.ge [sflag:s28], $0x100  }
0xbe: {  	p0 =	sne.s32 s30, $0x980;
	[sflag:s28] =	ssyncset.done $0x0  }
0xbf: {  	s0 =	sadd.s32 @p0 s30, s11;
	[sflag:s28] =	ssyncadd.s32 $0xFFFFFF00  }
0xc0: {  	[tilespmem:s19], [sflag:$0x6] =	stream.indirect.gather [hbm4b:s1+s15], $0x80, s24, s15, $0xb8;
	[tilespmem:$0x1C400] =	vst v63  }
0xc1: {  	s2 =	simm.s32 @p0 $0x0;
	s6 =	simm.s32 @p0 $0x5;
	s5 =	sadd.s32 @p0 $0x80, s0  }
0xc2: {  	[tilespmem:s2], [sflag:$0x1] =	stream.linear.gather @p0 [hbm4b:s5+s2], $0x100, $0x38;
	[tilespmem:$0x1C400] =	vst v63  }
0xc3: {  	_ =	swait.ge @p0 [sflag:s6], $0x3E80  }
0xc4: {  	s8 =	simm.s32 @p0 $0x7D;
	[sflag:s6] =	ssyncset.done @p0 $0x0  }
0xc5: {  	s5 =	simm.s32 @p0 $0x400;
	[sflag:s6] =	ssyncadd.s32 @p0 $0xFFFFC180;
	s6 =	simm.s32 @p0 $0x280  }
0xc6: {  	[spmem:s3] =	stream.indirect.scatter.add.f32 @p0 [tilespmem:s5], [sflag:$0x7], $0x80, s6, s8, $0xb8;
	[tilespmem:$0x1C400] =	vst v63  }
0xc7: {  	s6 =	simm.s32 @p0 $0x7  }
0xc8: {  	_ =	swait.ge @p0 [sflag:s6], $0x3E80  }
0xc9: {  	[sflag:s6] =	ssyncset.done @p0 $0x0  }
0xca: {  	[sflag:s6] =	ssyncadd.s32 @p0 $0xFFFFC180;
	s6 =	simm.s32 @p0 $0x1  }
0xcb: {  	_ =	swait.ge @p0 [sflag:s6], $0x100  }
0xcc: {  	[sflag:s6] =	ssyncset.done @p0 $0x0  }
0xcd: {  	[sflag:s6] =	ssyncadd.s32 @p0 $0xFFFFFF00  }
0xce: {  	[tilespmem:s5], [sflag:$0x5] =	stream.indirect.gather @p0 [hbm4b:s1+s8], $0x80, s2, s8, $0xb8;
	[tilespmem:$0x1C400] =	vst v63  }
0xcf: {  	s0 =	sadd.s32 @p0 $0xA0, s0;
	s5 =	simm.s32 @p0 $0x100  }
0xd0: {  	[tilespmem:s5], [sflag:$0x2] =	stream.linear.gather @p0 [hbm4b:s0+s2], $0x100, $0x38;
	[tilespmem:$0x1C400] =	vst v63  }
0xd1: {  	s0 =	simm.s32 @!p0 $0x5  }
0xd2: {  	_ =	swait.ge @!p0 [sflag:s0], $0x3E80  }
0xd3: {  	s2 =	simm.s32 @!p0 $0x400;
	[sflag:s0] =	ssyncset.done @!p0 $0x0  }
0xd4: {  	s5 =	simm.s32 @!p0 $0x7D;
	[sflag:s0] =	ssyncadd.s32 @!p0 $0xFFFFC180;
	s0 =	simm.s32 @!p0 $0x280  }
0xd5: {  	[spmem:s3] =	stream.indirect.scatter.add.f32 @!p0 [tilespmem:s2], [sflag:$0x7], $0x80, s0, s5, $0xb8;
	[tilespmem:$0x1C400] =	vst v63  }
0xd6: {  	s0 =	simm.s32 @!p0 $0x7  }
0xd7: {  	_ =	swait.ge @!p0 [sflag:s0], $0x3E80  }
0xd8: {  	[sflag:s0] =	ssyncset.done @!p0 $0x0  }
0xd9: {  	[sflag:s0] =	ssyncadd.s32 @!p0 $0xFFFFC180  }
0xda: {  	_ =	swait.ge [sflag:s25], $0x3E80  }
0xdb: {  	[sflag:s25] =	ssyncset.done $0x0  }
0xdc: {  	s30 =	rddreg [dreg:$0x7];
	[sflag:s25] =	ssyncadd.s32 $0xFFFFC180  }
0xdd: {  	[spmem:s3] =	stream.indirect.scatter.add.f32 [tilespmem:s19], [sflag:$0x8], $0x80, s30, s15, $0xb8;
	[tilespmem:$0x1C400] =	vst v63  }
0xde: {  	_ =	swait.ge [sflag:s26], $0x3E80  }
0xdf: {  	[sflag:s26] =	ssyncset.done $0x0  }
0xe0: {  	s29 =	sadd.s32 $0x1, s29;
	[sflag:s26] =	ssyncadd.s32 $0xFFFFC180  }
0xe1: {  	p0 =	sne.s32 s29, s10;
	[bflag:$0x0] =	sbarrier.arrive $0xFFFF  }
.Ltmp1:
0xe2: {  	s31 =	rddreg [dreg:$0xb];
	(pc) =	sbr.rel @p0 .LBB2_1-.Ltmp1, $4  }
0xe3: {  	[hbm:s31], [sflag:s7] =	dma.local [spmem:s12], $0x2800  }
0xe4: {  	_ =	swait.ge [sflag:s13], $0x2800  }
0xe5: {  	[sflag:s13] =	ssyncset.done $0x0  }
0xe6: {  	[sflag:s13] =	ssyncadd.s32 $0xFFFFD800  }
0xe7: {  	_ =	sfence.sel $0x180000  }
0xe8: {  	[bflag:$0x0] =	sbarrier.arrive $0xFFFF  }
0xe9: {  	_ =	strace $0x9000004A  }
0xea: {  	s0 =	stileid.u32;
	[bflag:$0x2] =	sbarrier.arrive $0xFFFF  }
0xeb: {  	p0 =	sne.s32 s0, $0x0;
	s0 =	rddreg [dreg:$0x3]  }
0xec: {  	s0 =	sadd.s32 @!p0 $0x100000, s0  }
0xed: {  	[sflag:s0] =	ssyncadd.tile.s32 @!p0 $0x1;
	_ =	shalt  }
.Lfunc_end2:
_tile_overlayer_lowered:
.L_overlay_start_2:
0xee: {  	(tag) =	ssettag $0x2  }
0xef: {  	s0 =	rddreg [dreg:$0x0];
	s2 =	stileid.u32  }
0xf0: {  	s1 =	rddreg [dreg:$0x1];
	p0 =	sne.s32 s2, $0x0  }
0xf1: {  	s3 =	rddreg [dreg:$0x2];
	[bflag:$0x3] =	sbarrier.arrive $0xFFFF;
	s2 =	simm.s32 @!p0 $0x1C09  }
0xf2: {  	[timem:s3], [sflag:s2] =	dma.local @!p0 [hbm:s0], s1  }
0xf3: {  	s0 =	simm.s32 @!p0 $0x9  }
0xf4: {  	_ =	swait.ge @!p0 [sflag:s0], s1  }
0xf5: {  	s1 =	ssub.s32 @!p0 $0x0, s1;
	[sflag:s0] =	ssyncset.done @!p0 $0x0  }
0xf6: {  	[sflag:s0] =	ssyncadd.s32 @!p0 s1  }
0xf7: {  	[bflag:$0x3] =	sbarrier.arrive $0xFFFF  }
0xf8: {  	_ =	shalt  }

// kernel: kernel.14.cloned.1.call-start
scs
__scs_entry_jumppad:
0x0: {  	(pc) =	sbr.rel $0x88, $3  }
0x1: {  	(tag) =	ssettag $0x0;
	lr =	simm.s32 $0x1  }
0x2: {  	[smem:$0x3F9B] =	sst lr;
	_ =	strace $0xD0000000  }
0x3: {  	_ = 	snop  }
0x4: {  	_ = 	snop  }
0x5: {  	_ = 	snop  }
0x6: {  	_ = 	snop  }
0x7: {  	_ = 	snop  }
__scs_overlays_trampoline_lowered:
0x8: {  	[smem:$0x3FAA] =	sst s0  }
0x9: {  	[smem:$0x3FAB] =	sst s1  }
0xa: {  	[smem:$0x3FAC] =	sst s2  }
0xb: {  	[smem:$0x3FAD] =	sst s3  }
0xc: {  	[smem:$0x3FAE] =	sst s4  }
0xd: {  	[smem:$0x3FAF] =	sst s5  }
0xe: {  	[smem:$0x3FB0] =	sst s6  }
0xf: {  	[smem:$0x3FB1] =	sst s7  }
0x10: {  	[smem:$0x3FB2] =	sst s8  }
0x11: {  	[smem:$0x3FB3] =	sst s9;
	s0 =	simm.s32 @!p0 $0x0  }
0x12: {  	s1 =	sld [smem:$0x3F99];
	s0 =	simm.s32 @p0 $0x1  }
0x13: {  	[smem:$0x3FB4] =	sst s0;
	s0 =	simm.s32 @!p1 $0x0  }
0x14: {  	s2 =	sld [smem:$0x3F98];
	s0 =	simm.s32 @p1 $0x1  }
0x15: {  	[smem:$0x3FB5] =	sst s0;
	s0 =	simm.s32 @!p2 $0x0  }
0x16: {  	s3 =	sld [smem:$0x3FDB];
	s0 =	simm.s32 @p2 $0x1  }
0x17: {  	s4 =	simm.s32 $0x1BF5;
	[smem:$0x3FB7] =	sst s0  }
0x18: {  	s0 =	sld [smem:$0x3F9A];
	_ =	swait.ge [sflag:s4], $0x0  }
0x19: {  	s7 =	sld [smem:$0x3F9B]  }
0x1a: {  	s8 =	sadd.s32 $0xFFFFE003, lr  }
0x1b: {  	s9 =	sadd.s32 $0xFFFFFEF7, lr;
	s5 =	simm.s32 $0xFFFFFFFF;
	p2 =	slt.u32 s8, $0xFFFFF086  }
0x1c: {  	p1 =	slt.u32 s9, $0xF7A;
	s5 =	simm.s32 @!p2 $0x0  }
0x1d: {  	s5 =	simm.s32 @p1 $0x1;
	p0 =	seq.s32 s7, s2  }
0x1e: {  	s7 =	smul.u32 @!p0 $0xF7A, s2;
	p2 =	seq.s32 @!p0 s5, $0x0  }
0x1f: {  	s9 =	smul.u32 $0xF7A, s1;
	s8 =	simm.s32 @!p0 $0x1BF5;
	p2 =	por !p2, p0  }
0x20: {  	[sflag:s8] =	ssyncset.s32 @!p0 $0xFFFFF086;
	s6 =	sadd.s32 @!p0 s3, s7;
	s7 =	simm.s32 @!p0 $0x108  }
0x21: {  	s3 =	sadd.s32 s3, s9;
	s6 =	sadd.s32 @!p0 $0x88, s6;
	s7 =	simm.s32 @p2 $0x1082  }
0x22: {  	[simem:s7], [sflag:s8] =	dma.local @!p0 [hbm:s6], $0xF7A  }
0x23: {  	s9 =	sor.u32 $0xD0000000, s2;
	s6 =	simm.s32 $0x108;
	_ =	swait.ge @!p0 [sflag:s8], $0x0  }
0x24: {  	s3 =	sadd.s32 $0x88, s3;
	s6 =	simm.s32 @!p1 $0x1082;
	[sflag:s4] =	ssyncset.s32 $0xFFFFF086  }
0x25: {  	[simem:s6], [sflag:s4] =	dma.local [hbm:s3], $0xF7A  }
0x26: {  	[smem:$0x3F9B] =	sst s1;
	(tag) =	ssettag s2;
	_ =	strace s9  }
0x27: {  	s1 =	sld [smem:$0x3FAB]  }
0x28: {  	s2 =	sld [smem:$0x3FAC]  }
0x29: {  	s4 =	sld [smem:$0x3FAE]  }
0x2a: {  	p0 =	seq.s32 s5, $0x0;
	s5 =	sld [smem:$0x3FAF]  }
0x2b: {  	s6 =	sld [smem:$0x3FB0]  }
0x2c: {  	s7 =	sld [smem:$0x3FB1]  }
0x2d: {  	s3 =	simm.s32 $0x108;
	s8 =	sld [smem:$0x3FB2]  }
0x2e: {  	s3 =	simm.s32 @!p0 $0x1082;
	s9 =	sld [smem:$0x3FB3]  }
0x2f: {  	lr =	sadd.s32 s0, s3;
	s0 =	sld [smem:$0x3FAA]  }
0x30: {  	s3 =	sld [smem:$0x3FAD]  }
0x31: {  	[smem:$0x3FB6] =	sst s10  }
0x32: {  	s10 =	sld [smem:$0x3FB4];
	_ =	sdelay $0x3  }
0x33: {  	p0 =	seq.s32 s10, $0x1;
	s10 =	sld [smem:$0x3FB6];
	_ =	sdelay $0x3  }
0x34: {  	[smem:$0x3FB6] =	sst s10  }
0x35: {  	s10 =	sld [smem:$0x3FB5];
	_ =	sdelay $0x3  }
0x36: {  	p1 =	seq.s32 s10, $0x1;
	s10 =	sld [smem:$0x3FB6];
	_ =	sdelay $0x3  }
0x37: {  	[smem:$0x3FB6] =	sst s10  }
0x38: {  	s10 =	sld [smem:$0x3FB7]  }
0x39: {  	_ = 	snop;
	(pc) =	sbr.ind lr, $3  }
0x3a: {  	_ = 	snop  }
0x3b: {  	_ = 	snop  }
0x3c: {  	p2 =	seq.s32 s10, $0x1;
	s10 =	sld [smem:$0x3FB6]  }
0x3d: {  	_ =	shalt  }
0x3e: {  	_ =	shalt  }
0x3f: {  	_ =	shalt  }
0x40: {  	_ =	shalt  }
0x41: {  	_ =	shalt  }
0x42: {  	_ =	shalt  }
0x43: {  	_ =	shalt  }
0x44: {  	_ =	shalt  }
0x45: {  	_ =	shalt  }
0x46: {  	_ =	shalt  }
0x47: {  	_ =	shalt  }
0x48: {  	_ =	shalt  }
0x49: {  	_ =	shalt  }
0x4a: {  	_ =	shalt  }
0x4b: {  	_ =	shalt  }
0x4c: {  	_ =	shalt  }
0x4d: {  	_ =	shalt  }
0x4e: {  	_ =	shalt  }
0x4f: {  	_ =	shalt  }
0x50: {  	_ =	shalt  }
0x51: {  	_ =	shalt  }
0x52: {  	_ =	shalt  }
0x53: {  	_ =	shalt  }
0x54: {  	_ =	shalt  }
0x55: {  	_ =	shalt  }
0x56: {  	_ =	shalt  }
0x57: {  	_ =	shalt  }
0x58: {  	_ =	shalt  }
0x59: {  	_ =	shalt  }
0x5a: {  	_ =	shalt  }
0x5b: {  	_ =	shalt  }
0x5c: {  	_ =	shalt  }
0x5d: {  	_ =	shalt  }
0x5e: {  	_ =	shalt  }
0x5f: {  	_ =	shalt  }
0x60: {  	_ =	shalt  }
0x61: {  	_ =	shalt  }
0x62: {  	_ =	shalt  }
0x63: {  	_ =	shalt  }
0x64: {  	_ =	shalt  }
0x65: {  	_ =	shalt  }
0x66: {  	_ =	shalt  }
0x67: {  	_ =	shalt  }
0x68: {  	_ =	shalt  }
0x69: {  	_ =	shalt  }
0x6a: {  	_ =	shalt  }
0x6b: {  	_ =	shalt  }
0x6c: {  	_ =	shalt  }
0x6d: {  	_ =	shalt  }
0x6e: {  	_ =	shalt  }
0x6f: {  	_ =	shalt  }
0x70: {  	_ =	shalt  }
0x71: {  	_ =	shalt  }
0x72: {  	_ =	shalt  }
0x73: {  	_ =	shalt  }
0x74: {  	_ =	shalt  }
0x75: {  	_ =	shalt  }
0x76: {  	_ =	shalt  }
0x77: {  	_ =	shalt  }
0x78: {  	_ =	shalt  }
0x79: {  	_ =	shalt  }
0x7a: {  	_ =	shalt  }
0x7b: {  	_ =	shalt  }
0x7c: {  	_ =	shalt  }
0x7d: {  	_ =	shalt  }
0x7e: {  	_ =	shalt  }
0x7f: {  	_ =	shalt  }
0x80: {  	_ =	shalt  }
0x81: {  	_ =	shalt  }
0x82: {  	_ =	shalt  }
0x83: {  	_ =	shalt  }
0x84: {  	_ =	shalt  }
0x85: {  	_ =	shalt  }
0x86: {  	_ =	shalt  }
0x87: {  	_ =	shalt  }
.Lfunc_end0:
.L_simem_size_0:
called_computation.2_lowered:
.L_overlay_start_0:
0x88: {  	s2 =	sld [smem:$0x3FD9]  }
0x89: {  	s3 =	sld [smem:$0x3FFE];
	_ =	sdelay $0x1  }
0x8a: {  	s1 =	srdreg.scid  }
0x8b: {  	s0 =	sand.u32 $0x1, s1  }
0x8c: {  	s17 =	sshll.u32 s0, $0xA;
	s2 =	sadd.s32 s3, s2  }
0x8d: {  	s2 =	sadd.s32 s2, s17  }
0x8e: {  	[smem:$0x3FC2] =	sst s2  }
0x8f: {  	_ = 	snop  }
0x90: {  	s2 =	sld [smem:$0x3FD0];
	(tm) =	ssettm $0x1  }
0x91: {  	s18 =	sld [smem:$0x3FFB];
	_ =	sdelay $0x3  }
0x92: {  	_ =	strace s18  }
0x93: {  	s3 =	sld [smem:$0x3FFC];
	_ =	sdelay $0x3  }
0x94: {  	_ =	strace s3  }
0x95: {  	s3 =	sld [smem:$0x3FFD];
	_ =	sdelay $0x3  }
0x96: {  	_ =	strace s3  }
0x97: {  	_ =	strace $0x8FFFFFFF  }
0x98: {  	s19 =	sld [smem:$0x3FDB];
	_ =	sdelay $0x1  }
0x99: {  	s4 =	simm.s32 $_scs_section_size  }
0x9a: {  	s5 =	simm.s32 $_size__tile_overlayer_lowered;
	s6 =	simm.s32 $_tile_overlayer_lowered  }
0x9b: {  	s22 =	simm.s32 $0x1BFF;
	s21 =	sshll.u32 s6, $0x1;
	s3 =	sadd.s32 s4, s19  }
0x9c: {  	s7 =	simm.s32 $0x0;
	s20 =	sshll.u32 s5, $0x1;
	s5 =	sadd.s32 s21, s3  }
0x9d: {  	[timem:s7], [sflag:s22] =	dma.local [hbm:s5], s20  }
0x9e: {  	_ =	swait.ge [sflag:s22], s20  }
0x9f: {  	s4 =	ssub.s32 $0x0, s20;
	[sflag:s22] =	ssyncset.done $0x0  }
0xa0: {  	[sflag:s22] =	ssyncadd.s32 s4;
	_ =	sdelay $0x1  }
0xa1: {  	s23 =	simm.s32 $0x1B8B  }
0xa2: {  	_ =	swait.ge [sflag:s23], $0x1  }
0xa3: {  	[sflag:s23] =	ssyncset.done $0x0  }
0xa4: {  	s25 =	simm.s32 $0x1B8E;
	s24 =	sld [smem:$0x3FFE];
	[sflag:s23] =	ssyncadd.s32 $0xFFFFFFFF  }
0xa5: {  	s26 =	simm.s32 $execute0_lowered;
	[smem:$0x3FD2] =	sst s25  }
0xa6: {  	s5 =	sshll.u32 s26, $0x1;
	_ =	strace $0x8000004C;
	[dreg:$0x1] =	wrdreg $0xFFFFFFFF  }
0xa7: {  	s28 =	simm.s32 $_size_execute0_lowered;
	s3 =	sadd.s32 s3, s5;
	[dreg:$0x0] =	wrdreg $0x0  }
0xa8: {  	s5 =	sshll.u32 s28, $0x1;
	[dreg:$0x2] =	wrdreg s3  }
0xa9: {  	[dreg:$0x3] =	wrdreg s5  }
0xaa: {  	[dreg:$0x4] =	wrdreg $0xC0  }
0xab: {  	_ =	task [dreg:s7], $0x5FFFF  }
0xac: {  	[dreg:$0x1] =	wrdreg $0xFFFFFFFF  }
0xad: {  	[dreg:$0x0] =	wrdreg $0x60  }
0xae: {  	[dreg:$0x2] =	wrdreg s2  }
0xaf: {  	[dreg:$0x3] =	wrdreg s24  }
0xb0: {  	[dreg:$0x4] =	wrdreg $0x84000  }
0xb1: {  	[dreg:$0x5] =	wrdreg $0x9  }
0xb2: {  	_ =	task.clear_ibuf [dreg:s7], $0x6FFFF;
	_ =	strace $0x9000004C  }
0xb3: {  	s29 =	simm.s32 $0x9;
	_ =	strace $0x8000004E  }
0xb4: {  	_ =	swait.ge [sflag:s29], $0x1  }
0xb5: {  	[sflag:s29] =	ssyncadd.s32 $0xFFFFFFFF  }
0xb6: {  	_ =	strace $0x9000004E  }
0xb7: {  	_ =	sfence  }
0xb8: {  	s30 =	sld [smem:$0x0];
	_ =	sdelay $0x2  }
0xb9: {  	s31 =	sshll.u32 s1, $0xD;
	s1 =	sshrl.u32 s1, $0x2  }
0xba: {  	s3 =	sand.u32 $0x4000, s31;
	s1 =	sadd.s32 s1, s30  }
0xbb: {  	s0 =	sor.u32 s3, s0;
	s1 =	sshll.u32 s1, $0x11  }
0xbc: {  	s0 =	sor.u32 s1, s0  }
0xbd: {  	s0 =	sadd.s32 $0x8F2B, s0  }
0xbe: {  	[sflag:s0] =	ssyncadd.remote.s32 $0x1  }
0xbf: {  	_ =	sfence.sel $0xFFFF  }
0xc0: {  	[dreg:$0x0] =	wrdreg $0xFFFFFFFF;
	(pc) =	sbr.abs _section_cstart, $3  }
0xc1: {  	[dreg:$0x1] =	wrdreg $0xFFFFFFFF  }
0xc2: {  	_ =	task.clear_ibuf [dreg:s7], $0x2FFFF;
	_ =	strace $0x9FFFFFFF  }
0xc3: {  	(tm) =	ssettm $0x7FFFFFFF  }
tec
execute0_lowered:
.L_overlay_start_1:
0x0: {  	(tag) =	ssettag $0x1  }
0x1: {  	s1 =	rddreg [dreg:$0x0]  }
0x2: {  	s0 =	rddreg [dreg:$0x1]  }
0x3: {  	s3 =	rddreg [dreg:$0x2];
	s2 =	srdreg.scid;
	s4 =	simm.s32 $0x0  }
0x4: {  	s14 =	stileid.u32;
	s26 =	simm.s32 $0x80;
	s30 =	simm.s32 $0x180  }
0x5: {  	s31 =	simm.s32 $0x380;
	s28 =	simm.s32 $0x4;
	s6 =	smul.u32 $0x2800, s14  }
0x6: {  	s29 =	simm.s32 $0x0;
	s2 =	sand.u32 $0x1, s2;
	s9 =	smul.u32 $0x50000, s14  }
0x7: {  	[smem:$0x7FF] =	sst s4;
	s10 =	sadd.s32 $0x3800, s0;
	s18 =	smul.u32 $0x50, s14  }
0x8: {  	s13 =	sadd.s32 $0x67800, s0;
	s20 =	sshll.u32 s14, $0x6;
	s21 =	smul.u32 $0xA00, s14  }
0x9: {  	_ =	strace $0x8000004D;
	s7 =	smul.u32 $0x28000, s2;
	[dreg:$0x8] =	wrdreg s13  }
0xa: {  	s5 =	sshll.u32 s2, $0x4;
	s11 =	smul.u32 $0x500, s2;
	[dreg:$0x5] =	wrdreg s26  }
0xb: {  	s15 =	ssub.s32 $0x2, s2;
	s2 =	smul.u32 $0xA000, s2;
	[dreg:$0x6] =	wrdreg s30  }
0xc: {  	[dreg:$0x7] =	wrdreg s31;
	s26 =	simm.s32 $0x8;
	s8 =	sor.u32 s14, s5  }
0xd: {  	s16 =	sshrl.u32 s15, $0x1;
	s17 =	sshrl.u32 s9, $0x2;
	s14 =	simm.s32 $0x1  }
0xe: {  	s8 =	smul.u32 $0xA00, s8;
	s6 =	sadd.s32 s6, s7;
	s12 =	ssub.s32 s15, s16  }
0xf: {  	s13 =	sadd.s32 s17, s3;
	s7 =	sor.u32 $0x1C09, s20;
	s9 =	sadd.s32 s18, s11  }
0x10: {  	s23 =	sadd.s32 s2, s10;
	s15 =	simm.s32 $0x7D;
	s16 =	simm.s32 $0x400  }
0x11: {  	s17 =	simm.s32 $0x100;
	s18 =	simm.s32 $0x2;
	s20 =	simm.s32 $0x200  }
0x12: {  	s0 =	sadd.s32 s6, s0;
	s22 =	sshll.u32 s9, $0x5;
	s11 =	sadd.s32 s21, s23  }
0x13: {  	s21 =	simm.s32 $0x5;
	s23 =	simm.s32 $0x3;
	s19 =	sadd.s32 s10, s8  }
0x14: {  	s0 =	sadd.s32 $0x6A000, s0;
	s24 =	sadd.s32 s22, s10;
	s10 =	smax.u32 s12, $0x1  }
0x15: {  	s12 =	sshrl.u32 s13, $0x3;
	s13 =	simm.s32 $0x9;
	[dreg:$0x9] =	wrdreg s19  }
0x16: {  	s22 =	simm.s32 $0x7;
	s5 =	sadd.s32 $0x20, s19;
	[dreg:$0xb] =	wrdreg s0  }
0x17: {  	s25 =	sadd.s32 $0x60, s24;
	s19 =	simm.s32 $0x4400;
	[dreg:$0xa] =	wrdreg s5  }
0x18: {  	s24 =	simm.s32 $0x300;
	[dreg:$0x4] =	wrdreg s25;
	s25 =	simm.s32 $0x6  }
.LBB2_1:
0x19: {  	s0 =	rddreg [dreg:$0x9]  }
0x1a: {  	s9 =	rddreg [dreg:$0x8]  }
0x1b: {  	[tilespmem:s4], [sflag:$0x1] =	stream.linear.gather [hbm4b:s0+s4], $0x100, $0x38;
	[tilespmem:$0x1C400] =	vst v63  }
0x1c: {  	[spmem:s12], [sflag:s7] =	dma.local [hbm:s9], $0x2800  }
0x1d: {  	_ =	swait.ge [sflag:s13], $0x2800  }
0x1e: {  	[sflag:s13] =	ssyncset.done $0x0  }
0x1f: {  	[sflag:s13] =	ssyncadd.s32 $0xFFFFD800  }
0x20: {  	_ =	swait.ge [sflag:s14], $0x100  }
0x21: {  	[sflag:s14] =	ssyncset.done $0x0  }
0x22: {  	[sflag:s14] =	ssyncadd.s32 $0xFFFFFF00  }
0x23: {  	[tilespmem:s16], [sflag:$0x5] =	stream.indirect.gather [hbm4b:s1+s15], $0x80, s4, s15, $0xb8;
	[tilespmem:$0x1C400] =	vst v63  }
0x24: {  	p0 =	por $0x1, $0x1;
	s2 =	rddreg [dreg:$0xa]  }
0x25: {  	[tilespmem:s17], [sflag:$0x2] =	stream.linear.gather [hbm4b:s2+s4], $0x100, $0x38;
	[tilespmem:$0x1C400] =	vst v63  }
0x26: {  	s0 =	simm.s32 @!p0 $0x8;
	[bflag:$0x0] =	sbarrier.arrive $0xFFFF  }
0x27: {  	_ =	swait.ge @!p0 [sflag:s0], $0x3E80  }
0x28: {  	[sflag:s0] =	ssyncset.done @!p0 $0x0  }
0x29: {  	[sflag:s0] =	ssyncadd.s32 @!p0 $0xFFFFC180  }
0x2a: {  	_ =	swait.ge [sflag:s18], $0x100  }
0x2b: {  	[sflag:s18] =	ssyncset.done $0x0  }
0x2c: {  	s5 =	sadd.s32 $0x0, s11;
	[sflag:s18] =	ssyncadd.s32 $0xFFFFFF00  }
0x2d: {  	[tilespmem:s19], [sflag:$0x6] =	stream.indirect.gather [hbm4b:s1+s15], $0x80, s17, s15, $0xb8;
	[tilespmem:$0x1C400] =	vst v63  }
0x2e: {  	s0 =	sadd.s32 $0x40, s5  }
0x2f: {  	[tilespmem:s20], [sflag:$0x3] =	stream.linear.gather [hbm4b:s0+s4], $0x100, $0x38;
	[tilespmem:$0x1C400] =	vst v63  }
0x30: {  	_ =	swait.ge [sflag:s21], $0x3E80  }
0x31: {  	[sflag:s21] =	ssyncset.done $0x0  }
0x32: {  	s6 =	rddreg [dreg:$0x5];
	[sflag:s21] =	ssyncadd.s32 $0xFFFFC180  }
0x33: {  	[spmem:s3] =	stream.indirect.scatter.add.f32 [tilespmem:s16], [sflag:$0x7], $0x80, s6, s15, $0xb8;
	[tilespmem:$0x1C400] =	vst v63  }
0x34: {  	_ =	swait.ge [sflag:s22], $0x3E80  }
0x35: {  	[sflag:s22] =	ssyncset.done $0x0  }
0x36: {  	[sflag:s22] =	ssyncadd.s32 $0xFFFFC180  }
0x37: {  	_ =	swait.ge [sflag:s23], $0x100  }
0x38: {  	[sflag:s23] =	ssyncset.done $0x0  }
0x39: {  	s8 =	rddreg [dreg:$0x4];
	[sflag:s23] =	ssyncadd.s32 $0xFFFFFF00  }
0x3a: {  	[tilespmem:s16], [sflag:$0x5] =	stream.indirect.gather [hbm4b:s1+s15], $0x80, s20, s15, $0xb8;
	[tilespmem:$0x1C400] =	vst v63  }
0x3b: {  	s0 =	sadd.s32 $0x0, s8  }
0x3c: {  	[tilespmem:s24], [sflag:$0x4] =	stream.linear.gather [hbm4b:s0+s4], $0x100, $0x38;
	[tilespmem:$0x1C400] =	vst v63  }
0x3d: {  	_ =	swait.ge [sflag:s25], $0x3E80  }
0x3e: {  	[sflag:s25] =	ssyncset.done $0x0  }
0x3f: {  	s9 =	rddreg [dreg:$0x6];
	[sflag:s25] =	ssyncadd.s32 $0xFFFFC180  }
0x40: {  	[spmem:s3] =	stream.indirect.scatter.add.f32 [tilespmem:s19], [sflag:$0x8], $0x80, s9, s15, $0xb8;
	[tilespmem:$0x1C400] =	vst v63  }
0x41: {  	_ =	swait.ge [sflag:s26], $0x3E80  }
0x42: {  	[sflag:s26] =	ssyncset.done $0x0  }
0x43: {  	[sflag:s26] =	ssyncadd.s32 $0xFFFFC180  }
0x44: {  	_ =	swait.ge [sflag:s28], $0x100  }
0x45: {  	p0 =	por $0x1, $0x1;
	[sflag:s28] =	ssyncset.done $0x0  }
0x46: {  	s0 =	sadd.s32 @p0 $0x0, s11;
	[sflag:s28] =	ssyncadd.s32 $0xFFFFFF00  }
0x47: {  	[tilespmem:s19], [sflag:$0x6] =	stream.indirect.gather [hbm4b:s1+s15], $0x80, s24, s15, $0xb8;
	[tilespmem:$0x1C400] =	vst v63  }
0x48: {  	s2 =	simm.s32 @p0 $0x0;
	s31 =	simm.s32 @p0 $0x5;
	s30 =	sadd.s32 @p0 $0x80, s0  }
0x49: {  	[tilespmem:s2], [sflag:$0x1] =	stream.linear.gather @p0 [hbm4b:s30+s2], $0x100, $0x38;
	[tilespmem:$0x1C400] =	vst v63  }
0x4a: {  	_ =	swait.ge @p0 [sflag:s31], $0x3E80  }
0x4b: {  	s5 =	simm.s32 @p0 $0x7D;
	[sflag:s31] =	ssyncset.done @p0 $0x0  }
0x4c: {  	s30 =	simm.s32 @p0 $0x400;
	[sflag:s31] =	ssyncadd.s32 @p0 $0xFFFFC180;
	s31 =	simm.s32 @p0 $0x280  }
0x4d: {  	[spmem:s3] =	stream.indirect.scatter.add.f32 @p0 [tilespmem:s30], [sflag:$0x7], $0x80, s31, s5, $0xb8;
	[tilespmem:$0x1C400] =	vst v63  }
0x4e: {  	s31 =	simm.s32 @p0 $0x7  }
0x4f: {  	_ =	swait.ge @p0 [sflag:s31], $0x3E80  }
0x50: {  	[sflag:s31] =	ssyncset.done @p0 $0x0  }
0x51: {  	[sflag:s31] =	ssyncadd.s32 @p0 $0xFFFFC180;
	s31 =	simm.s32 @p0 $0x1  }
0x52: {  	_ =	swait.ge @p0 [sflag:s31], $0x100  }
0x53: {  	[sflag:s31] =	ssyncset.done @p0 $0x0  }
0x54: {  	[sflag:s31] =	ssyncadd.s32 @p0 $0xFFFFFF00  }
0x55: {  	[tilespmem:s30], [sflag:$0x5] =	stream.indirect.gather @p0 [hbm4b:s1+s5], $0x80, s2, s5, $0xb8;
	[tilespmem:$0x1C400] =	vst v63  }
0x56: {  	s0 =	sadd.s32 @p0 $0xA0, s0;
	s5 =	simm.s32 @p0 $0x100  }
0x57: {  	[tilespmem:s5], [sflag:$0x2] =	stream.linear.gather @p0 [hbm4b:s0+s2], $0x100, $0x38;
	[tilespmem:$0x1C400] =	vst v63  }
0x58: {  	s0 =	simm.s32 @!p0 $0x5  }
0x59: {  	_ =	swait.ge @!p0 [sflag:s0], $0x3E80  }
0x5a: {  	s2 =	simm.s32 @!p0 $0x400;
	[sflag:s0] =	ssyncset.done @!p0 $0x0  }
0x5b: {  	s5 =	simm.s32 @!p0 $0x7D;
	[sflag:s0] =	ssyncadd.s32 @!p0 $0xFFFFC180;
	s0 =	simm.s32 @!p0 $0x280  }
0x5c: {  	[spmem:s3] =	stream.indirect.scatter.add.f32 @!p0 [tilespmem:s2], [sflag:$0x7], $0x80, s0, s5, $0xb8;
	[tilespmem:$0x1C400] =	vst v63  }
0x5d: {  	s0 =	simm.s32 @!p0 $0x7  }
0x5e: {  	_ =	swait.ge @!p0 [sflag:s0], $0x3E80  }
0x5f: {  	[sflag:s0] =	ssyncset.done @!p0 $0x0  }
0x60: {  	[sflag:s0] =	ssyncadd.s32 @!p0 $0xFFFFC180  }
0x61: {  	p1 =	por $0x0, $0x0;
	s31 =	simm.s32 $0x100;
	_ =	swait.ge [sflag:s25], $0x3E80  }
0x62: {  	s30 =	simm.s32 $0x80;
	[sflag:s25] =	ssyncset.done $0x0;
	s2 =	rddreg [dreg:$0x7]  }
.LBB2_2:
0x63: {  	s5 =	simm.s32 @!p1 $0x8;
	[sflag:s25] =	ssyncadd.s32 $0xFFFFC180  }
0x64: {  	[spmem:s3] =	stream.indirect.scatter.add.f32 [tilespmem:s19], [sflag:$0x8], $0x80, s2, s15, $0xb8;
	[tilespmem:$0x1C400] =	vst v63  }
0x65: {  	_ =	swait.ge @!p1 [sflag:s5], $0x3E80  }
0x66: {  	[sflag:s5] =	ssyncset.done @!p1 $0x0  }
0x67: {  	[sflag:s5] =	ssyncadd.s32 @!p1 $0xFFFFC180  }
0x68: {  	_ =	swait.ge [sflag:s18], $0x100  }
0x69: {  	[sflag:s18] =	ssyncset.done $0x0  }
0x6a: {  	s5 =	sadd.s32 s30, s11;
	[sflag:s18] =	ssyncadd.s32 $0xFFFFFF00  }
0x6b: {  	[tilespmem:s19], [sflag:$0x6] =	stream.indirect.gather [hbm4b:s1+s15], $0x80, s17, s15, $0xb8;
	[tilespmem:$0x1C400] =	vst v63  }
0x6c: {  	s2 =	sadd.s32 $0x40, s5  }
0x6d: {  	[tilespmem:s20], [sflag:$0x3] =	stream.linear.gather [hbm4b:s2+s4], $0x100, $0x38;
	[tilespmem:$0x1C400] =	vst v63  }
0x6e: {  	_ =	swait.ge [sflag:s21], $0x3E80  }
0x6f: {  	[sflag:s21] =	ssyncset.done $0x0  }
0x70: {  	s6 =	rddreg [dreg:$0x5];
	[sflag:s21] =	ssyncadd.s32 $0xFFFFC180  }
0x71: {  	[spmem:s3] =	stream.indirect.scatter.add.f32 [tilespmem:s16], [sflag:$0x7], $0x80, s6, s15, $0xb8;
	[tilespmem:$0x1C400] =	vst v63  }
0x72: {  	_ =	swait.ge [sflag:s22], $0x3E80  }
0x73: {  	[sflag:s22] =	ssyncset.done $0x0  }
0x74: {  	[sflag:s22] =	ssyncadd.s32 $0xFFFFC180  }
0x75: {  	_ =	swait.ge [sflag:s23], $0x100  }
0x76: {  	[sflag:s23] =	ssyncset.done $0x0  }
0x77: {  	s8 =	rddreg [dreg:$0x4];
	[sflag:s23] =	ssyncadd.s32 $0xFFFFFF00  }
0x78: {  	[tilespmem:s16], [sflag:$0x5] =	stream.indirect.gather [hbm4b:s1+s15], $0x80, s20, s15, $0xb8;
	[tilespmem:$0x1C400] =	vst v63  }
0x79: {  	s2 =	sadd.s32 s30, s8  }
0x7a: {  	[tilespmem:s24], [sflag:$0x4] =	stream.linear.gather [hbm4b:s2+s4], $0x100, $0x38;
	[tilespmem:$0x1C400] =	vst v63  }
0x7b: {  	_ =	swait.ge [sflag:s25], $0x3E80  }
0x7c: {  	[sflag:s25] =	ssyncset.done $0x0  }
0x7d: {  	s9 =	rddreg [dreg:$0x6];
	[sflag:s25] =	ssyncadd.s32 $0xFFFFC180  }
0x7e: {  	[spmem:s3] =	stream.indirect.scatter.add.f32 [tilespmem:s19], [sflag:$0x8], $0x80, s9, s15, $0xb8;
	[tilespmem:$0x1C400] =	vst v63  }
0x7f: {  	_ =	swait.ge [sflag:s26], $0x3E80  }
0x80: {  	[sflag:s26] =	ssyncset.done $0x0  }
0x81: {  	[sflag:s26] =	ssyncadd.s32 $0xFFFFC180  }
0x82: {  	_ =	swait.ge [sflag:s28], $0x100  }
0x83: {  	p1 =	sne.s32 s30, $0x980;
	[sflag:s28] =	ssyncset.done $0x0  }
0x84: {  	s2 =	sadd.s32 @p1 s30, s11;
	[sflag:s28] =	ssyncadd.s32 $0xFFFFFF00  }
0x85: {  	[tilespmem:s19], [sflag:$0x6] =	stream.indirect.gather [hbm4b:s1+s15], $0x80, s24, s15, $0xb8;
	[tilespmem:$0x1C400] =	vst v63  }
0x86: {  	s5 =	simm.s32 @p1 $0x0;
	s8 =	simm.s32 @p1 $0x5;
	s30 =	sadd.s32 @p1 $0x80, s2  }
0x87: {  	[tilespmem:s5], [sflag:$0x1] =	stream.linear.gather @p1 [hbm4b:s30+s5], $0x100, $0x38;
	[tilespmem:$0x1C400] =	vst v63  }
0x88: {  	s0 =	smov.u32 s31;
	s6 =	simm.s32 @p1 $0x280;
	_ =	swait.ge @p1 [sflag:s8], $0x3E80  }
0x89: {  	s9 =	simm.s32 @p1 $0x400;
	s30 =	smov.u32 s0;
	[sflag:s8] =	ssyncset.done @p1 $0x0  }
0x8a: {  	s0 =	simm.s32 @p1 $0x7D;
	[sflag:s8] =	ssyncadd.s32 @p1 $0xFFFFC180;
	s8 =	simm.s32 @p1 $0x7  }
0x8b: {  	[spmem:s3] =	stream.indirect.scatter.add.f32 @p1 [tilespmem:s9], [sflag:$0x7], $0x80, s6, s0, $0xb8;
	[tilespmem:$0x1C400] =	vst v63  }
0x8c: {  	_ =	swait.ge @p1 [sflag:s8], $0x3E80  }
0x8d: {  	[sflag:s8] =	ssyncset.done @p1 $0x0  }
0x8e: {  	s6 =	simm.s32 @p1 $0x1;
	[sflag:s8] =	ssyncadd.s32 @p1 $0xFFFFC180  }
0x8f: {  	_ =	swait.ge @p1 [sflag:s6], $0x100  }
0x90: {  	[sflag:s6] =	ssyncset.done @p1 $0x0  }
0x91: {  	s31 =	sadd.s32 $0x80, s31;
	[sflag:s6] =	ssyncadd.s32 @p1 $0xFFFFFF00  }
0x92: {  	[tilespmem:s9], [sflag:$0x5] =	stream.indirect.gather @p1 [hbm4b:s1+s0], $0x80, s5, s0, $0xb8;
	[tilespmem:$0x1C400] =	vst v63  }
0x93: {  	s2 =	sadd.s32 @p1 $0xA0, s2;
	s6 =	simm.s32 @p1 $0x100;
	s0 =	simm.s32 @!p1 $0x5  }
0x94: {  	[tilespmem:s6], [sflag:$0x2] =	stream.linear.gather @p1 [hbm4b:s2+s5], $0x100, $0x38;
	[tilespmem:$0x1C400] =	vst v63  }
0x95: {  	p0 =	sne.s32 s31, $0xA00;
	_ =	swait.ge @!p1 [sflag:s0], $0x3E80  }
0x96: {  	s2 =	simm.s32 @!p1 $0x400;
	s5 =	simm.s32 @!p1 $0x7D;
	[sflag:s0] =	ssyncset.done @!p1 $0x0  }
0x97: {  	s6 =	simm.s32 @!p1 $0x280;
	[sflag:s0] =	ssyncadd.s32 @!p1 $0xFFFFC180;
	s0 =	simm.s32 @!p1 $0x7  }
0x98: {  	[spmem:s3] =	stream.indirect.scatter.add.f32 @!p1 [tilespmem:s2], [sflag:$0x7], $0x80, s6, s5, $0xb8;
	[tilespmem:$0x1C400] =	vst v63  }
.Ltmp0:
0x99: {  	_ =	swait.ge @!p1 [sflag:s0], $0x3E80;
	(pc) =	sbr.rel @p0 .LBB2_2-.Ltmp0, $4  }
0x9a: {  	[sflag:s0] =	ssyncset.done @!p1 $0x0  }
0x9b: {  	[sflag:s0] =	ssyncadd.s32 @!p1 $0xFFFFC180  }
0x9c: {  	_ =	swait.ge [sflag:s25], $0x3E80  }
0x9d: {  	p1 =	seq.s32 s30, $0x0;
	[sflag:s25] =	ssyncset.done $0x0;
	s2 =	rddreg [dreg:$0x7]  }
0x9e: {  	s0 =	simm.s32 @!p1 $0x8;
	[sflag:s25] =	ssyncadd.s32 $0xFFFFC180  }
0x9f: {  	[spmem:s3] =	stream.indirect.scatter.add.f32 [tilespmem:s19], [sflag:$0x8], $0x80, s2, s15, $0xb8;
	[tilespmem:$0x1C400] =	vst v63  }
0xa0: {  	_ =	swait.ge @!p1 [sflag:s0], $0x3E80  }
0xa1: {  	[sflag:s0] =	ssyncset.done @!p1 $0x0  }
0xa2: {  	[sflag:s0] =	ssyncadd.s32 @!p1 $0xFFFFC180  }
0xa3: {  	_ =	swait.ge [sflag:s18], $0x100  }
0xa4: {  	[sflag:s18] =	ssyncset.done $0x0  }
0xa5: {  	s5 =	sadd.s32 s30, s11;
	[sflag:s18] =	ssyncadd.s32 $0xFFFFFF00  }
0xa6: {  	[tilespmem:s19], [sflag:$0x6] =	stream.indirect.gather [hbm4b:s1+s15], $0x80, s17, s15, $0xb8;
	[tilespmem:$0x1C400] =	vst v63  }
0xa7: {  	s0 =	sadd.s32 $0x40, s5  }
0xa8: {  	[tilespmem:s20], [sflag:$0x3] =	stream.linear.gather [hbm4b:s0+s4], $0x100, $0x38;
	[tilespmem:$0x1C400] =	vst v63  }
0xa9: {  	_ =	swait.ge [sflag:s21], $0x3E80  }
0xaa: {  	[sflag:s21] =	ssyncset.done $0x0  }
0xab: {  	s6 =	rddreg [dreg:$0x5];
	[sflag:s21] =	ssyncadd.s32 $0xFFFFC180  }
0xac: {  	[spmem:s3] =	stream.indirect.scatter.add.f32 [tilespmem:s16], [sflag:$0x7], $0x80, s6, s15, $0xb8;
	[tilespmem:$0x1C400] =	vst v63  }
0xad: {  	_ =	swait.ge [sflag:s22], $0x3E80  }
0xae: {  	[sflag:s22] =	ssyncset.done $0x0  }
0xaf: {  	[sflag:s22] =	ssyncadd.s32 $0xFFFFC180  }
0xb0: {  	_ =	swait.ge [sflag:s23], $0x100  }
0xb1: {  	[sflag:s23] =	ssyncset.done $0x0  }
0xb2: {  	s8 =	rddreg [dreg:$0x4];
	[sflag:s23] =	ssyncadd.s32 $0xFFFFFF00  }
0xb3: {  	[tilespmem:s16], [sflag:$0x5] =	stream.indirect.gather [hbm4b:s1+s15], $0x80, s20, s15, $0xb8;
	[tilespmem:$0x1C400] =	vst v63  }
0xb4: {  	s0 =	sadd.s32 s30, s8  }
0xb5: {  	[tilespmem:s24], [sflag:$0x4] =	stream.linear.gather [hbm4b:s0+s4], $0x100, $0x38;
	[tilespmem:$0x1C400] =	vst v63  }
0xb6: {  	_ =	swait.ge [sflag:s25], $0x3E80  }
0xb7: {  	[sflag:s25] =	ssyncset.done $0x0  }
0xb8: {  	s9 =	rddreg [dreg:$0x6];
	[sflag:s25] =	ssyncadd.s32 $0xFFFFC180  }
0xb9: {  	[spmem:s3] =	stream.indirect.scatter.add.f32 [tilespmem:s19], [sflag:$0x8], $0x80, s9, s15, $0xb8;
	[tilespmem:$0x1C400] =	vst v63  }
0xba: {  	_ =	swait.ge [sflag:s26], $0x3E80  }
0xbb: {  	[sflag:s26] =	ssyncset.done $0x0  }
0xbc: {  	[sflag:s26] =	ssyncadd.s32 $0xFFFFC180  }
0xbd: {  	_ =	swait.ge [sflag:s28], $0x100  }
0xbe: {  	p0 =	sne.s32 s30, $0x980;
	[sflag:s28] =	ssyncset.done $0x0  }
0xbf: {  	s0 =	sadd.s32 @p0 s30, s11;
	[sflag:s28] =	ssyncadd.s32 $0xFFFFFF00  }
0xc0: {  	[tilespmem:s19], [sflag:$0x6] =	stream.indirect.gather [hbm4b:s1+s15], $0x80, s24, s15, $0xb8;
	[tilespmem:$0x1C400] =	vst v63  }
0xc1: {  	s2 =	simm.s32 @p0 $0x0;
	s6 =	simm.s32 @p0 $0x5;
	s5 =	sadd.s32 @p0 $0x80, s0  }
0xc2: {  	[tilespmem:s2], [sflag:$0x1] =	stream.linear.gather @p0 [hbm4b:s5+s2], $0x100, $0x38;
	[tilespmem:$0x1C400] =	vst v63  }
0xc3: {  	_ =	swait.ge @p0 [sflag:s6], $0x3E80  }
0xc4: {  	s8 =	simm.s32 @p0 $0x7D;
	[sflag:s6] =	ssyncset.done @p0 $0x0  }
0xc5: {  	s5 =	simm.s32 @p0 $0x400;
	[sflag:s6] =	ssyncadd.s32 @p0 $0xFFFFC180;
	s6 =	simm.s32 @p0 $0x280  }
0xc6: {  	[spmem:s3] =	stream.indirect.scatter.add.f32 @p0 [tilespmem:s5], [sflag:$0x7], $0x80, s6, s8, $0xb8;
	[tilespmem:$0x1C400] =	vst v63  }
0xc7: {  	s6 =	simm.s32 @p0 $0x7  }
0xc8: {  	_ =	swait.ge @p0 [sflag:s6], $0x3E80  }
0xc9: {  	[sflag:s6] =	ssyncset.done @p0 $0x0  }
0xca: {  	[sflag:s6] =	ssyncadd.s32 @p0 $0xFFFFC180;
	s6 =	simm.s32 @p0 $0x1  }
0xcb: {  	_ =	swait.ge @p0 [sflag:s6], $0x100  }
0xcc: {  	[sflag:s6] =	ssyncset.done @p0 $0x0  }
0xcd: {  	[sflag:s6] =	ssyncadd.s32 @p0 $0xFFFFFF00  }
0xce: {  	[tilespmem:s5], [sflag:$0x5] =	stream.indirect.gather @p0 [hbm4b:s1+s8], $0x80, s2, s8, $0xb8;
	[tilespmem:$0x1C400] =	vst v63  }
0xcf: {  	s0 =	sadd.s32 @p0 $0xA0, s0;
	s5 =	simm.s32 @p0 $0x100  }
0xd0: {  	[tilespmem:s5], [sflag:$0x2] =	stream.linear.gather @p0 [hbm4b:s0+s2], $0x100, $0x38;
	[tilespmem:$0x1C400] =	vst v63  }
0xd1: {  	s0 =	simm.s32 @!p0 $0x5  }
0xd2: {  	_ =	swait.ge @!p0 [sflag:s0], $0x3E80  }
0xd3: {  	s2 =	simm.s32 @!p0 $0x400;
	[sflag:s0] =	ssyncset.done @!p0 $0x0  }
0xd4: {  	s5 =	simm.s32 @!p0 $0x7D;
	[sflag:s0] =	ssyncadd.s32 @!p0 $0xFFFFC180;
	s0 =	simm.s32 @!p0 $0x280  }
0xd5: {  	[spmem:s3] =	stream.indirect.scatter.add.f32 @!p0 [tilespmem:s2], [sflag:$0x7], $0x80, s0, s5, $0xb8;
	[tilespmem:$0x1C400] =	vst v63  }
0xd6: {  	s0 =	simm.s32 @!p0 $0x7  }
0xd7: {  	_ =	swait.ge @!p0 [sflag:s0], $0x3E80  }
0xd8: {  	[sflag:s0] =	ssyncset.done @!p0 $0x0  }
0xd9: {  	[sflag:s0] =	ssyncadd.s32 @!p0 $0xFFFFC180  }
0xda: {  	_ =	swait.ge [sflag:s25], $0x3E80  }
0xdb: {  	[sflag:s25] =	ssyncset.done $0x0  }
0xdc: {  	s30 =	rddreg [dreg:$0x7];
	[sflag:s25] =	ssyncadd.s32 $0xFFFFC180  }
0xdd: {  	[spmem:s3] =	stream.indirect.scatter.add.f32 [tilespmem:s19], [sflag:$0x8], $0x80, s30, s15, $0xb8;
	[tilespmem:$0x1C400] =	vst v63  }
0xde: {  	_ =	swait.ge [sflag:s26], $0x3E80  }
0xdf: {  	[sflag:s26] =	ssyncset.done $0x0  }
0xe0: {  	s29 =	sadd.s32 $0x1, s29;
	[sflag:s26] =	ssyncadd.s32 $0xFFFFC180  }
0xe1: {  	p0 =	sne.s32 s29, s10;
	[bflag:$0x0] =	sbarrier.arrive $0xFFFF  }
.Ltmp1:
0xe2: {  	s31 =	rddreg [dreg:$0xb];
	(pc) =	sbr.rel @p0 .LBB2_1-.Ltmp1, $4  }
0xe3: {  	[hbm:s31], [sflag:s7] =	dma.local [spmem:s12], $0x2800  }
0xe4: {  	_ =	swait.ge [sflag:s13], $0x2800  }
0xe5: {  	[sflag:s13] =	ssyncset.done $0x0  }
0xe6: {  	[sflag:s13] =	ssyncadd.s32 $0xFFFFD800  }
0xe7: {  	_ =	sfence.sel $0x180000  }
0xe8: {  	[bflag:$0x0] =	sbarrier.arrive $0xFFFF  }
0xe9: {  	_ =	strace $0x9000004D  }
0xea: {  	s0 =	stileid.u32;
	[bflag:$0x2] =	sbarrier.arrive $0xFFFF  }
0xeb: {  	p0 =	sne.s32 s0, $0x0;
	s0 =	rddreg [dreg:$0x3]  }
0xec: {  	s0 =	sadd.s32 @!p0 $0x100000, s0  }
0xed: {  	[sflag:s0] =	ssyncadd.tile.s32 @!p0 $0x1;
	_ =	shalt  }
.Lfunc_end2:
_tile_overlayer_lowered:
.L_overlay_start_2:
0xee: {  	(tag) =	ssettag $0x2  }
0xef: {  	s0 =	rddreg [dreg:$0x0];
	s2 =	stileid.u32  }
0xf0: {  	s1 =	rddreg [dreg:$0x1];
	p0 =	sne.s32 s2, $0x0  }
0xf1: {  	s3 =	rddreg [dreg:$0x2];
	[bflag:$0x3] =	sbarrier.arrive $0xFFFF;
	s2 =	simm.s32 @!p0 $0x1C09  }
0xf2: {  	[timem:s3], [sflag:s2] =	dma.local @!p0 [hbm:s0], s1  }
0xf3: {  	s0 =	simm.s32 @!p0 $0x9  }
0xf4: {  	_ =	swait.ge @!p0 [sflag:s0], s1  }
0xf5: {  	s1 =	ssub.s32 @!p0 $0x0, s1;
	[sflag:s0] =	ssyncset.done @!p0 $0x0  }
0xf6: {  	[sflag:s0] =	ssyncadd.s32 @!p0 s1  }
0xf7: {  	[bflag:$0x3] =	sbarrier.arrive $0xFFFF  }
0xf8: {  	_ =	shalt  }

// kernel: kernel.8.cloned.1.call-start
scs
__scs_entry_jumppad:
0x0: {  	(pc) =	sbr.rel $0x88, $3  }
0x1: {  	(tag) =	ssettag $0x0;
	lr =	simm.s32 $0x1  }
0x2: {  	[smem:$0x3F9B] =	sst lr;
	_ =	strace $0xD0000000  }
0x3: {  	_ = 	snop  }
0x4: {  	_ = 	snop  }
0x5: {  	_ = 	snop  }
0x6: {  	_ = 	snop  }
0x7: {  	_ = 	snop  }
__scs_overlays_trampoline_lowered:
0x8: {  	[smem:$0x3FAA] =	sst s0  }
0x9: {  	[smem:$0x3FAB] =	sst s1  }
0xa: {  	[smem:$0x3FAC] =	sst s2  }
0xb: {  	[smem:$0x3FAD] =	sst s3  }
0xc: {  	[smem:$0x3FAE] =	sst s4  }
0xd: {  	[smem:$0x3FAF] =	sst s5  }
0xe: {  	[smem:$0x3FB0] =	sst s6  }
0xf: {  	[smem:$0x3FB1] =	sst s7  }
0x10: {  	[smem:$0x3FB2] =	sst s8  }
0x11: {  	[smem:$0x3FB3] =	sst s9;
	s0 =	simm.s32 @!p0 $0x0  }
0x12: {  	s1 =	sld [smem:$0x3F99];
	s0 =	simm.s32 @p0 $0x1  }
0x13: {  	[smem:$0x3FB4] =	sst s0;
	s0 =	simm.s32 @!p1 $0x0  }
0x14: {  	s2 =	sld [smem:$0x3F98];
	s0 =	simm.s32 @p1 $0x1  }
0x15: {  	[smem:$0x3FB5] =	sst s0;
	s0 =	simm.s32 @!p2 $0x0  }
0x16: {  	s3 =	sld [smem:$0x3FDB];
	s0 =	simm.s32 @p2 $0x1  }
0x17: {  	s4 =	simm.s32 $0x1BF5;
	[smem:$0x3FB7] =	sst s0  }
0x18: {  	s0 =	sld [smem:$0x3F9A];
	_ =	swait.ge [sflag:s4], $0x0  }
0x19: {  	s7 =	sld [smem:$0x3F9B]  }
0x1a: {  	s8 =	sadd.s32 $0xFFFFE003, lr  }
0x1b: {  	s9 =	sadd.s32 $0xFFFFFEF7, lr;
	s5 =	simm.s32 $0xFFFFFFFF;
	p2 =	slt.u32 s8, $0xFFFFF086  }
0x1c: {  	p1 =	slt.u32 s9, $0xF7A;
	s5 =	simm.s32 @!p2 $0x0  }
0x1d: {  	s5 =	simm.s32 @p1 $0x1;
	p0 =	seq.s32 s7, s2  }
0x1e: {  	s7 =	smul.u32 @!p0 $0xF7A, s2;
	p2 =	seq.s32 @!p0 s5, $0x0  }
0x1f: {  	s9 =	smul.u32 $0xF7A, s1;
	s8 =	simm.s32 @!p0 $0x1BF5;
	p2 =	por !p2, p0  }
0x20: {  	[sflag:s8] =	ssyncset.s32 @!p0 $0xFFFFF086;
	s6 =	sadd.s32 @!p0 s3, s7;
	s7 =	simm.s32 @!p0 $0x108  }
0x21: {  	s3 =	sadd.s32 s3, s9;
	s6 =	sadd.s32 @!p0 $0x88, s6;
	s7 =	simm.s32 @p2 $0x1082  }
0x22: {  	[simem:s7], [sflag:s8] =	dma.local @!p0 [hbm:s6], $0xF7A  }
0x23: {  	s9 =	sor.u32 $0xD0000000, s2;
	s6 =	simm.s32 $0x108;
	_ =	swait.ge @!p0 [sflag:s8], $0x0  }
0x24: {  	s3 =	sadd.s32 $0x88, s3;
	s6 =	simm.s32 @!p1 $0x1082;
	[sflag:s4] =	ssyncset.s32 $0xFFFFF086  }
0x25: {  	[simem:s6], [sflag:s4] =	dma.local [hbm:s3], $0xF7A  }
0x26: {  	[smem:$0x3F9B] =	sst s1;
	(tag) =	ssettag s2;
	_ =	strace s9  }
0x27: {  	s1 =	sld [smem:$0x3FAB]  }
0x28: {  	s2 =	sld [smem:$0x3FAC]  }
0x29: {  	s4 =	sld [smem:$0x3FAE]  }
0x2a: {  	p0 =	seq.s32 s5, $0x0;
	s5 =	sld [smem:$0x3FAF]  }
0x2b: {  	s6 =	sld [smem:$0x3FB0]  }
0x2c: {  	s7 =	sld [smem:$0x3FB1]  }
0x2d: {  	s3 =	simm.s32 $0x108;
	s8 =	sld [smem:$0x3FB2]  }
0x2e: {  	s3 =	simm.s32 @!p0 $0x1082;
	s9 =	sld [smem:$0x3FB3]  }
0x2f: {  	lr =	sadd.s32 s0, s3;
	s0 =	sld [smem:$0x3FAA]  }
0x30: {  	s3 =	sld [smem:$0x3FAD]  }
0x31: {  	[smem:$0x3FB6] =	sst s10  }
0x32: {  	s10 =	sld [smem:$0x3FB4];
	_ =	sdelay $0x3  }
0x33: {  	p0 =	seq.s32 s10, $0x1;
	s10 =	sld [smem:$0x3FB6];
	_ =	sdelay $0x3  }
0x34: {  	[smem:$0x3FB6] =	sst s10  }
0x35: {  	s10 =	sld [smem:$0x3FB5];
	_ =	sdelay $0x3  }
0x36: {  	p1 =	seq.s32 s10, $0x1;
	s10 =	sld [smem:$0x3FB6];
	_ =	sdelay $0x3  }
0x37: {  	[smem:$0x3FB6] =	sst s10  }
0x38: {  	s10 =	sld [smem:$0x3FB7]  }
0x39: {  	_ = 	snop;
	(pc) =	sbr.ind lr, $3  }
0x3a: {  	_ = 	snop  }
0x3b: {  	_ = 	snop  }
0x3c: {  	p2 =	seq.s32 s10, $0x1;
	s10 =	sld [smem:$0x3FB6]  }
0x3d: {  	_ =	shalt  }
0x3e: {  	_ =	shalt  }
0x3f: {  	_ =	shalt  }
0x40: {  	_ =	shalt  }
0x41: {  	_ =	shalt  }
0x42: {  	_ =	shalt  }
0x43: {  	_ =	shalt  }
0x44: {  	_ =	shalt  }
0x45: {  	_ =	shalt  }
0x46: {  	_ =	shalt  }
0x47: {  	_ =	shalt  }
0x48: {  	_ =	shalt  }
0x49: {  	_ =	shalt  }
0x4a: {  	_ =	shalt  }
0x4b: {  	_ =	shalt  }
0x4c: {  	_ =	shalt  }
0x4d: {  	_ =	shalt  }
0x4e: {  	_ =	shalt  }
0x4f: {  	_ =	shalt  }
0x50: {  	_ =	shalt  }
0x51: {  	_ =	shalt  }
0x52: {  	_ =	shalt  }
0x53: {  	_ =	shalt  }
0x54: {  	_ =	shalt  }
0x55: {  	_ =	shalt  }
0x56: {  	_ =	shalt  }
0x57: {  	_ =	shalt  }
0x58: {  	_ =	shalt  }
0x59: {  	_ =	shalt  }
0x5a: {  	_ =	shalt  }
0x5b: {  	_ =	shalt  }
0x5c: {  	_ =	shalt  }
0x5d: {  	_ =	shalt  }
0x5e: {  	_ =	shalt  }
0x5f: {  	_ =	shalt  }
0x60: {  	_ =	shalt  }
0x61: {  	_ =	shalt  }
0x62: {  	_ =	shalt  }
0x63: {  	_ =	shalt  }
0x64: {  	_ =	shalt  }
0x65: {  	_ =	shalt  }
0x66: {  	_ =	shalt  }
0x67: {  	_ =	shalt  }
0x68: {  	_ =	shalt  }
0x69: {  	_ =	shalt  }
0x6a: {  	_ =	shalt  }
0x6b: {  	_ =	shalt  }
0x6c: {  	_ =	shalt  }
0x6d: {  	_ =	shalt  }
0x6e: {  	_ =	shalt  }
0x6f: {  	_ =	shalt  }
0x70: {  	_ =	shalt  }
0x71: {  	_ =	shalt  }
0x72: {  	_ =	shalt  }
0x73: {  	_ =	shalt  }
0x74: {  	_ =	shalt  }
0x75: {  	_ =	shalt  }
0x76: {  	_ =	shalt  }
0x77: {  	_ =	shalt  }
0x78: {  	_ =	shalt  }
0x79: {  	_ =	shalt  }
0x7a: {  	_ =	shalt  }
0x7b: {  	_ =	shalt  }
0x7c: {  	_ =	shalt  }
0x7d: {  	_ =	shalt  }
0x7e: {  	_ =	shalt  }
0x7f: {  	_ =	shalt  }
0x80: {  	_ =	shalt  }
0x81: {  	_ =	shalt  }
0x82: {  	_ =	shalt  }
0x83: {  	_ =	shalt  }
0x84: {  	_ =	shalt  }
0x85: {  	_ =	shalt  }
0x86: {  	_ =	shalt  }
0x87: {  	_ =	shalt  }
.Lfunc_end0:
.L_simem_size_0:
called_computation_lowered:
.L_overlay_start_0:
0x88: {  	s2 =	sld [smem:$0x3FD9]  }
0x89: {  	s3 =	sld [smem:$0x3FFE];
	_ =	sdelay $0x1  }
0x8a: {  	s1 =	srdreg.scid  }
0x8b: {  	s0 =	sand.u32 $0x1, s1  }
0x8c: {  	s17 =	sshll.u32 s0, $0xA;
	s2 =	sadd.s32 s3, s2  }
0x8d: {  	s2 =	sadd.s32 s2, s17  }
0x8e: {  	[smem:$0x3FC2] =	sst s2  }
0x8f: {  	_ = 	snop  }
0x90: {  	s2 =	sld [smem:$0x3FD0];
	(tm) =	ssettm $0x1  }
0x91: {  	s18 =	sld [smem:$0x3FFB];
	_ =	sdelay $0x3  }
0x92: {  	_ =	strace s18  }
0x93: {  	s3 =	sld [smem:$0x3FFC];
	_ =	sdelay $0x3  }
0x94: {  	_ =	strace s3  }
0x95: {  	s3 =	sld [smem:$0x3FFD];
	_ =	sdelay $0x3  }
0x96: {  	_ =	strace s3  }
0x97: {  	_ =	strace $0x8FFFFFFF  }
0x98: {  	s19 =	sld [smem:$0x3FDB];
	_ =	sdelay $0x1  }
0x99: {  	s4 =	simm.s32 $_scs_section_size  }
0x9a: {  	s5 =	simm.s32 $_size__tile_overlayer_lowered;
	s6 =	simm.s32 $_tile_overlayer_lowered  }
0x9b: {  	s22 =	simm.s32 $0x1BFF;
	s21 =	sshll.u32 s6, $0x1;
	s3 =	sadd.s32 s4, s19  }
0x9c: {  	s7 =	simm.s32 $0x0;
	s20 =	sshll.u32 s5, $0x1;
	s5 =	sadd.s32 s21, s3  }
0x9d: {  	[timem:s7], [sflag:s22] =	dma.local [hbm:s5], s20  }
0x9e: {  	_ =	swait.ge [sflag:s22], s20  }
0x9f: {  	s4 =	ssub.s32 $0x0, s20;
	[sflag:s22] =	ssyncset.done $0x0  }
0xa0: {  	[sflag:s22] =	ssyncadd.s32 s4;
	_ =	sdelay $0x1  }
0xa1: {  	s23 =	simm.s32 $0x1B8B  }
0xa2: {  	_ =	swait.ge [sflag:s23], $0x1  }
0xa3: {  	[sflag:s23] =	ssyncset.done $0x0  }
0xa4: {  	s25 =	simm.s32 $0x1B8E;
	s24 =	sld [smem:$0x3FFE];
	[sflag:s23] =	ssyncadd.s32 $0xFFFFFFFF  }
0xa5: {  	s26 =	simm.s32 $execute0_lowered;
	[smem:$0x3FD2] =	sst s25  }
0xa6: {  	s5 =	sshll.u32 s26, $0x1;
	_ =	strace $0x80000046;
	[dreg:$0x1] =	wrdreg $0xFFFFFFFF  }
0xa7: {  	s28 =	simm.s32 $_size_execute0_lowered;
	s3 =	sadd.s32 s3, s5;
	[dreg:$0x0] =	wrdreg $0x0  }
0xa8: {  	s5 =	sshll.u32 s28, $0x1;
	[dreg:$0x2] =	wrdreg s3  }
0xa9: {  	[dreg:$0x3] =	wrdreg s5  }
0xaa: {  	[dreg:$0x4] =	wrdreg $0xC0  }
0xab: {  	_ =	task [dreg:s7], $0x5FFFF  }
0xac: {  	[dreg:$0x1] =	wrdreg $0xFFFFFFFF  }
0xad: {  	[dreg:$0x0] =	wrdreg $0x60  }
0xae: {  	[dreg:$0x2] =	wrdreg s2  }
0xaf: {  	[dreg:$0x3] =	wrdreg s24  }
0xb0: {  	[dreg:$0x4] =	wrdreg $0x28800  }
0xb1: {  	[dreg:$0x5] =	wrdreg $0x9  }
0xb2: {  	_ =	task.clear_ibuf [dreg:s7], $0x6FFFF;
	_ =	strace $0x90000046  }
0xb3: {  	s29 =	simm.s32 $0x9;
	_ =	strace $0x80000048  }
0xb4: {  	_ =	swait.ge [sflag:s29], $0x1  }
0xb5: {  	[sflag:s29] =	ssyncadd.s32 $0xFFFFFFFF  }
0xb6: {  	_ =	strace $0x90000048  }
0xb7: {  	_ =	sfence  }
0xb8: {  	s30 =	sld [smem:$0x0];
	_ =	sdelay $0x2  }
0xb9: {  	s31 =	sshll.u32 s1, $0xD;
	s1 =	sshrl.u32 s1, $0x2  }
0xba: {  	s3 =	sand.u32 $0x4000, s31;
	s1 =	sadd.s32 s1, s30  }
0xbb: {  	s0 =	sor.u32 s3, s0;
	s1 =	sshll.u32 s1, $0x11  }
0xbc: {  	s0 =	sor.u32 s1, s0  }
0xbd: {  	s0 =	sadd.s32 $0x8F2B, s0  }
0xbe: {  	[sflag:s0] =	ssyncadd.remote.s32 $0x1  }
0xbf: {  	_ =	sfence.sel $0xFFFF  }
0xc0: {  	[dreg:$0x0] =	wrdreg $0xFFFFFFFF;
	(pc) =	sbr.abs _section_cstart, $3  }
0xc1: {  	[dreg:$0x1] =	wrdreg $0xFFFFFFFF  }
0xc2: {  	_ =	task.clear_ibuf [dreg:s7], $0x2FFFF;
	_ =	strace $0x9FFFFFFF  }
0xc3: {  	(tm) =	ssettm $0x7FFFFFFF  }
tec
execute0_lowered:
.L_overlay_start_1:
0x0: {  	(tag) =	ssettag $0x1  }
0x1: {  	s6 =	rddreg [dreg:$0x0]  }
0x2: {  	s7 =	rddreg [dreg:$0x1]  }
0x3: {  	s2 =	rddreg [dreg:$0x2]  }
0x4: {  	s0 =	rddreg [dreg:$0x3];
	s4 =	srdreg.scid  }
0x5: {  	s1 =	stileid.u32;
	s3 =	simm.s32 $0x0;
	s13 =	simm.s32 $0x7D  }
0x6: {  	s14 =	simm.s32 $0x80;
	s15 =	simm.s32 $0x100;
	s16 =	simm.s32 $0x180  }
0x7: {  	s17 =	simm.s32 $0x1;
	s18 =	simm.s32 $0x2;
	s19 =	simm.s32 $0x3  }
0x8: {  	s20 =	simm.s32 $0x4;
	s21 =	simm.s32 $0x0;
	s5 =	sand.u32 $0x1, s4  }
0x9: {  	s8 =	smul.u32 $0x280, s1;
	[smem:$0x7FF] =	sst s3;
	s4 =	sadd.s32 $0x2A00, s7  }
0xa: {  	s31 =	sshll.u32 s1, $0x6;
	s9 =	smul.u32 $0x2800, s5;
	_ =	strace $0x80000047  }
0xb: {  	s10 =	sshll.u32 s5, $0x4;
	s11 =	ssub.s32 $0x2, s5;
	s5 =	sadd.s32 $0x2C00, s7  }
0xc: {  	s26 =	sor.u32 s1, s10;
	s28 =	sshrl.u32 s11, $0x1;
	s30 =	sadd.s32 s8, s2  }
0xd: {  	s10 =	simm.s32 $0x2800;
	s9 =	sadd.s32 s8, s9;
	s12 =	smul.u32 $0x500, s26  }
0xe: {  	s29 =	ssub.s32 s11, s28;
	s11 =	sor.u32 $0x1C05, s31;
	s9 =	sshrl.u32 s9, $0x3  }
0xf: {  	s8 =	smax.u32 s29, $0x1;
	s7 =	sadd.s32 s9, s7;
	s6 =	sadd.s32 s6, s12  }
0x10: {  	s9 =	simm.s32 $0x5;
	s12 =	sshrl.u32 s30, $0x3;
	s7 =	sadd.s32 $0x2E00, s7  }
.LBB2_1:
0x11: {  	[tilespmem:s3], [sflag:$0x5] =	stream.linear.gather [hbm4b:s6+s3], $0x2800, $0x38;
	[tilespmem:$0x2B00] =	vst v63  }
0x12: {  	_ =	swait.ge [sflag:s9], $0x2800  }
0x13: {  	[sflag:s9] =	ssyncset.done $0x0  }
0x14: {  	[sflag:s9] =	ssyncadd.s32 $0xFFFFD800  }
0x15: {  	[tilespmem:s10], [sflag:$0x5] =	stream.linear.gather [hbm4b:s4+s3], $0x80, $0x38;
	[tilespmem:$0x2B00] =	vst v63  }
0x16: {  	_ =	swait.ge [sflag:s9], $0x80  }
0x17: {  	[sflag:s9] =	ssyncset.done $0x0  }
0x18: {  	[sflag:s9] =	ssyncadd.s32 $0xFFFFFF80  }
0x19: {  	[spmem:s12], [sflag:s11] =	dma.local [hbm:s5], $0x50  }
0x1a: {  	_ =	swait.ge [sflag:s9], $0x50  }
0x1b: {  	[sflag:s9] =	ssyncset.done $0x0  }
0x1c: {  	[sflag:s9] =	ssyncadd.s32 $0xFFFFFFB0  }
0x1d: {  	[bflag:$0x0] =	sbarrier.arrive $0xFFFF  }
0x1e: {  	[spmem:s2] =	stream.indirect.scatter.add.f32 [tilespmem:s10], [sflag:$0x1], $0x1, s3, s13, $0xb8;
	[tilespmem:$0x2B00] =	vst v63  }
0x1f: {  	_ = 	snop  }
0x20: {  	[spmem:s2] =	stream.indirect.scatter.add.f32 [tilespmem:s10], [sflag:$0x2], $0x1, s14, s13, $0xb8;
	[tilespmem:$0x2B00] =	vst v63  }
0x21: {  	_ = 	snop  }
0x22: {  	[spmem:s2] =	stream.indirect.scatter.add.f32 [tilespmem:s10], [sflag:$0x3], $0x1, s15, s13, $0xb8;
	[tilespmem:$0x2B00] =	vst v63  }
0x23: {  	_ = 	snop  }
0x24: {  	[spmem:s2] =	stream.indirect.scatter.add.f32 [tilespmem:s10], [sflag:$0x4], $0x1, s16, s13, $0xb8;
	[tilespmem:$0x2B00] =	vst v63  }
0x25: {  	_ =	swait.ge [sflag:s17], $0x7D  }
0x26: {  	[sflag:s17] =	ssyncset.done $0x0  }
0x27: {  	s22 =	simm.s32 $0x200;
	[sflag:s17] =	ssyncadd.s32 $0xFFFFFF83  }
0x28: {  	[spmem:s2] =	stream.indirect.scatter.add.f32 [tilespmem:s10], [sflag:$0x1], $0x1, s22, s13, $0xb8;
	[tilespmem:$0x2B00] =	vst v63  }
0x29: {  	_ =	swait.ge [sflag:s18], $0x7D  }
0x2a: {  	[sflag:s18] =	ssyncset.done $0x0  }
0x2b: {  	s30 =	simm.s32 $0x280;
	[sflag:s18] =	ssyncadd.s32 $0xFFFFFF83  }
0x2c: {  	[spmem:s2] =	stream.indirect.scatter.add.f32 [tilespmem:s10], [sflag:$0x2], $0x1, s30, s13, $0xb8;
	[tilespmem:$0x2B00] =	vst v63  }
0x2d: {  	_ =	swait.ge [sflag:s19], $0x7D  }
0x2e: {  	[sflag:s19] =	ssyncset.done $0x0  }
0x2f: {  	s31 =	simm.s32 $0x300;
	[sflag:s19] =	ssyncadd.s32 $0xFFFFFF83  }
0x30: {  	[spmem:s2] =	stream.indirect.scatter.add.f32 [tilespmem:s10], [sflag:$0x3], $0x1, s31, s13, $0xb8;
	[tilespmem:$0x2B00] =	vst v63  }
0x31: {  	_ =	swait.ge [sflag:s20], $0x7D  }
0x32: {  	[sflag:s20] =	ssyncset.done $0x0  }
0x33: {  	s23 =	simm.s32 $0x380;
	s22 =	simm.s32 $0xFFFF7000;
	[sflag:s20] =	ssyncadd.s32 $0xFFFFFF83  }
.LBB2_2:
0x34: {  	[spmem:s2] =	stream.indirect.scatter.add.f32 [tilespmem:s10], [sflag:$0x4], $0x1, s23, s13, $0xb8;
	[tilespmem:$0x2B00] =	vst v63  }
0x35: {  	s23 =	smov.u32 s22  }
0x36: {  	p0 =	sne.s32 s22, $0xFFFFF800;
	s22 =	sadd.s32 $0x800, s22;
	_ =	swait.ge [sflag:s17], $0x7D  }
0x37: {  	s23 =	sshra.s32 s23, $0x2;
	[sflag:s17] =	ssyncset.done $0x0  }
0x38: {  	s24 =	sadd.s32 $0x2800, s23;
	[sflag:s17] =	ssyncadd.s32 $0xFFFFFF83  }
0x39: {  	[spmem:s2] =	stream.indirect.scatter.add.f32 [tilespmem:s10], [sflag:$0x1], $0x1, s24, s13, $0xb8;
	[tilespmem:$0x2B00] =	vst v63  }
0x3a: {  	_ =	swait.ge [sflag:s18], $0x7D  }
0x3b: {  	[sflag:s18] =	ssyncset.done $0x0  }
0x3c: {  	s24 =	sadd.s32 $0x2880, s23;
	[sflag:s18] =	ssyncadd.s32 $0xFFFFFF83  }
0x3d: {  	[spmem:s2] =	stream.indirect.scatter.add.f32 [tilespmem:s10], [sflag:$0x2], $0x1, s24, s13, $0xb8;
	[tilespmem:$0x2B00] =	vst v63  }
0x3e: {  	_ =	swait.ge [sflag:s19], $0x7D  }
0x3f: {  	[sflag:s19] =	ssyncset.done $0x0  }
.Ltmp0:
0x40: {  	s24 =	sadd.s32 $0x2900, s23;
	[sflag:s19] =	ssyncadd.s32 $0xFFFFFF83;
	(pc) =	sbr.rel @p0 .LBB2_2-.Ltmp0, $4  }
0x41: {  	[spmem:s2] =	stream.indirect.scatter.add.f32 [tilespmem:s10], [sflag:$0x3], $0x1, s24, s13, $0xb8;
	[tilespmem:$0x2B00] =	vst v63  }
0x42: {  	_ =	swait.ge [sflag:s20], $0x7D  }
0x43: {  	[sflag:s20] =	ssyncset.done $0x0  }
0x44: {  	s23 =	sadd.s32 $0x2980, s23;
	[sflag:s20] =	ssyncadd.s32 $0xFFFFFF83  }
0x45: {  	[spmem:s2] =	stream.indirect.scatter.add.f32 [tilespmem:s10], [sflag:$0x4], $0x1, s23, s13, $0xb8;
	[tilespmem:$0x2B00] =	vst v63  }
0x46: {  	_ =	swait.ge [sflag:s17], $0x7D  }
0x47: {  	[sflag:s17] =	ssyncset.done $0x0  }
0x48: {  	[sflag:s17] =	ssyncadd.s32 $0xFFFFFF83  }
0x49: {  	_ =	swait.ge [sflag:s18], $0x7D  }
0x4a: {  	[sflag:s18] =	ssyncset.done $0x0  }
0x4b: {  	[sflag:s18] =	ssyncadd.s32 $0xFFFFFF83  }
0x4c: {  	_ =	swait.ge [sflag:s19], $0x7D  }
0x4d: {  	[sflag:s19] =	ssyncset.done $0x0  }
0x4e: {  	[sflag:s19] =	ssyncadd.s32 $0xFFFFFF83  }
0x4f: {  	_ =	swait.ge [sflag:s20], $0x7D  }
0x50: {  	s21 =	sadd.s32 $0x1, s21;
	[sflag:s20] =	ssyncset.done $0x0  }
0x51: {  	p0 =	sne.s32 s21, s8;
	[sflag:s20] =	ssyncadd.s32 $0xFFFFFF83  }
.Ltmp1:
0x52: {  	[bflag:$0x0] =	sbarrier.arrive $0xFFFF;
	(pc) =	sbr.rel @p0 .LBB2_1-.Ltmp1, $4  }
0x53: {  	[hbm:s7], [sflag:s11] =	dma.local [spmem:s12], $0x50  }
0x54: {  	_ =	swait.ge [sflag:s9], $0x50  }
0x55: {  	[sflag:s9] =	ssyncset.done $0x0  }
0x56: {  	[sflag:s9] =	ssyncadd.s32 $0xFFFFFFB0  }
0x57: {  	_ =	sfence.sel $0x180000  }
0x58: {  	[bflag:$0x0] =	sbarrier.arrive $0xFFFF  }
0x59: {  	p0 =	sne.s32 s1, $0x0;
	_ =	strace $0x90000047  }
0x5a: {  	s0 =	sadd.s32 @!p0 $0x100000, s0;
	[bflag:$0x2] =	sbarrier.arrive $0xFFFF  }
0x5b: {  	[sflag:s0] =	ssyncadd.tile.s32 @!p0 $0x1;
	_ =	shalt  }
.Lfunc_end2:
_tile_overlayer_lowered:
.L_overlay_start_2:
0x5c: {  	(tag) =	ssettag $0x2  }
0x5d: {  	s0 =	rddreg [dreg:$0x0];
	s2 =	stileid.u32  }
0x5e: {  	s1 =	rddreg [dreg:$0x1];
	p0 =	sne.s32 s2, $0x0  }
0x5f: {  	s3 =	rddreg [dreg:$0x2];
	[bflag:$0x3] =	sbarrier.arrive $0xFFFF;
	s2 =	simm.s32 @!p0 $0x1C05  }
0x60: {  	[timem:s3], [sflag:s2] =	dma.local @!p0 [hbm:s0], s1  }
0x61: {  	s0 =	simm.s32 @!p0 $0x5  }
0x62: {  	_ =	swait.ge @!p0 [sflag:s0], s1  }
0x63: {  	s1 =	ssub.s32 @!p0 $0x0, s1;
	[sflag:s0] =	ssyncset.done @!p0 $0x0  }
0x64: {  	[sflag:s0] =	ssyncadd.s32 @!p0 s1  }
0x65: {  	[bflag:$0x3] =	sbarrier.arrive $0xFFFF  }
0x66: {  	_ =	shalt  }

</sc_bundles>
